<compile_context>
chip_gen: v7x
topology: tpu7x:2x2x1
jax: 0.10.2.dev20260603
libtpu: 0.0.44.dev20260713+nightly
codegen_flags: <defaults>
</compile_context>

<pallas_src>
import functools

import jax
import jax.numpy as jnp
from jax import lax
from jax.experimental import pallas as pl
from jax.experimental.pallas import tpu as pltpu
from jax.experimental.pallas import tpu_sc as plsc

B = 8
_NC = 2
_NW = 32



def _fps_body(n, npoint, x_ref, y_ref, z_ref, cx_ref, cy_ref, cz_ref):
    X = x_ref[...]
    Y = y_ref[...]
    Z = z_ref[...]
    lane = lax.broadcasted_iota(jnp.int32, (B, n), 1)

    def step(t, state):
        dist, far = state
        sel = lane == far
        cx = jnp.sum(jnp.where(sel, X, 0.0), axis=1, keepdims=True)
        cy = jnp.sum(jnp.where(sel, Y, 0.0), axis=1, keepdims=True)
        cz = jnp.sum(jnp.where(sel, Z, 0.0), axis=1, keepdims=True)
        dx = X - cx
        dy = Y - cy
        dz = Z - cz
        d = dx * dx + dy * dy
        d = d + dz * dz
        dist = jnp.minimum(dist, d)
        m = jnp.max(dist, axis=1, keepdims=True)
        new_far = jnp.min(jnp.where(dist == m, lane, n), axis=1, keepdims=True)
        tcol = lax.broadcasted_iota(jnp.int32, (B, npoint), 1) == t
        cx_ref[...] = jnp.where(tcol, cx, cx_ref[...])
        cy_ref[...] = jnp.where(tcol, cy, cy_ref[...])
        cz_ref[...] = jnp.where(tcol, cz, cz_ref[...])
        return dist, new_far

    init = (jnp.full((B, n), 1e10, dtype=jnp.float32),
            jnp.zeros((B, 1), dtype=jnp.int32))
    lax.fori_loop(0, npoint, step, init)


def _fps(xp, yp, zp, npoint):
    n = xp.shape[1]
    out = jax.ShapeDtypeStruct((B, npoint), jnp.float32)
    return pl.pallas_call(
        functools.partial(_fps_body, n, npoint),
        out_shape=(out, out, out),
    )(xp, yp, zp)



def _bq1_body(xp_ref, yp_ref, zp_ref, cx_ref, cy_ref, cz_ref, out_ref,
              xv, yv, zv, cxv, cyv, czv, selx, sely, selz,
              sex2, sey2, sez2, outb):
    wid = lax.axis_index("s") * _NC + lax.axis_index("c")
    b = wid // 4
    qg = wid % 4
    pltpu.sync_copy(xp_ref.at[b], xv)
    pltpu.sync_copy(yp_ref.at[b], yv)
    pltpu.sync_copy(zp_ref.at[b], zv)
    pltpu.sync_copy(cx_ref.at[b, pl.ds(qg * 128, 128)], cxv.at[pl.ds(0, 128)])
    pltpu.sync_copy(cy_ref.at[b, pl.ds(qg * 128, 128)], cyv.at[pl.ds(0, 128)])
    pltpu.sync_copy(cz_ref.at[b, pl.ds(qg * 128, 128)], czv.at[pl.ds(0, 128)])

    zeros = jnp.zeros((16,), jnp.float32)

    def zb(i, c):
        outb[pl.ds(i * 16, 16)] = zeros
        return c

    lax.fori_loop(0, 1024, zb, 0)

    r2 = jnp.float32(0.2 ** 2)
    iota = lax.iota(jnp.int32, 16)

    def per_query(qp, c0):
        q0 = qp
        q1 = qp + 64
        cxs0 = cxv[pl.ds(q0, 16)][0]
        cys0 = cyv[pl.ds(q0, 16)][0]
        czs0 = czv[pl.ds(q0, 16)][0]
        cxs1 = cxv[pl.ds(q1, 16)][0]
        cys1 = cyv[pl.ds(q1, 16)][0]
        czs1 = czv[pl.ds(q1, 16)][0]

        def chunk(i, cnts):
            cnt0, cnt1 = cnts
            for j in range(2):
                c = i * 2 + j
                x16 = xv[pl.ds(c * 16, 16)]
                y16 = yv[pl.ds(c * 16, 16)]
                z16 = zv[pl.ds(c * 16, 16)]
                dx0 = x16 - cxs0
                dy0 = y16 - cys0
                dz0 = z16 - czs0
                dx1 = x16 - cxs1
                dy1 = y16 - cys1
                dz1 = z16 - czs1
                d0 = dx0 * dx0 + dy0 * dy0
                d0 = d0 + dz0 * dz0
                d1 = dx1 * dx1 + dy1 * dy1
                d1 = d1 + dz1 * dz1
                msk0 = d0 <= r2
                msk1 = d1 <= r2
                pop0 = plsc.all_reduce_population_count(msk0)[0]
                pop1 = plsc.all_reduce_population_count(msk1)[0]
                plsc.store_compressed(selx.at[pl.ds(cnt0, 16)], dx0, mask=msk0)
                plsc.store_compressed(sely.at[pl.ds(cnt0, 16)], dy0, mask=msk0)
                plsc.store_compressed(selz.at[pl.ds(cnt0, 16)], dz0, mask=msk0)
                plsc.store_compressed(sex2.at[pl.ds(cnt1, 16)], dx1, mask=msk1)
                plsc.store_compressed(sey2.at[pl.ds(cnt1, 16)], dy1, mask=msk1)
                plsc.store_compressed(sez2.at[pl.ds(cnt1, 16)], dz1, mask=msk1)
                cnt0 = cnt0 + pop0
                cnt1 = cnt1 + pop1
            return (cnt0, cnt1)

        tot0, tot1 = lax.fori_loop(0, 128, chunk,
                                   (jnp.int32(0), jnp.int32(0)))
        for q, tot, sx, sy, sz in ((q0, tot0, selx, sely, selz),
                                   (q1, tot1, sex2, sey2, sez2)):
            nsel = jnp.minimum(tot, 32)
            fx = sx[pl.ds(0, 16)][0]
            fy = sy[pl.ds(0, 16)][0]
            fz = sz[pl.ds(0, 16)][0]
            base = q * 128
            for h in (0, 16):
                jdx = iota + h
                m = jdx < nsel
                vx = jnp.where(m, sx[pl.ds(h, 16)], fx)
                vy = jnp.where(m, sy[pl.ds(h, 16)], fy)
                vz = jnp.where(m, sz[pl.ds(h, 16)], fz)
                addr = base + jdx * 4
                plsc.store_scatter(outb, [addr], vx)
                plsc.store_scatter(outb, [addr + 1], vy)
                plsc.store_scatter(outb, [addr + 2], vz)
        return c0

    lax.fori_loop(0, 64, per_query, 0)
    pltpu.sync_copy(outb, out_ref.at[b, pl.ds(qg * 16384, 16384)])


def _bq_group1(xp, yp, zp, cx1, cy1, cz1):
    mesh = plsc.VectorSubcoreMesh(core_axis_name="c", subcore_axis_name="s")
    f = pl.kernel(
        _bq1_body,
        out_type=jax.ShapeDtypeStruct((B, 65536), jnp.float32),
        mesh=mesh,
        compiler_params=pltpu.CompilerParams(needs_layout_passes=False),
        scratch_types=[
            pltpu.VMEM((4096,), jnp.float32),
            pltpu.VMEM((4096,), jnp.float32),
            pltpu.VMEM((4096,), jnp.float32),
            pltpu.VMEM((144,), jnp.float32),
            pltpu.VMEM((144,), jnp.float32),
            pltpu.VMEM((144,), jnp.float32),
            pltpu.VMEM((4112,), jnp.float32),
            pltpu.VMEM((4112,), jnp.float32),
            pltpu.VMEM((4112,), jnp.float32),
            pltpu.VMEM((4112,), jnp.float32),
            pltpu.VMEM((4112,), jnp.float32),
            pltpu.VMEM((4112,), jnp.float32),
            pltpu.VMEM((16384,), jnp.float32),
        ],
    )
    return f(xp, yp, zp, cx1, cy1, cz1)



def _bq2_body(xc_ref, yc_ref, zc_ref, fp_ref, cx_ref, cy_ref, cz_ref, out_ref,
              xv, yv, zv, tab, cxv, cyv, czv, selx, sely, selz, seli,
              outb0, outb1, sem0, sem1):
    wid = lax.axis_index("s") * _NC + lax.axis_index("c")
    b = wid // 4
    qg = wid % 4
    pltpu.sync_copy(xc_ref.at[b], xv)
    pltpu.sync_copy(yc_ref.at[b], yv)
    pltpu.sync_copy(zc_ref.at[b], zv)
    pltpu.sync_copy(fp_ref.at[b], tab)
    pltpu.sync_copy(cx_ref.at[b, pl.ds(qg * 32, 32)], cxv.at[pl.ds(0, 32)])
    pltpu.sync_copy(cy_ref.at[b, pl.ds(qg * 32, 32)], cyv.at[pl.ds(0, 32)])
    pltpu.sync_copy(cz_ref.at[b, pl.ds(qg * 32, 32)], czv.at[pl.ds(0, 32)])

    zeros = jnp.zeros((16,), jnp.float32)

    def zb(i, c):
        outb0[pl.ds(i * 16, 16)] = zeros
        outb1[pl.ds(i * 16, 16)] = zeros
        return c

    lax.fori_loop(0, 1024, zb, 0)

    r2 = jnp.float32(0.4 ** 2)
    iota = lax.iota(jnp.int32, 16)

    def fill(q, outb):
        cxs = cxv[pl.ds(q, 16)][0]
        cys = cyv[pl.ds(q, 16)][0]
        czs = czv[pl.ds(q, 16)][0]

        def chunk(c, cnt):
            x16 = xv[pl.ds(c * 16, 16)]
            y16 = yv[pl.ds(c * 16, 16)]
            z16 = zv[pl.ds(c * 16, 16)]
            dx = x16 - cxs
            dy = y16 - cys
            dz = z16 - czs
            d = dx * dx + dy * dy
            d = d + dz * dz
            msk = d <= r2
            pop = plsc.all_reduce_population_count(msk)[0]
            plsc.store_compressed(selx.at[pl.ds(cnt, 16)], dx, mask=msk)
            plsc.store_compressed(sely.at[pl.ds(cnt, 16)], dy, mask=msk)
            plsc.store_compressed(selz.at[pl.ds(cnt, 16)], dz, mask=msk)
            plsc.store_compressed(seli.at[pl.ds(cnt, 16)],
                                  c * 16 + iota, mask=msk)
            return cnt + pop

        total = lax.fori_loop(0, 32, chunk, jnp.int32(0))
        nsel = jnp.minimum(total, 64)
        fx = selx[pl.ds(0, 16)][0]
        fy = sely[pl.ds(0, 16)][0]
        fz = selz[pl.ds(0, 16)][0]
        fidx = seli[pl.ds(0, 16)][0]
        for h in (0, 16, 32, 48):
            jdx = iota + h
            m = jdx < nsel
            vx = jnp.where(m, selx[pl.ds(h, 16)], fx)
            vy = jnp.where(m, sely[pl.ds(h, 16)], fy)
            vz = jnp.where(m, selz[pl.ds(h, 16)], fz)
            addr = jdx * 256
            plsc.store_scatter(outb, [addr], vx)
            plsc.store_scatter(outb, [addr + 1], vy)
            plsc.store_scatter(outb, [addr + 2], vz)

        def feat(j, c2):
            srcidx = jnp.where(j < nsel, seli[pl.ds(j, 16)][0], fidx)
            rb = srcidx * 128
            dst = j * 256 + 3
            for k in range(8):
                outb[pl.ds(dst + k * 16, 16)] = tab[pl.ds(rb + k * 16, 16)]
            return c2

        lax.fori_loop(0, 64, feat, 0)

    def pair(p, c0):
        for k, (buf, sem) in enumerate(((outb0, sem0), (outb1, sem1))):
            q = p * 2 + k
            off = (qg * 32 + q) * 16384

            @pl.when(p > 0)
            def _():
                pltpu.make_async_copy(
                    buf, out_ref.at[b, pl.ds(off, 16384)], sem).wait()

            fill(q, buf)
            pltpu.make_async_copy(
                buf, out_ref.at[b, pl.ds(off, 16384)], sem).start()
        return c0

    lax.fori_loop(0, 16, pair, 0)
    pltpu.make_async_copy(
        outb0, out_ref.at[b, pl.ds(qg * 32 * 16384, 16384)], sem0).wait()
    pltpu.make_async_copy(
        outb1, out_ref.at[b, pl.ds(qg * 32 * 16384, 16384)], sem1).wait()


def _bq_group2(cx1, cy1, cz1, l1_flat, cx2, cy2, cz2):
    mesh = plsc.VectorSubcoreMesh(core_axis_name="c", subcore_axis_name="s")
    f = pl.kernel(
        _bq2_body,
        out_type=jax.ShapeDtypeStruct((B, 2097152), jnp.float32),
        mesh=mesh,
        compiler_params=pltpu.CompilerParams(needs_layout_passes=False),
        scratch_types=[
            pltpu.VMEM((512,), jnp.float32),
            pltpu.VMEM((512,), jnp.float32),
            pltpu.VMEM((512,), jnp.float32),
            pltpu.VMEM((65536,), jnp.float32),
            pltpu.VMEM((48,), jnp.float32),
            pltpu.VMEM((48,), jnp.float32),
            pltpu.VMEM((48,), jnp.float32),
            pltpu.VMEM((528,), jnp.float32),
            pltpu.VMEM((528,), jnp.float32),
            pltpu.VMEM((528,), jnp.float32),
            pltpu.VMEM((528,), jnp.int32),
            pltpu.VMEM((16384,), jnp.float32),
            pltpu.VMEM((16384,), jnp.float32),
            pltpu.SemaphoreType.DMA,
            pltpu.SemaphoreType.DMA,
        ],
    )
    return f(cx1, cy1, cz1, l1_flat, cx2, cy2, cz2)



def _mlp1_body(x_ref, w0_ref, b0_ref, w1_ref, b1_ref, w2_ref, b2_ref,
               nf_ref, out_ref):
    X = x_ref[0]
    h = jnp.maximum(jnp.dot(X, w0_ref[...], preferred_element_type=jnp.float32)
                    + b0_ref[...], 0.0)
    h = jnp.maximum(jnp.dot(h, w1_ref[...], preferred_element_type=jnp.float32)
                    + b1_ref[...], 0.0)
    rb = h.shape[0]
    nf_ref[0] = jnp.max(h.reshape(rb // 32, 32, 64), axis=1)
    h = jnp.maximum(jnp.dot(h, w2_ref[...], preferred_element_type=jnp.float32)
                    + b2_ref[...], 0.0)
    out_ref[0] = jnp.max(h.reshape(rb // 32, 32, 128), axis=1)


def _mlp1(grouped, w0t, b0, w1t, b1, w2t, b2):
    RB = 2048
    nblk = 16384 // RB
    return pl.pallas_call(
        _mlp1_body,
        grid=(B, nblk),
        in_specs=[
            pl.BlockSpec((1, RB, 4), lambda b, r: (b, r, 0)),
            pl.BlockSpec((4, 64), lambda b, r: (0, 0)),
            pl.BlockSpec((1, 64), lambda b, r: (0, 0)),
            pl.BlockSpec((64, 64), lambda b, r: (0, 0)),
            pl.BlockSpec((1, 64), lambda b, r: (0, 0)),
            pl.BlockSpec((64, 128), lambda b, r: (0, 0)),
            pl.BlockSpec((1, 128), lambda b, r: (0, 0)),
        ],
        out_specs=[
            pl.BlockSpec((1, RB // 32, 64), lambda b, r: (b, r, 0)),
            pl.BlockSpec((1, RB // 32, 128), lambda b, r: (b, r, 0)),
        ],
        out_shape=[
            jax.ShapeDtypeStruct((B, 512, 64), jnp.float32),
            jax.ShapeDtypeStruct((B, 512, 128), jnp.float32),
        ],
    )(grouped, w0t, b0, w1t, b1, w2t, b2)



def _mlp2_body(x_ref, w0_ref, b0_ref, w1_ref, b1_ref, w2_ref, b2_ref, out_ref):
    X = x_ref[0]
    h = jnp.maximum(jnp.dot(X, w0_ref[...], preferred_element_type=jnp.float32)
                    + b0_ref[...], 0.0)
    h = jnp.maximum(jnp.dot(h, w1_ref[...], preferred_element_type=jnp.float32)
                    + b1_ref[...], 0.0)
    h = jnp.maximum(jnp.dot(h, w2_ref[...], preferred_element_type=jnp.float32)
                    + b2_ref[...], 0.0)
    rb = h.shape[0]
    out_ref[0] = jnp.max(h.reshape(rb // 64, 64, 256), axis=1)


def _mlp2(grouped, w0t, b0, w1t, b1, w2t, b2):
    RB = 2048
    nblk = 8192 // RB
    return pl.pallas_call(
        _mlp2_body,
        grid=(B, nblk),
        in_specs=[
            pl.BlockSpec((1, RB, 256), lambda b, r: (b, r, 0)),
            pl.BlockSpec((256, 128), lambda b, r: (0, 0)),
            pl.BlockSpec((1, 128), lambda b, r: (0, 0)),
            pl.BlockSpec((128, 128), lambda b, r: (0, 0)),
            pl.BlockSpec((1, 128), lambda b, r: (0, 0)),
            pl.BlockSpec((128, 256), lambda b, r: (0, 0)),
            pl.BlockSpec((1, 256), lambda b, r: (0, 0)),
        ],
        out_specs=[pl.BlockSpec((1, RB // 64, 256), lambda b, r: (b, r, 0))],
        out_shape=[jax.ShapeDtypeStruct((B, 128, 256), jnp.float32)],
    )(grouped, w0t, b0, w1t, b1, w2t, b2)[0]



def _sa3_body(xyz_ref, pts_ref, w0a_ref, w0b_ref, b0_ref, w1_ref, b1_ref,
              w2_ref, b2_ref, out_ref):
    xyzp = xyz_ref[0]
    pts = pts_ref[0]
    h = jnp.dot(xyzp, w0a_ref[...], preferred_element_type=jnp.float32)
    h = h + jnp.dot(pts, w0b_ref[...], preferred_element_type=jnp.float32)
    h = jnp.maximum(h + b0_ref[...], 0.0)
    h = jnp.maximum(jnp.dot(h, w1_ref[...], preferred_element_type=jnp.float32)
                    + b1_ref[...], 0.0)
    h = jnp.maximum(jnp.dot(h, w2_ref[...], preferred_element_type=jnp.float32)
                    + b2_ref[...], 0.0)
    out_ref[0] = jnp.max(h, axis=0, keepdims=True)


def _sa3(l2_xyz, l2_pts, w0at, w0bt, b0, w1t, b1, w2t, b2):
    return pl.pallas_call(
        _sa3_body,
        grid=(B,),
        in_specs=[
            pl.BlockSpec((1, 128, 3), lambda b: (b, 0, 0)),
            pl.BlockSpec((1, 128, 256), lambda b: (b, 0, 0)),
            pl.BlockSpec((3, 256), lambda b: (0, 0)),
            pl.BlockSpec((256, 256), lambda b: (0, 0)),
            pl.BlockSpec((1, 256), lambda b: (0, 0)),
            pl.BlockSpec((256, 512), lambda b: (0, 0)),
            pl.BlockSpec((1, 512), lambda b: (0, 0)),
            pl.BlockSpec((512, 1024), lambda b: (0, 0)),
            pl.BlockSpec((1, 1024), lambda b: (0, 0)),
        ],
        out_specs=[pl.BlockSpec((1, 1, 1024), lambda b: (b, 0, 0))],
        out_shape=[jax.ShapeDtypeStruct((B, 1, 1024), jnp.float32)],
    )(l2_xyz, l2_pts, w0at, w0bt, b0, w1t, b1, w2t, b2)[0]


def _red_body(nf_ref, w_ref, b_ref, out_ref):
    out_ref[0] = (jnp.dot(w_ref[...], nf_ref[0],
                          preferred_element_type=jnp.float32) + b_ref[...])


def _reduce_head(node_fea, red_W, red_b):
    return pl.pallas_call(
        _red_body,
        grid=(B,),
        in_specs=[
            pl.BlockSpec((1, 512, 64), lambda b: (b, 0, 0)),
            pl.BlockSpec((64, 512), lambda b: (0, 0)),
            pl.BlockSpec((64, 1), lambda b: (0, 0)),
        ],
        out_specs=[pl.BlockSpec((1, 64, 64), lambda b: (b, 0, 0))],
        out_shape=[jax.ShapeDtypeStruct((B, 64, 64), jnp.float32)],
    )(node_fea, red_W, red_b)[0]



def kernel(xyz, sa1_W0, sa1_b0, sa1_W1, sa1_b1, sa1_W2, sa1_b2,
           sa2_W0, sa2_b0, sa2_W1, sa2_b1, sa2_W2, sa2_b2,
           sa3_W0, sa3_b0, sa3_W1, sa3_b1, sa3_W2, sa3_b2, red_W, red_b):
    x = xyz[..., 0]
    xp, yp, zp = x[:, 0, :], x[:, 1, :], x[:, 2, :]

    cx1, cy1, cz1 = _fps(xp, yp, zp, 512)
    grouped1 = _bq_group1(xp, yp, zp, cx1, cy1, cz1).reshape(B, 16384, 4)
    w0t = jnp.pad(sa1_W0.T, ((0, 1), (0, 0)))
    node_fea, l1_pts = _mlp1(grouped1, w0t, sa1_b0[None], sa1_W1.T,
                             sa1_b1[None], sa1_W2.T, sa1_b2[None])

    cx2, cy2, cz2 = _fps(cx1, cy1, cz1, 128)
    grouped2 = _bq_group2(cx1, cy1, cz1, l1_pts.reshape(B, 65536),
                          cx2, cy2, cz2).reshape(B, 8192, 256)
    w0t2 = jnp.pad(sa2_W0.T, ((0, 125), (0, 0)))
    l2_pts = _mlp2(grouped2, w0t2, sa2_b0[None], sa2_W1.T, sa2_b1[None],
                   sa2_W2.T, sa2_b2[None])

    l2_xyz = jnp.stack([cx2, cy2, cz2], axis=-1)
    w0at = sa3_W0[:, :3].T
    w0bt = sa3_W0[:, 3:].T
    xg = _sa3(l2_xyz, l2_pts, w0at, w0bt, sa3_b0[None], sa3_W1.T,
              sa3_b1[None], sa3_W2.T, sa3_b2[None]).reshape(B, 1024)

    nf = _reduce_head(node_fea, red_W, red_b[:, None])
    return xg, nf.reshape(B, 64, 64, 1)

# --- scband reference (transcript-rebuilt; emitter-appended) ---
"""Pipeline reference for scband-pointnet2-g-12017318494784 (READ-ONLY COPY).

The authoritative reference and input builder live on the scoring server;
editing this copy changes nothing except your own understanding.
"""

import jax, jax.numpy as jnp
import numpy as np

B, N = 8, 4096

def index_points(points, idx):
    b = points.shape[0]
    bidx = jnp.arange(b).reshape((b,) + (1,) * (idx.ndim - 1))
    return points[bidx, idx]

def square_distance(src, dst):
    return jnp.sum((src[:, :, None, :] - dst[:, None, :, :]) ** 2, axis=-1)

def farthest_point_sample(xyz, npoint):
    xyz = jax.lax.stop_gradient(xyz)
    b, n, _ = xyz.shape
    def step(state, _):
        distance, farthest = state
        centroid = index_points(xyz, farthest[:, None])
        dist = jnp.sum((xyz - centroid) ** 2, axis=-1)
        distance = jnp.minimum(distance, dist)
        new_far = jnp.argmax(distance, axis=-1).astype(jnp.int32)
        return (distance, new_far), farthest
    init = (jnp.full((b, n), 1e10, dtype=xyz.dtype), jnp.zeros((b,), dtype=jnp.int32))
    _, cent = jax.lax.scan(step, init, None, length=npoint)
    return jnp.transpose(cent)

def query_ball_point(radius, nsample, xyz, new_xyz):
    b, n, _ = xyz.shape
    s = new_xyz.shape[1]
    sqr = square_distance(new_xyz, xyz)
    gidx = jnp.broadcast_to(jnp.arange(n, dtype=jnp.int32), (b, s, n))
    gidx = jnp.where(sqr > radius ** 2, n, gidx)
    gidx = jnp.sort(gidx, axis=-1)[:, :, :nsample]
    first = jnp.broadcast_to(gidx[:, :, :1], gidx.shape)
    gidx = jnp.where(gidx == n, first, gidx)
    return gidx

def sa_layer(xyz_t, points_t, npoint, radius, nsample, Ws, bs, group_all, capture=None):
    if group_all:
        bsz = xyz_t.shape[0]
        new_xyz = jnp.zeros((bsz, 1, 3), dtype=xyz_t.dtype)
        g = xyz_t[:, None, :, :]
        new_points = jnp.concatenate([g, points_t[:, None, :, :]], axis=-1) if points_t is not None else g
    else:
        fps_idx = farthest_point_sample(xyz_t, npoint)
        new_xyz = index_points(xyz_t, fps_idx)
        idx = query_ball_point(radius, nsample, xyz_t, new_xyz)
        grouped = index_points(xyz_t, idx) - new_xyz[:, :, None, :]
        if points_t is not None:
            new_points = jnp.concatenate([grouped, index_points(points_t, idx)], axis=-1)
        else:
            new_points = grouped
    h = new_points
    inter = None
    for i, (W, bb) in enumerate(zip(Ws, bs)):
        h = jax.nn.relu(jnp.einsum('bskc,oc->bsko', h, W) + bb)
        if capture is not None and i == capture:
            inter = jnp.max(h, axis=2)
    out = jnp.max(h, axis=2)
    return new_xyz, out, inter

def _forward(xyz, sa1_W0, sa1_b0, sa1_W1, sa1_b1, sa1_W2, sa1_b2, sa2_W0, sa2_b0, sa2_W1, sa2_b1, sa2_W2, sa2_b2, sa3_W0, sa3_b0, sa3_W1, sa3_b1, sa3_W2, sa3_b2, red_W, red_b):
    x = xyz[..., 0]
    bsz = x.shape[0]
    xyz_t = jnp.transpose(x, (0, 2, 1))
    l1_xyz, l1_pts, node_fea = sa_layer(xyz_t, None, 512, 0.2, 32, (sa1_W0, sa1_W1, sa1_W2), (sa1_b0, sa1_b1, sa1_b2), False, capture=1)
    l2_xyz, l2_pts, _ = sa_layer(l1_xyz, l1_pts, 128, 0.4, 64, (sa2_W0, sa2_W1, sa2_W2), (sa2_b0, sa2_b1, sa2_b2), False)
    _, l3_pts, _ = sa_layer(l2_xyz, l2_pts, None, None, None, (sa3_W0, sa3_W1, sa3_W2), (sa3_b0, sa3_b1, sa3_b2), True)
    xg = l3_pts.reshape(bsz, 1024)
    nf = node_fea[..., None]
    nf = jnp.einsum('bchw,oc->bohw', nf, red_W) + red_b[None, :, None, None]
    nf = nf.reshape(bsz, 64, 64, 1)
    return xg, nf

_PARAM_SHAPES = {
    'sa1_W0': (64, 3), 'sa1_b0': (64,), 'sa1_W1': (64, 64), 'sa1_b1': (64,), 'sa1_W2': (128, 64), 'sa1_b2': (128,),
    'sa2_W0': (128, 131), 'sa2_b0': (128,), 'sa2_W1': (128, 128), 'sa2_b1': (128,), 'sa2_W2': (256, 128), 'sa2_b2': (256,),
    'sa3_W0': (256, 259), 'sa3_b0': (256,), 'sa3_W1': (512, 256), 'sa3_b1': (512,), 'sa3_W2': (1024, 512), 'sa3_b2': (1024,),
    'red_W': (64, 512), 'red_b': (64,),
}

def setup_inputs(seed=0):
    key = jax.random.key(seed)
    ks = jax.random.split(key, len(_PARAM_SHAPES) + 1)
    inp = {'xyz': jax.random.normal(ks[0], (B, 3, N, 1), dtype=jnp.float32)}
    for i, (name, shp) in enumerate(_PARAM_SHAPES.items()):
        inp[name] = jax.random.normal(ks[i + 1], shp, dtype=jnp.float32) * 0.05
    return inp

def reference(xyz, sa1_W0, sa1_b0, sa1_W1, sa1_b1, sa1_W2, sa1_b2, sa2_W0, sa2_b0, sa2_W1, sa2_b1, sa2_W2, sa2_b2, sa3_W0, sa3_b0, sa3_W1, sa3_b1, sa3_W2, sa3_b2, red_W, red_b):
    return _forward(xyz, sa1_W0, sa1_b0, sa1_W1, sa1_b1, sa1_W2, sa1_b2, sa2_W0, sa2_b0, sa2_W1, sa2_b1, sa2_W2, sa2_b2, sa3_W0, sa3_b0, sa3_W1, sa3_b1, sa3_W2, sa3_b2, red_W, red_b)

if __name__ == "__main__":
    import jax
    _d = setup_inputs()
    print(jax.jit(kernel)(*tuple(_d.values())))

</pallas_src>

<mosaic_0001>
#map = affine_map<(d0, d1) -> (0, 0)>
module attributes {stable_mosaic.version = 14 : i64} {
  func.func @_bq1_body(%arg0: i32, %arg1: i32, %arg2: memref<8x4096xf32, #tpu.memory_space<hbm>>, %arg3: memref<8x4096xf32, #tpu.memory_space<hbm>>, %arg4: memref<8x4096xf32, #tpu.memory_space<hbm>>, %arg5: memref<8x512xf32, #tpu.memory_space<hbm>>, %arg6: memref<8x512xf32, #tpu.memory_space<hbm>>, %arg7: memref<8x512xf32, #tpu.memory_space<hbm>>, %arg8: memref<8x65536xf32, #tpu.memory_space<hbm>>, %arg9: memref<4096xf32, #tpu.memory_space<vmem>>, %arg10: memref<4096xf32, #tpu.memory_space<vmem>>, %arg11: memref<4096xf32, #tpu.memory_space<vmem>>, %arg12: memref<144xf32, #tpu.memory_space<vmem>>, %arg13: memref<144xf32, #tpu.memory_space<vmem>>, %arg14: memref<144xf32, #tpu.memory_space<vmem>>, %arg15: memref<4112xf32, #tpu.memory_space<vmem>>, %arg16: memref<4112xf32, #tpu.memory_space<vmem>>, %arg17: memref<4112xf32, #tpu.memory_space<vmem>>, %arg18: memref<4112xf32, #tpu.memory_space<vmem>>, %arg19: memref<4112xf32, #tpu.memory_space<vmem>>, %arg20: memref<4112xf32, #tpu.memory_space<vmem>>, %arg21: memref<16384xf32, #tpu.memory_space<vmem>>) attributes {dimension_semantics = [#tpu.dimension_semantics<core_parallel>, #tpu.dimension_semantics<subcore_parallel>], iteration_bounds = array<i64: 2, 16>, scalar_prefetch = 0 : i64, scratch_operands = 13 : i64, tpu.core_type = #tpu.core_type<sc_vector_subcore>, window_params = [{transform_indices = #map}, {transform_indices = #map}, {transform_indices = #map}, {transform_indices = #map}, {transform_indices = #map}, {transform_indices = #map}, {transform_indices = #map}]} {
    %mul3A = arith.constant 2 : i32
    %mul3A_0 = arith.muli %arg1, %mul3A : i32
    %add3A = arith.addi %mul3A_0, %arg0 : i32
    %jit3A = arith.constant 4 : i32
    %div3A = arith.divsi %add3A, %jit3A : i32
    %sign3A = arith.constant 0 : i32
    %sign3A_1 = arith.cmpi sgt, %add3A, %sign3A : i32
    %sign3A_2 = arith.extui %sign3A_1 : i1 to i32
    %sign3A_3 = arith.constant 0 : i32
    %sign3A_4 = arith.cmpi slt, %add3A, %sign3A_3 : i32
    %sign3A_5 = arith.extui %sign3A_4 : i1 to i32
    %sign3A_6 = arith.subi %sign3A_2, %sign3A_5 : i32
    %sign3A_7 = arith.constant 0 : i32
    %sign3A_8 = arith.cmpi sgt, %jit3A, %sign3A_7 : i32
    %sign3A_9 = arith.extui %sign3A_8 : i1 to i32
    %sign3A_10 = arith.constant 0 : i32
    %sign3A_11 = arith.cmpi slt, %jit3A, %sign3A_10 : i32
    %sign3A_12 = arith.extui %sign3A_11 : i1 to i32
    %sign3A_13 = arith.subi %sign3A_9, %sign3A_12 : i32
    %ne3A = arith.cmpi ne, %sign3A_6, %sign3A_13 : i32
    %rem3A = arith.remsi %add3A, %jit3A : i32
    %ne3A_14 = arith.constant 0 : i32
    %ne3A_15 = arith.cmpi ne, %rem3A, %ne3A_14 : i32
    %and3A = arith.andi %ne3A, %ne3A_15 : i1
    %sub3A = arith.constant 1 : i32
    %sub3A_16 = arith.subi %div3A, %sub3A : i32
    %select_n3A = arith.select %and3A, %sub3A_16, %div3A : i32
    %jit3A_17 = arith.constant 4 : i32
    %eq3A = arith.constant 0 : i32
    %eq3A_18 = arith.cmpi eq, %jit3A_17, %eq3A : i32
    %jit3A_19 = arith.constant 1 : i32
    %select_n3A_20 = arith.select %eq3A_18, %jit3A_19, %jit3A_17 : i32
    %rem3A_21 = arith.remsi %add3A, %select_n3A_20 : i32
    %ne3A_22 = arith.constant 0 : i32
    %ne3A_23 = arith.cmpi ne, %rem3A_21, %ne3A_22 : i32
    %lt3A = arith.constant 0 : i32
    %lt3A_24 = arith.cmpi slt, %rem3A_21, %lt3A : i32
    %lt3A_25 = arith.constant 0 : i32
    %lt3A_26 = arith.cmpi slt, %select_n3A_20, %lt3A_25 : i32
    %ne3A_27 = arith.xori %lt3A_24, %lt3A_26 : i1
    %and3A_28 = arith.andi %ne3A_27, %ne3A_23 : i1
    %add3A_29 = arith.addi %rem3A_21, %select_n3A_20 : i32
    %select_n3A_30 = arith.select %and3A_28, %add3A_29, %rem3A_21 : i32
    "tpu.region"() ({
      %run_scoped3A = tpu.sem_alloc : memref<!tpu.dma_semaphore, #tpu.memory_space<semaphore_mem>>
      %dma_start3A = arith.constant 0 : i32
      %dma_start3A_52 = tpu.memref_slice %arg2[%select_n3A, %dma_start3A] : memref<8x4096xf32, #tpu.memory_space<hbm>> -> memref<1x4096xf32, #tpu.memory_space<hbm>>
      %dma_start3A_53 = tpu.memref_squeeze %dma_start3A_52 : memref<1x4096xf32, #tpu.memory_space<hbm>> -> memref<4096xf32, #tpu.memory_space<hbm>>
      %dma_start3A_54 = arith.constant 0 : i32
      %dma_start3A_55 = tpu.memref_slice %arg2[%select_n3A, %dma_start3A_54] : memref<8x4096xf32, #tpu.memory_space<hbm>> -> memref<1x4096xf32, #tpu.memory_space<hbm>>
      %dma_start3A_56 = tpu.memref_squeeze %dma_start3A_55 : memref<1x4096xf32, #tpu.memory_space<hbm>> -> memref<4096xf32, #tpu.memory_space<hbm>>
      tpu.enqueue_dma source(%dma_start3A_56 : memref<4096xf32, #tpu.memory_space<hbm>>) target(%arg9 : memref<4096xf32, #tpu.memory_space<vmem>>) target_semaphore(%run_scoped3A : memref<!tpu.dma_semaphore, #tpu.memory_space<semaphore_mem>>)
      %dma_wait3A = arith.constant 0 : i32
      %dma_wait3A_57 = tpu.memref_slice %arg2[%select_n3A, %dma_wait3A] : memref<8x4096xf32, #tpu.memory_space<hbm>> -> memref<1x4096xf32, #tpu.memory_space<hbm>>
      %dma_wait3A_58 = tpu.memref_squeeze %dma_wait3A_57 : memref<1x4096xf32, #tpu.memory_space<hbm>> -> memref<4096xf32, #tpu.memory_space<hbm>>
      %dma_wait3A_59 = arith.constant 0 : i32
      %dma_wait3A_60 = tpu.memref_slice %arg2[%select_n3A, %dma_wait3A_59] : memref<8x4096xf32, #tpu.memory_space<hbm>> -> memref<1x4096xf32, #tpu.memory_space<hbm>>
      %dma_wait3A_61 = tpu.memref_squeeze %dma_wait3A_60 : memref<1x4096xf32, #tpu.memory_space<hbm>> -> memref<4096xf32, #tpu.memory_space<hbm>>
      tpu.wait_dma2 semaphore(%run_scoped3A : memref<!tpu.dma_semaphore, #tpu.memory_space<semaphore_mem>>) src(%dma_wait3A_61 : memref<4096xf32, #tpu.memory_space<hbm>>) dst(%arg9 : memref<4096xf32, #tpu.memory_space<vmem>>)
      tpu.yield
    }) : () -> ()
    "tpu.region"() ({
      %run_scoped3A = tpu.sem_alloc : memref<!tpu.dma_semaphore, #tpu.memory_space<semaphore_mem>>
      %dma_start3A = arith.constant 0 : i32
      %dma_start3A_52 = tpu.memref_slice %arg3[%select_n3A, %dma_start3A] : memref<8x4096xf32, #tpu.memory_space<hbm>> -> memref<1x4096xf32, #tpu.memory_space<hbm>>
      %dma_start3A_53 = tpu.memref_squeeze %dma_start3A_52 : memref<1x4096xf32, #tpu.memory_space<hbm>> -> memref<4096xf32, #tpu.memory_space<hbm>>
      %dma_start3A_54 = arith.constant 0 : i32
      %dma_start3A_55 = tpu.memref_slice %arg3[%select_n3A, %dma_start3A_54] : memref<8x4096xf32, #tpu.memory_space<hbm>> -> memref<1x4096xf32, #tpu.memory_space<hbm>>
      %dma_start3A_56 = tpu.memref_squeeze %dma_start3A_55 : memref<1x4096xf32, #tpu.memory_space<hbm>> -> memref<4096xf32, #tpu.memory_space<hbm>>
      tpu.enqueue_dma source(%dma_start3A_56 : memref<4096xf32, #tpu.memory_space<hbm>>) target(%arg10 : memref<4096xf32, #tpu.memory_space<vmem>>) target_semaphore(%run_scoped3A : memref<!tpu.dma_semaphore, #tpu.memory_space<semaphore_mem>>)
      %dma_wait3A = arith.constant 0 : i32
      %dma_wait3A_57 = tpu.memref_slice %arg3[%select_n3A, %dma_wait3A] : memref<8x4096xf32, #tpu.memory_space<hbm>> -> memref<1x4096xf32, #tpu.memory_space<hbm>>
      %dma_wait3A_58 = tpu.memref_squeeze %dma_wait3A_57 : memref<1x4096xf32, #tpu.memory_space<hbm>> -> memref<4096xf32, #tpu.memory_space<hbm>>
      %dma_wait3A_59 = arith.constant 0 : i32
      %dma_wait3A_60 = tpu.memref_slice %arg3[%select_n3A, %dma_wait3A_59] : memref<8x4096xf32, #tpu.memory_space<hbm>> -> memref<1x4096xf32, #tpu.memory_space<hbm>>
      %dma_wait3A_61 = tpu.memref_squeeze %dma_wait3A_60 : memref<1x4096xf32, #tpu.memory_space<hbm>> -> memref<4096xf32, #tpu.memory_space<hbm>>
      tpu.wait_dma2 semaphore(%run_scoped3A : memref<!tpu.dma_semaphore, #tpu.memory_space<semaphore_mem>>) src(%dma_wait3A_61 : memref<4096xf32, #tpu.memory_space<hbm>>) dst(%arg10 : memref<4096xf32, #tpu.memory_space<vmem>>)
      tpu.yield
    }) : () -> ()
    "tpu.region"() ({
      %run_scoped3A = tpu.sem_alloc : memref<!tpu.dma_semaphore, #tpu.memory_space<semaphore_mem>>
      %dma_start3A = arith.constant 0 : i32
      %dma_start3A_52 = tpu.memref_slice %arg4[%select_n3A, %dma_start3A] : memref<8x4096xf32, #tpu.memory_space<hbm>> -> memref<1x4096xf32, #tpu.memory_space<hbm>>
      %dma_start3A_53 = tpu.memref_squeeze %dma_start3A_52 : memref<1x4096xf32, #tpu.memory_space<hbm>> -> memref<4096xf32, #tpu.memory_space<hbm>>
      %dma_start3A_54 = arith.constant 0 : i32
      %dma_start3A_55 = tpu.memref_slice %arg4[%select_n3A, %dma_start3A_54] : memref<8x4096xf32, #tpu.memory_space<hbm>> -> memref<1x4096xf32, #tpu.memory_space<hbm>>
      %dma_start3A_56 = tpu.memref_squeeze %dma_start3A_55 : memref<1x4096xf32, #tpu.memory_space<hbm>> -> memref<4096xf32, #tpu.memory_space<hbm>>
      tpu.enqueue_dma source(%dma_start3A_56 : memref<4096xf32, #tpu.memory_space<hbm>>) target(%arg11 : memref<4096xf32, #tpu.memory_space<vmem>>) target_semaphore(%run_scoped3A : memref<!tpu.dma_semaphore, #tpu.memory_space<semaphore_mem>>)
      %dma_wait3A = arith.constant 0 : i32
      %dma_wait3A_57 = tpu.memref_slice %arg4[%select_n3A, %dma_wait3A] : memref<8x4096xf32, #tpu.memory_space<hbm>> -> memref<1x4096xf32, #tpu.memory_space<hbm>>
      %dma_wait3A_58 = tpu.memref_squeeze %dma_wait3A_57 : memref<1x4096xf32, #tpu.memory_space<hbm>> -> memref<4096xf32, #tpu.memory_space<hbm>>
      %dma_wait3A_59 = arith.constant 0 : i32
      %dma_wait3A_60 = tpu.memref_slice %arg4[%select_n3A, %dma_wait3A_59] : memref<8x4096xf32, #tpu.memory_space<hbm>> -> memref<1x4096xf32, #tpu.memory_space<hbm>>
      %dma_wait3A_61 = tpu.memref_squeeze %dma_wait3A_60 : memref<1x4096xf32, #tpu.memory_space<hbm>> -> memref<4096xf32, #tpu.memory_space<hbm>>
      tpu.wait_dma2 semaphore(%run_scoped3A : memref<!tpu.dma_semaphore, #tpu.memory_space<semaphore_mem>>) src(%dma_wait3A_61 : memref<4096xf32, #tpu.memory_space<hbm>>) dst(%arg11 : memref<4096xf32, #tpu.memory_space<vmem>>)
      tpu.yield
    }) : () -> ()
    %mul3A_31 = arith.constant 128 : i32
    %mul3A_32 = arith.muli %select_n3A_30, %mul3A_31 : i32
    "tpu.region"() ({
      %run_scoped3A = tpu.sem_alloc : memref<!tpu.dma_semaphore, #tpu.memory_space<semaphore_mem>>
      %dma_start3A = arith.constant 0 : i32
      %dma_start3A_52 = tpu.memref_slice %arg12[%dma_start3A] : memref<144xf32, #tpu.memory_space<vmem>> -> memref<128xf32, #tpu.memory_space<vmem>>
      %dma_start3A_53 = tpu.memref_slice %arg5[%select_n3A, %mul3A_32] : memref<8x512xf32, #tpu.memory_space<hbm>> -> memref<1x128xf32, #tpu.memory_space<hbm>>
      %dma_start3A_54 = tpu.memref_squeeze %dma_start3A_53 : memref<1x128xf32, #tpu.memory_space<hbm>> -> memref<128xf32, #tpu.memory_space<hbm>>
      %dma_start3A_55 = arith.constant 0 : i32
      %dma_start3A_56 = tpu.memref_slice %arg12[%dma_start3A_55] : memref<144xf32, #tpu.memory_space<vmem>> -> memref<128xf32, #tpu.memory_space<vmem>>
      %dma_start3A_57 = tpu.memref_slice %arg5[%select_n3A, %mul3A_32] : memref<8x512xf32, #tpu.memory_space<hbm>> -> memref<1x128xf32, #tpu.memory_space<hbm>>
      %dma_start3A_58 = tpu.memref_squeeze %dma_start3A_57 : memref<1x128xf32, #tpu.memory_space<hbm>> -> memref<128xf32, #tpu.memory_space<hbm>>
      tpu.enqueue_dma source(%dma_start3A_58 : memref<128xf32, #tpu.memory_space<hbm>>) target(%dma_start3A_56 : memref<128xf32, #tpu.memory_space<vmem>>) target_semaphore(%run_scoped3A : memref<!tpu.dma_semaphore, #tpu.memory_space<semaphore_mem>>)
      %dma_wait3A = arith.constant 0 : i32
      %dma_wait3A_59 = tpu.memref_slice %arg12[%dma_wait3A] : memref<144xf32, #tpu.memory_space<vmem>> -> memref<128xf32, #tpu.memory_space<vmem>>
      %dma_wait3A_60 = tpu.memref_slice %arg5[%select_n3A, %mul3A_32] : memref<8x512xf32, #tpu.memory_space<hbm>> -> memref<1x128xf32, #tpu.memory_space<hbm>>
      %dma_wait3A_61 = tpu.memref_squeeze %dma_wait3A_60 : memref<1x128xf32, #tpu.memory_space<hbm>> -> memref<128xf32, #tpu.memory_space<hbm>>
      %dma_wait3A_62 = arith.constant 0 : i32
      %dma_wait3A_63 = tpu.memref_slice %arg12[%dma_wait3A_62] : memref<144xf32, #tpu.memory_space<vmem>> -> memref<128xf32, #tpu.memory_space<vmem>>
      %dma_wait3A_64 = tpu.memref_slice %arg5[%select_n3A, %mul3A_32] : memref<8x512xf32, #tpu.memory_space<hbm>> -> memref<1x128xf32, #tpu.memory_space<hbm>>
      %dma_wait3A_65 = tpu.memref_squeeze %dma_wait3A_64 : memref<1x128xf32, #tpu.memory_space<hbm>> -> memref<128xf32, #tpu.memory_space<hbm>>
      tpu.wait_dma2 semaphore(%run_scoped3A : memref<!tpu.dma_semaphore, #tpu.memory_space<semaphore_mem>>) src(%dma_wait3A_65 : memref<128xf32, #tpu.memory_space<hbm>>) dst(%dma_wait3A_63 : memref<128xf32, #tpu.memory_space<vmem>>)
      tpu.yield
    }) : () -> ()
    %mul3A_33 = arith.constant 128 : i32
    %mul3A_34 = arith.muli %select_n3A_30, %mul3A_33 : i32
    "tpu.region"() ({
      %run_scoped3A = tpu.sem_alloc : memref<!tpu.dma_semaphore, #tpu.memory_space<semaphore_mem>>
      %dma_start3A = arith.constant 0 : i32
      %dma_start3A_52 = tpu.memref_slice %arg13[%dma_start3A] : memref<144xf32, #tpu.memory_space<vmem>> -> memref<128xf32, #tpu.memory_space<vmem>>
      %dma_start3A_53 = tpu.memref_slice %arg6[%select_n3A, %mul3A_34] : memref<8x512xf32, #tpu.memory_space<hbm>> -> memref<1x128xf32, #tpu.memory_space<hbm>>
      %dma_start3A_54 = tpu.memref_squeeze %dma_start3A_53 : memref<1x128xf32, #tpu.memory_space<hbm>> -> memref<128xf32, #tpu.memory_space<hbm>>
      %dma_start3A_55 = arith.constant 0 : i32
      %dma_start3A_56 = tpu.memref_slice %arg13[%dma_start3A_55] : memref<144xf32, #tpu.memory_space<vmem>> -> memref<128xf32, #tpu.memory_space<vmem>>
      %dma_start3A_57 = tpu.memref_slice %arg6[%select_n3A, %mul3A_34] : memref<8x512xf32, #tpu.memory_space<hbm>> -> memref<1x128xf32, #tpu.memory_space<hbm>>
      %dma_start3A_58 = tpu.memref_squeeze %dma_start3A_57 : memref<1x128xf32, #tpu.memory_space<hbm>> -> memref<128xf32, #tpu.memory_space<hbm>>
      tpu.enqueue_dma source(%dma_start3A_58 : memref<128xf32, #tpu.memory_space<hbm>>) target(%dma_start3A_56 : memref<128xf32, #tpu.memory_space<vmem>>) target_semaphore(%run_scoped3A : memref<!tpu.dma_semaphore, #tpu.memory_space<semaphore_mem>>)
      %dma_wait3A = arith.constant 0 : i32
      %dma_wait3A_59 = tpu.memref_slice %arg13[%dma_wait3A] : memref<144xf32, #tpu.memory_space<vmem>> -> memref<128xf32, #tpu.memory_space<vmem>>
      %dma_wait3A_60 = tpu.memref_slice %arg6[%select_n3A, %mul3A_34] : memref<8x512xf32, #tpu.memory_space<hbm>> -> memref<1x128xf32, #tpu.memory_space<hbm>>
      %dma_wait3A_61 = tpu.memref_squeeze %dma_wait3A_60 : memref<1x128xf32, #tpu.memory_space<hbm>> -> memref<128xf32, #tpu.memory_space<hbm>>
      %dma_wait3A_62 = arith.constant 0 : i32
      %dma_wait3A_63 = tpu.memref_slice %arg13[%dma_wait3A_62] : memref<144xf32, #tpu.memory_space<vmem>> -> memref<128xf32, #tpu.memory_space<vmem>>
      %dma_wait3A_64 = tpu.memref_slice %arg6[%select_n3A, %mul3A_34] : memref<8x512xf32, #tpu.memory_space<hbm>> -> memref<1x128xf32, #tpu.memory_space<hbm>>
      %dma_wait3A_65 = tpu.memref_squeeze %dma_wait3A_64 : memref<1x128xf32, #tpu.memory_space<hbm>> -> memref<128xf32, #tpu.memory_space<hbm>>
      tpu.wait_dma2 semaphore(%run_scoped3A : memref<!tpu.dma_semaphore, #tpu.memory_space<semaphore_mem>>) src(%dma_wait3A_65 : memref<128xf32, #tpu.memory_space<hbm>>) dst(%dma_wait3A_63 : memref<128xf32, #tpu.memory_space<vmem>>)
      tpu.yield
    }) : () -> ()
    %mul3A_35 = arith.constant 128 : i32
    %mul3A_36 = arith.muli %select_n3A_30, %mul3A_35 : i32
    "tpu.region"() ({
      %run_scoped3A = tpu.sem_alloc : memref<!tpu.dma_semaphore, #tpu.memory_space<semaphore_mem>>
      %dma_start3A = arith.constant 0 : i32
      %dma_start3A_52 = tpu.memref_slice %arg14[%dma_start3A] : memref<144xf32, #tpu.memory_space<vmem>> -> memref<128xf32, #tpu.memory_space<vmem>>
      %dma_start3A_53 = tpu.memref_slice %arg7[%select_n3A, %mul3A_36] : memref<8x512xf32, #tpu.memory_space<hbm>> -> memref<1x128xf32, #tpu.memory_space<hbm>>
      %dma_start3A_54 = tpu.memref_squeeze %dma_start3A_53 : memref<1x128xf32, #tpu.memory_space<hbm>> -> memref<128xf32, #tpu.memory_space<hbm>>
      %dma_start3A_55 = arith.constant 0 : i32
      %dma_start3A_56 = tpu.memref_slice %arg14[%dma_start3A_55] : memref<144xf32, #tpu.memory_space<vmem>> -> memref<128xf32, #tpu.memory_space<vmem>>
      %dma_start3A_57 = tpu.memref_slice %arg7[%select_n3A, %mul3A_36] : memref<8x512xf32, #tpu.memory_space<hbm>> -> memref<1x128xf32, #tpu.memory_space<hbm>>
      %dma_start3A_58 = tpu.memref_squeeze %dma_start3A_57 : memref<1x128xf32, #tpu.memory_space<hbm>> -> memref<128xf32, #tpu.memory_space<hbm>>
      tpu.enqueue_dma source(%dma_start3A_58 : memref<128xf32, #tpu.memory_space<hbm>>) target(%dma_start3A_56 : memref<128xf32, #tpu.memory_space<vmem>>) target_semaphore(%run_scoped3A : memref<!tpu.dma_semaphore, #tpu.memory_space<semaphore_mem>>)
      %dma_wait3A = arith.constant 0 : i32
      %dma_wait3A_59 = tpu.memref_slice %arg14[%dma_wait3A] : memref<144xf32, #tpu.memory_space<vmem>> -> memref<128xf32, #tpu.memory_space<vmem>>
      %dma_wait3A_60 = tpu.memref_slice %arg7[%select_n3A, %mul3A_36] : memref<8x512xf32, #tpu.memory_space<hbm>> -> memref<1x128xf32, #tpu.memory_space<hbm>>
      %dma_wait3A_61 = tpu.memref_squeeze %dma_wait3A_60 : memref<1x128xf32, #tpu.memory_space<hbm>> -> memref<128xf32, #tpu.memory_space<hbm>>
      %dma_wait3A_62 = arith.constant 0 : i32
      %dma_wait3A_63 = tpu.memref_slice %arg14[%dma_wait3A_62] : memref<144xf32, #tpu.memory_space<vmem>> -> memref<128xf32, #tpu.memory_space<vmem>>
      %dma_wait3A_64 = tpu.memref_slice %arg7[%select_n3A, %mul3A_36] : memref<8x512xf32, #tpu.memory_space<hbm>> -> memref<1x128xf32, #tpu.memory_space<hbm>>
      %dma_wait3A_65 = tpu.memref_squeeze %dma_wait3A_64 : memref<1x128xf32, #tpu.memory_space<hbm>> -> memref<128xf32, #tpu.memory_space<hbm>>
      tpu.wait_dma2 semaphore(%run_scoped3A : memref<!tpu.dma_semaphore, #tpu.memory_space<semaphore_mem>>) src(%dma_wait3A_65 : memref<128xf32, #tpu.memory_space<hbm>>) dst(%dma_wait3A_63 : memref<128xf32, #tpu.memory_space<vmem>>)
      tpu.yield
    }) : () -> ()
    %broadcast_in_dim3A = arith.constant 0.000000e+00 : f32
    %broadcast_in_dim3A_37 = vector.broadcast %broadcast_in_dim3A : f32 to vector<16xf32>
    %scan3A = arith.constant 0 : i32
    %scan3A_38 = arith.constant 0 : i32
    %scan3A_39 = arith.constant 1024 : i32
    %scan3A_40 = arith.addi %scan3A_38, %scan3A_39 : i32
    %scan3A_41 = arith.constant 1 : i32
    scf.for %scan3A_52 = %scan3A_38 to %scan3A_40 step %scan3A_41  : i32 {
      %mul3A_53 = arith.constant 16 : i32
      %mul3A_54 = arith.muli %scan3A_52, %mul3A_53 : i32
      %swap3A = arith.index_cast %mul3A_54 : i32 to index
      %swap3A_55 = tpu.vector_load %arg21[%swap3A] {strides = array<i32>} : memref<16384xf32, #tpu.memory_space<vmem>>, vector<16xf32>,
      tpu.vector_store %arg21[%swap3A], %broadcast_in_dim3A_37 {strides = array<i32>} : memref<16384xf32, #tpu.memory_space<vmem>>, vector<16xf32>,
    }
    %scan3A_42 = arith.constant 1024 : i32
    %iota3A = tpu.iota {dimensions = array<i32: 0>} : vector<16xi32>
    %scan3A_43 = arith.constant 0 : i32
    %scan3A_44 = arith.constant 4.000000e-02 : f32
    %scan3A_45 = arith.constant 0 : i32
    %scan3A_46 = arith.constant 64 : i32
    %scan3A_47 = arith.addi %scan3A_45, %scan3A_46 : i32
    %scan3A_48 = arith.constant 1 : i32
    scf.for %scan3A_52 = %scan3A_45 to %scan3A_47 step %scan3A_48  : i32 {
      %add3A_53 = arith.constant 64 : i32
      %add3A_54 = arith.addi %scan3A_52, %add3A_53 : i32
      %get3A = arith.index_cast %scan3A_52 : i32 to index
      %get3A_55 = tpu.vector_load %arg12[%get3A] {strides = array<i32>} : memref<144xf32, #tpu.memory_space<vmem>>, vector<16xf32>,
      %slice3A = vector.extract_strided_slice %get3A_55 {offsets = [0], sizes = [1], strides = [1]} : vector<16xf32> to vector<1xf32>
      %squeeze3A = vector.extract %slice3A[0] : f32 from vector<1xf32>
      %get3A_56 = arith.index_cast %scan3A_52 : i32 to index
      %get3A_57 = tpu.vector_load %arg13[%get3A_56] {strides = array<i32>} : memref<144xf32, #tpu.memory_space<vmem>>, vector<16xf32>,
      %slice3A_58 = vector.extract_strided_slice %get3A_57 {offsets = [0], sizes = [1], strides = [1]} : vector<16xf32> to vector<1xf32>
      %squeeze3A_59 = vector.extract %slice3A_58[0] : f32 from vector<1xf32>
      %get3A_60 = arith.index_cast %scan3A_52 : i32 to index
      %get3A_61 = tpu.vector_load %arg14[%get3A_60] {strides = array<i32>} : memref<144xf32, #tpu.memory_space<vmem>>, vector<16xf32>,
      %slice3A_62 = vector.extract_strided_slice %get3A_61 {offsets = [0], sizes = [1], strides = [1]} : vector<16xf32> to vector<1xf32>
      %squeeze3A_63 = vector.extract %slice3A_62[0] : f32 from vector<1xf32>
      %get3A_64 = arith.index_cast %add3A_54 : i32 to index
      %get3A_65 = tpu.vector_load %arg12[%get3A_64] {strides = array<i32>} : memref<144xf32, #tpu.memory_space<vmem>>, vector<16xf32>,
      %slice3A_66 = vector.extract_strided_slice %get3A_65 {offsets = [0], sizes = [1], strides = [1]} : vector<16xf32> to vector<1xf32>
      %squeeze3A_67 = vector.extract %slice3A_66[0] : f32 from vector<1xf32>
      %get3A_68 = arith.index_cast %add3A_54 : i32 to index
      %get3A_69 = tpu.vector_load %arg13[%get3A_68] {strides = array<i32>} : memref<144xf32, #tpu.memory_space<vmem>>, vector<16xf32>,
      %slice3A_70 = vector.extract_strided_slice %get3A_69 {offsets = [0], sizes = [1], strides = [1]} : vector<16xf32> to vector<1xf32>
      %squeeze3A_71 = vector.extract %slice3A_70[0] : f32 from vector<1xf32>
      %get3A_72 = arith.index_cast %add3A_54 : i32 to index
      %get3A_73 = tpu.vector_load %arg14[%get3A_72] {strides = array<i32>} : memref<144xf32, #tpu.memory_space<vmem>>, vector<16xf32>,
      %slice3A_74 = vector.extract_strided_slice %get3A_73 {offsets = [0], sizes = [1], strides = [1]} : vector<16xf32> to vector<1xf32>
      %squeeze3A_75 = vector.extract %slice3A_74[0] : f32 from vector<1xf32>
      %scan3A_76 = arith.constant 0 : i32
      %scan3A_77 = arith.constant 0 : i32
      %scan3A_78 = arith.constant 0 : i32
      %scan3A_79 = arith.constant 128 : i32
      %scan3A_80 = arith.addi %scan3A_78, %scan3A_79 : i32
      %scan3A_81 = arith.constant 1 : i32
      %scan3A_82:2 = scf.for %scan3A_227 = %scan3A_78 to %scan3A_80 step %scan3A_81 iter_args(%scan3A_228 = %scan3A_76, %scan3A_229 = %scan3A_77) -> (i32, i32)  : i32 {
        %mul3A_230 = arith.constant 2 : i32
        %mul3A_231 = arith.muli %scan3A_227, %mul3A_230 : i32
        %add3A_232 = arith.constant 0 : i32
        %add3A_233 = arith.addi %mul3A_231, %add3A_232 : i32
        %mul3A_234 = arith.constant 16 : i32
        %mul3A_235 = arith.muli %add3A_233, %mul3A_234 : i32
        %get3A_236 = arith.index_cast %mul3A_235 : i32 to index
        %get3A_237 = tpu.vector_load %arg9[%get3A_236] {strides = array<i32>} : memref<4096xf32, #tpu.memory_space<vmem>>, vector<16xf32>,
        %mul3A_238 = arith.constant 16 : i32
        %mul3A_239 = arith.muli %add3A_233, %mul3A_238 : i32
        %get3A_240 = arith.index_cast %mul3A_239 : i32 to index
        %get3A_241 = tpu.vector_load %arg10[%get3A_240] {strides = array<i32>} : memref<4096xf32, #tpu.memory_space<vmem>>, vector<16xf32>,
        %mul3A_242 = arith.constant 16 : i32
        %mul3A_243 = arith.muli %add3A_233, %mul3A_242 : i32
        %get3A_244 = arith.index_cast %mul3A_243 : i32 to index
        %get3A_245 = tpu.vector_load %arg11[%get3A_244] {strides = array<i32>} : memref<4096xf32, #tpu.memory_space<vmem>>, vector<16xf32>,
        %sub3A_246 = vector.broadcast %squeeze3A : f32 to vector<16xf32>
        %sub3A_247 = arith.subf %get3A_237, %sub3A_246 : vector<16xf32>
        %sub3A_248 = vector.broadcast %squeeze3A_59 : f32 to vector<16xf32>
        %sub3A_249 = arith.subf %get3A_241, %sub3A_248 : vector<16xf32>
        %sub3A_250 = vector.broadcast %squeeze3A_63 : f32 to vector<16xf32>
        %sub3A_251 = arith.subf %get3A_245, %sub3A_250 : vector<16xf32>
        %sub3A_252 = vector.broadcast %squeeze3A_67 : f32 to vector<16xf32>
        %sub3A_253 = arith.subf %get3A_237, %sub3A_252 : vector<16xf32>
        %sub3A_254 = vector.broadcast %squeeze3A_71 : f32 to vector<16xf32>
        %sub3A_255 = arith.subf %get3A_241, %sub3A_254 : vector<16xf32>
        %sub3A_256 = vector.broadcast %squeeze3A_75 : f32 to vector<16xf32>
        %sub3A_257 = arith.subf %get3A_245, %sub3A_256 : vector<16xf32>
        %mul3A_258 = arith.mulf %sub3A_247, %sub3A_247 : vector<16xf32>
        %mul3A_259 = arith.mulf %sub3A_249, %sub3A_249 : vector<16xf32>
        %add3A_260 = arith.addf %mul3A_258, %mul3A_259 : vector<16xf32>
        %mul3A_261 = arith.mulf %sub3A_251, %sub3A_251 : vector<16xf32>
        %add3A_262 = arith.addf %add3A_260, %mul3A_261 : vector<16xf32>
        %mul3A_263 = arith.mulf %sub3A_253, %sub3A_253 : vector<16xf32>
        %mul3A_264 = arith.mulf %sub3A_255, %sub3A_255 : vector<16xf32>
        %add3A_265 = arith.addf %mul3A_263, %mul3A_264 : vector<16xf32>
        %mul3A_266 = arith.mulf %sub3A_257, %sub3A_257 : vector<16xf32>
        %add3A_267 = arith.addf %add3A_265, %mul3A_266 : vector<16xf32>
        %le3A = vector.broadcast %scan3A_44 : f32 to vector<16xf32>
        %le3A_268 = arith.cmpf ole, %add3A_262, %le3A : vector<16xf32>
        %le3A_269 = vector.broadcast %scan3A_44 : f32 to vector<16xf32>
        %le3A_270 = arith.cmpf ole, %add3A_267, %le3A_269 : vector<16xf32>
        %all_reduce_population_count3A = tpu.all_reduce %le3A_268 {dim = 0 : i64, kind = #tpu.reduction_kind<sum>} : vector<16xi1> -> vector<16xi32>
        %slice3A_271 = vector.extract_strided_slice %all_reduce_population_count3A {offsets = [0], sizes = [1], strides = [1]} : vector<16xi32> to vector<1xi32>
        %squeeze3A_272 = vector.extract %slice3A_271[0] : i32 from vector<1xi32>
        %all_reduce_population_count3A_273 = tpu.all_reduce %le3A_270 {dim = 0 : i64, kind = #tpu.reduction_kind<sum>} : vector<16xi1> -> vector<16xi32>
        %slice3A_274 = vector.extract_strided_slice %all_reduce_population_count3A_273 {offsets = [0], sizes = [1], strides = [1]} : vector<16xi32> to vector<1xi32>
        %squeeze3A_275 = vector.extract %slice3A_274[0] : i32 from vector<1xi32>
        %swap3A = arith.index_cast %scan3A_228 : i32 to index
        %swap3A_276 = tpu.vector_load %arg15[%swap3A] masked %le3A_268 {strides = array<i32>} : memref<4112xf32, #tpu.memory_space<vmem>>, vector<16xf32>, vector<16xi1>
        tpu.vector_store %arg15[%swap3A], %sub3A_247 masked %le3A_268 {strides = array<i32>} : memref<4112xf32, #tpu.memory_space<vmem>>, vector<16xf32>, vector<16xi1>
        %swap3A_277 = arith.index_cast %scan3A_228 : i32 to index
        %swap3A_278 = tpu.vector_load %arg16[%swap3A_277] masked %le3A_268 {strides = array<i32>} : memref<4112xf32, #tpu.memory_space<vmem>>, vector<16xf32>, vector<16xi1>
        tpu.vector_store %arg16[%swap3A_277], %sub3A_249 masked %le3A_268 {strides = array<i32>} : memref<4112xf32, #tpu.memory_space<vmem>>, vector<16xf32>, vector<16xi1>
        %swap3A_279 = arith.index_cast %scan3A_228 : i32 to index
        %swap3A_280 = tpu.vector_load %arg17[%swap3A_279] masked %le3A_268 {strides = array<i32>} : memref<4112xf32, #tpu.memory_space<vmem>>, vector<16xf32>, vector<16xi1>
        tpu.vector_store %arg17[%swap3A_279], %sub3A_251 masked %le3A_268 {strides = array<i32>} : memref<4112xf32, #tpu.memory_space<vmem>>, vector<16xf32>, vector<16xi1>
        %swap3A_281 = arith.index_cast %scan3A_229 : i32 to index
        %swap3A_282 = tpu.vector_load %arg18[%swap3A_281] masked %le3A_270 {strides = array<i32>} : memref<4112xf32, #tpu.memory_space<vmem>>, vector<16xf32>, vector<16xi1>
        tpu.vector_store %arg18[%swap3A_281], %sub3A_253 masked %le3A_270 {strides = array<i32>} : memref<4112xf32, #tpu.memory_space<vmem>>, vector<16xf32>, vector<16xi1>
        %swap3A_283 = arith.index_cast %scan3A_229 : i32 to index
        %swap3A_284 = tpu.vector_load %arg19[%swap3A_283] masked %le3A_270 {strides = array<i32>} : memref<4112xf32, #tpu.memory_space<vmem>>, vector<16xf32>, vector<16xi1>
        tpu.vector_store %arg19[%swap3A_283], %sub3A_255 masked %le3A_270 {strides = array<i32>} : memref<4112xf32, #tpu.memory_space<vmem>>, vector<16xf32>, vector<16xi1>
        %swap3A_285 = arith.index_cast %scan3A_229 : i32 to index
        %swap3A_286 = tpu.vector_load %arg20[%swap3A_285] masked %le3A_270 {strides = array<i32>} : memref<4112xf32, #tpu.memory_space<vmem>>, vector<16xf32>, vector<16xi1>
        tpu.vector_store %arg20[%swap3A_285], %sub3A_257 masked %le3A_270 {strides = array<i32>} : memref<4112xf32, #tpu.memory_space<vmem>>, vector<16xf32>, vector<16xi1>
        %add3A_287 = arith.addi %scan3A_228, %squeeze3A_272 : i32
        %add3A_288 = arith.addi %scan3A_229, %squeeze3A_275 : i32
        %mul3A_289 = arith.constant 2 : i32
        %mul3A_290 = arith.muli %scan3A_227, %mul3A_289 : i32
        %add3A_291 = arith.constant 1 : i32
        %add3A_292 = arith.addi %mul3A_290, %add3A_291 : i32
        %mul3A_293 = arith.constant 16 : i32
        %mul3A_294 = arith.muli %add3A_292, %mul3A_293 : i32
        %get3A_295 = arith.index_cast %mul3A_294 : i32 to index
        %get3A_296 = tpu.vector_load %arg9[%get3A_295] {strides = array<i32>} : memref<4096xf32, #tpu.memory_space<vmem>>, vector<16xf32>,
        %mul3A_297 = arith.constant 16 : i32
        %mul3A_298 = arith.muli %add3A_292, %mul3A_297 : i32
        %get3A_299 = arith.index_cast %mul3A_298 : i32 to index
        %get3A_300 = tpu.vector_load %arg10[%get3A_299] {strides = array<i32>} : memref<4096xf32, #tpu.memory_space<vmem>>, vector<16xf32>,
        %mul3A_301 = arith.constant 16 : i32
        %mul3A_302 = arith.muli %add3A_292, %mul3A_301 : i32
        %get3A_303 = arith.index_cast %mul3A_302 : i32 to index
        %get3A_304 = tpu.vector_load %arg11[%get3A_303] {strides = array<i32>} : memref<4096xf32, #tpu.memory_space<vmem>>, vector<16xf32>,
        %sub3A_305 = vector.broadcast %squeeze3A : f32 to vector<16xf32>
        %sub3A_306 = arith.subf %get3A_296, %sub3A_305 : vector<16xf32>
        %sub3A_307 = vector.broadcast %squeeze3A_59 : f32 to vector<16xf32>
        %sub3A_308 = arith.subf %get3A_300, %sub3A_307 : vector<16xf32>
        %sub3A_309 = vector.broadcast %squeeze3A_63 : f32 to vector<16xf32>
        %sub3A_310 = arith.subf %get3A_304, %sub3A_309 : vector<16xf32>
        %sub3A_311 = vector.broadcast %squeeze3A_67 : f32 to vector<16xf32>
        %sub3A_312 = arith.subf %get3A_296, %sub3A_311 : vector<16xf32>
        %sub3A_313 = vector.broadcast %squeeze3A_71 : f32 to vector<16xf32>
        %sub3A_314 = arith.subf %get3A_300, %sub3A_313 : vector<16xf32>
        %sub3A_315 = vector.broadcast %squeeze3A_75 : f32 to vector<16xf32>
        %sub3A_316 = arith.subf %get3A_304, %sub3A_315 : vector<16xf32>
        %mul3A_317 = arith.mulf %sub3A_306, %sub3A_306 : vector<16xf32>
        %mul3A_318 = arith.mulf %sub3A_308, %sub3A_308 : vector<16xf32>
        %add3A_319 = arith.addf %mul3A_317, %mul3A_318 : vector<16xf32>
        %mul3A_320 = arith.mulf %sub3A_310, %sub3A_310 : vector<16xf32>
        %add3A_321 = arith.addf %add3A_319, %mul3A_320 : vector<16xf32>
        %mul3A_322 = arith.mulf %sub3A_312, %sub3A_312 : vector<16xf32>
        %mul3A_323 = arith.mulf %sub3A_314, %sub3A_314 : vector<16xf32>
        %add3A_324 = arith.addf %mul3A_322, %mul3A_323 : vector<16xf32>
        %mul3A_325 = arith.mulf %sub3A_316, %sub3A_316 : vector<16xf32>
        %add3A_326 = arith.addf %add3A_324, %mul3A_325 : vector<16xf32>
        %le3A_327 = vector.broadcast %scan3A_44 : f32 to vector<16xf32>
        %le3A_328 = arith.cmpf ole, %add3A_321, %le3A_327 : vector<16xf32>
        %le3A_329 = vector.broadcast %scan3A_44 : f32 to vector<16xf32>
        %le3A_330 = arith.cmpf ole, %add3A_326, %le3A_329 : vector<16xf32>
        %all_reduce_population_count3A_331 = tpu.all_reduce %le3A_328 {dim = 0 : i64, kind = #tpu.reduction_kind<sum>} : vector<16xi1> -> vector<16xi32>
        %slice3A_332 = vector.extract_strided_slice %all_reduce_population_count3A_331 {offsets = [0], sizes = [1], strides = [1]} : vector<16xi32> to vector<1xi32>
        %squeeze3A_333 = vector.extract %slice3A_332[0] : i32 from vector<1xi32>
        %all_reduce_population_count3A_334 = tpu.all_reduce %le3A_330 {dim = 0 : i64, kind = #tpu.reduction_kind<sum>} : vector<16xi1> -> vector<16xi32>
        %slice3A_335 = vector.extract_strided_slice %all_reduce_population_count3A_334 {offsets = [0], sizes = [1], strides = [1]} : vector<16xi32> to vector<1xi32>
        %squeeze3A_336 = vector.extract %slice3A_335[0] : i32 from vector<1xi32>
        %swap3A_337 = arith.index_cast %add3A_287 : i32 to index
        %swap3A_338 = tpu.vector_load %arg15[%swap3A_337] masked %le3A_328 {strides = array<i32>} : memref<4112xf32, #tpu.memory_space<vmem>>, vector<16xf32>, vector<16xi1>
        tpu.vector_store %arg15[%swap3A_337], %sub3A_306 masked %le3A_328 {strides = array<i32>} : memref<4112xf32, #tpu.memory_space<vmem>>, vector<16xf32>, vector<16xi1>
        %swap3A_339 = arith.index_cast %add3A_287 : i32 to index
        %swap3A_340 = tpu.vector_load %arg16[%swap3A_339] masked %le3A_328 {strides = array<i32>} : memref<4112xf32, #tpu.memory_space<vmem>>, vector<16xf32>, vector<16xi1>
        tpu.vector_store %arg16[%swap3A_339], %sub3A_308 masked %le3A_328 {strides = array<i32>} : memref<4112xf32, #tpu.memory_space<vmem>>, vector<16xf32>, vector<16xi1>
        %swap3A_341 = arith.index_cast %add3A_287 : i32 to index
        %swap3A_342 = tpu.vector_load %arg17[%swap3A_341] masked %le3A_328 {strides = array<i32>} : memref<4112xf32, #tpu.memory_space<vmem>>, vector<16xf32>, vector<16xi1>
        tpu.vector_store %arg17[%swap3A_341], %sub3A_310 masked %le3A_328 {strides = array<i32>} : memref<4112xf32, #tpu.memory_space<vmem>>, vector<16xf32>, vector<16xi1>
        %swap3A_343 = arith.index_cast %add3A_288 : i32 to index
        %swap3A_344 = tpu.vector_load %arg18[%swap3A_343] masked %le3A_330 {strides = array<i32>} : memref<4112xf32, #tpu.memory_space<vmem>>, vector<16xf32>, vector<16xi1>
        tpu.vector_store %arg18[%swap3A_343], %sub3A_312 masked %le3A_330 {strides = array<i32>} : memref<4112xf32, #tpu.memory_space<vmem>>, vector<16xf32>, vector<16xi1>
        %swap3A_345 = arith.index_cast %add3A_288 : i32 to index
        %swap3A_346 = tpu.vector_load %arg19[%swap3A_345] masked %le3A_330 {strides = array<i32>} : memref<4112xf32, #tpu.memory_space<vmem>>, vector<16xf32>, vector<16xi1>
        tpu.vector_store %arg19[%swap3A_345], %sub3A_314 masked %le3A_330 {strides = array<i32>} : memref<4112xf32, #tpu.memory_space<vmem>>, vector<16xf32>, vector<16xi1>
        %swap3A_347 = arith.index_cast %add3A_288 : i32 to index
        %swap3A_348 = tpu.vector_load %arg20[%swap3A_347] masked %le3A_330 {strides = array<i32>} : memref<4112xf32, #tpu.memory_space<vmem>>, vector<16xf32>, vector<16xi1>
        tpu.vector_store %arg20[%swap3A_347], %sub3A_316 masked %le3A_330 {strides = array<i32>} : memref<4112xf32, #tpu.memory_space<vmem>>, vector<16xf32>, vector<16xi1>
        %add3A_349 = arith.addi %add3A_287, %squeeze3A_333 : i32
        %add3A_350 = arith.addi %add3A_288, %squeeze3A_336 : i32
        scf.yield %add3A_349, %add3A_350 : i32, i32
      }
      %scan3A_83 = arith.constant 128 : i32
      %min3A = arith.constant 32 : i32
      %min3A_84 = arith.minsi %scan3A_82#0, %min3A : i32
      %get3A_85 = arith.constant 0 : index
      %get3A_86 = tpu.vector_load %arg15[%get3A_85] {strides = array<i32>} : memref<4112xf32, #tpu.memory_space<vmem>>, vector<16xf32>,
      %slice3A_87 = vector.extract_strided_slice %get3A_86 {offsets = [0], sizes = [1], strides = [1]} : vector<16xf32> to vector<1xf32>
      %squeeze3A_88 = vector.extract %slice3A_87[0] : f32 from vector<1xf32>
      %get3A_89 = arith.constant 0 : index
      %get3A_90 = tpu.vector_load %arg16[%get3A_89] {strides = array<i32>} : memref<4112xf32, #tpu.memory_space<vmem>>, vector<16xf32>,
      %slice3A_91 = vector.extract_strided_slice %get3A_90 {offsets = [0], sizes = [1], strides = [1]} : vector<16xf32> to vector<1xf32>
      %squeeze3A_92 = vector.extract %slice3A_91[0] : f32 from vector<1xf32>
      %get3A_93 = arith.constant 0 : index
      %get3A_94 = tpu.vector_load %arg17[%get3A_93] {strides = array<i32>} : memref<4112xf32, #tpu.memory_space<vmem>>, vector<16xf32>,
      %slice3A_95 = vector.extract_strided_slice %get3A_94 {offsets = [0], sizes = [1], strides = [1]} : vector<16xf32> to vector<1xf32>
      %squeeze3A_96 = vector.extract %slice3A_95[0] : f32 from vector<1xf32>
      %mul3A_97 = arith.constant 128 : i32
      %mul3A_98 = arith.muli %scan3A_52, %mul3A_97 : i32
      %add3A_99 = arith.constant 0 : i32
      %add3A_100 = vector.broadcast %add3A_99 : i32 to vector<16xi32>
      %add3A_101 = arith.addi %iota3A, %add3A_100 : vector<16xi32>
      %lt3A_102 = vector.broadcast %min3A_84 : i32 to vector<16xi32>
      %lt3A_103 = arith.cmpi slt, %add3A_101, %lt3A_102 : vector<16xi32>
      %get3A_104 = arith.constant 0 : index
      %get3A_105 = tpu.vector_load %arg15[%get3A_104] {strides = array<i32>} : memref<4112xf32, #tpu.memory_space<vmem>>, vector<16xf32>,
      %broadcast_in_dim3A_106 = vector.broadcast %squeeze3A_88 : f32 to vector<16xf32>
      %select_n3A_107 = arith.select %lt3A_103, %get3A_105, %broadcast_in_dim3A_106 : vector<16xi1>, vector<16xf32>
      %get3A_108 = arith.constant 0 : index
      %get3A_109 = tpu.vector_load %arg16[%get3A_108] {strides = array<i32>} : memref<4112xf32, #tpu.memory_space<vmem>>, vector<16xf32>,
      %broadcast_in_dim3A_110 = vector.broadcast %squeeze3A_92 : f32 to vector<16xf32>
      %select_n3A_111 = arith.select %lt3A_103, %get3A_109, %broadcast_in_dim3A_110 : vector<16xi1>, vector<16xf32>
      %get3A_112 = arith.constant 0 : index
      %get3A_113 = tpu.vector_load %arg17[%get3A_112] {strides = array<i32>} : memref<4112xf32, #tpu.memory_space<vmem>>, vector<16xf32>,
      %broadcast_in_dim3A_114 = vector.broadcast %squeeze3A_96 : f32 to vector<16xf32>
      %select_n3A_115 = arith.select %lt3A_103, %get3A_113, %broadcast_in_dim3A_114 : vector<16xi1>, vector<16xf32>
      %mul3A_116 = arith.constant 4 : i32
      %mul3A_117 = vector.broadcast %mul3A_116 : i32 to vector<16xi32>
      %mul3A_118 = arith.muli %add3A_101, %mul3A_117 : vector<16xi32>
      %add3A_119 = vector.broadcast %mul3A_98 : i32 to vector<16xi32>
      %add3A_120 = arith.addi %add3A_119, %mul3A_118 : vector<16xi32>
      tpu.vector_store_idx %arg21[%add3A_120], %select_n3A_107 : memref<16384xf32, #tpu.memory_space<vmem>>[vector<16xi32>], vector<16xf32>,
      %add3A_121 = arith.constant 1 : i32
      %add3A_122 = vector.broadcast %add3A_121 : i32 to vector<16xi32>
      %add3A_123 = arith.addi %add3A_120, %add3A_122 : vector<16xi32>
      tpu.vector_store_idx %arg21[%add3A_123], %select_n3A_111 : memref<16384xf32, #tpu.memory_space<vmem>>[vector<16xi32>], vector<16xf32>,
      %add3A_124 = arith.constant 2 : i32
      %add3A_125 = vector.broadcast %add3A_124 : i32 to vector<16xi32>
      %add3A_126 = arith.addi %add3A_120, %add3A_125 : vector<16xi32>
      tpu.vector_store_idx %arg21[%add3A_126], %select_n3A_115 : memref<16384xf32, #tpu.memory_space<vmem>>[vector<16xi32>], vector<16xf32>,
      %add3A_127 = arith.constant 16 : i32
      %add3A_128 = vector.broadcast %add3A_127 : i32 to vector<16xi32>
      %add3A_129 = arith.addi %iota3A, %add3A_128 : vector<16xi32>
      %lt3A_130 = vector.broadcast %min3A_84 : i32 to vector<16xi32>
      %lt3A_131 = arith.cmpi slt, %add3A_129, %lt3A_130 : vector<16xi32>
      %get3A_132 = arith.constant 16 : index
      %get3A_133 = tpu.vector_load %arg15[%get3A_132] {strides = array<i32>} : memref<4112xf32, #tpu.memory_space<vmem>>, vector<16xf32>,
      %broadcast_in_dim3A_134 = vector.broadcast %squeeze3A_88 : f32 to vector<16xf32>
      %select_n3A_135 = arith.select %lt3A_131, %get3A_133, %broadcast_in_dim3A_134 : vector<16xi1>, vector<16xf32>
      %get3A_136 = arith.constant 16 : index
      %get3A_137 = tpu.vector_load %arg16[%get3A_136] {strides = array<i32>} : memref<4112xf32, #tpu.memory_space<vmem>>, vector<16xf32>,
      %broadcast_in_dim3A_138 = vector.broadcast %squeeze3A_92 : f32 to vector<16xf32>
      %select_n3A_139 = arith.select %lt3A_131, %get3A_137, %broadcast_in_dim3A_138 : vector<16xi1>, vector<16xf32>
      %get3A_140 = arith.constant 16 : index
      %get3A_141 = tpu.vector_load %arg17[%get3A_140] {strides = array<i32>} : memref<4112xf32, #tpu.memory_space<vmem>>, vector<16xf32>,
      %broadcast_in_dim3A_142 = vector.broadcast %squeeze3A_96 : f32 to vector<16xf32>
      %select_n3A_143 = arith.select %lt3A_131, %get3A_141, %broadcast_in_dim3A_142 : vector<16xi1>, vector<16xf32>
      %mul3A_144 = arith.constant 4 : i32
      %mul3A_145 = vector.broadcast %mul3A_144 : i32 to vector<16xi32>
      %mul3A_146 = arith.muli %add3A_129, %mul3A_145 : vector<16xi32>
      %add3A_147 = vector.broadcast %mul3A_98 : i32 to vector<16xi32>
      %add3A_148 = arith.addi %add3A_147, %mul3A_146 : vector<16xi32>
      tpu.vector_store_idx %arg21[%add3A_148], %select_n3A_135 : memref<16384xf32, #tpu.memory_space<vmem>>[vector<16xi32>], vector<16xf32>,
      %add3A_149 = arith.constant 1 : i32
      %add3A_150 = vector.broadcast %add3A_149 : i32 to vector<16xi32>
      %add3A_151 = arith.addi %add3A_148, %add3A_150 : vector<16xi32>
      tpu.vector_store_idx %arg21[%add3A_151], %select_n3A_139 : memref<16384xf32, #tpu.memory_space<vmem>>[vector<16xi32>], vector<16xf32>,
      %add3A_152 = arith.constant 2 : i32
      %add3A_153 = vector.broadcast %add3A_152 : i32 to vector<16xi32>
      %add3A_154 = arith.addi %add3A_148, %add3A_153 : vector<16xi32>
      tpu.vector_store_idx %arg21[%add3A_154], %select_n3A_143 : memref<16384xf32, #tpu.memory_space<vmem>>[vector<16xi32>], vector<16xf32>,
      %min3A_155 = arith.constant 32 : i32
      %min3A_156 = arith.minsi %scan3A_82#1, %min3A_155 : i32
      %get3A_157 = arith.constant 0 : index
      %get3A_158 = tpu.vector_load %arg18[%get3A_157] {strides = array<i32>} : memref<4112xf32, #tpu.memory_space<vmem>>, vector<16xf32>,
      %slice3A_159 = vector.extract_strided_slice %get3A_158 {offsets = [0], sizes = [1], strides = [1]} : vector<16xf32> to vector<1xf32>
      %squeeze3A_160 = vector.extract %slice3A_159[0] : f32 from vector<1xf32>
      %get3A_161 = arith.constant 0 : index
      %get3A_162 = tpu.vector_load %arg19[%get3A_161] {strides = array<i32>} : memref<4112xf32, #tpu.memory_space<vmem>>, vector<16xf32>,
      %slice3A_163 = vector.extract_strided_slice %get3A_162 {offsets = [0], sizes = [1], strides = [1]} : vector<16xf32> to vector<1xf32>
      %squeeze3A_164 = vector.extract %slice3A_163[0] : f32 from vector<1xf32>
      %get3A_165 = arith.constant 0 : index
      %get3A_166 = tpu.vector_load %arg20[%get3A_165] {strides = array<i32>} : memref<4112xf32, #tpu.memory_space<vmem>>, vector<16xf32>,
      %slice3A_167 = vector.extract_strided_slice %get3A_166 {offsets = [0], sizes = [1], strides = [1]} : vector<16xf32> to vector<1xf32>
      %squeeze3A_168 = vector.extract %slice3A_167[0] : f32 from vector<1xf32>
      %mul3A_169 = arith.constant 128 : i32
      %mul3A_170 = arith.muli %add3A_54, %mul3A_169 : i32
      %add3A_171 = arith.constant 0 : i32
      %add3A_172 = vector.broadcast %add3A_171 : i32 to vector<16xi32>
      %add3A_173 = arith.addi %iota3A, %add3A_172 : vector<16xi32>
      %lt3A_174 = vector.broadcast %min3A_156 : i32 to vector<16xi32>
      %lt3A_175 = arith.cmpi slt, %add3A_173, %lt3A_174 : vector<16xi32>
      %get3A_176 = arith.constant 0 : index
      %get3A_177 = tpu.vector_load %arg18[%get3A_176] {strides = array<i32>} : memref<4112xf32, #tpu.memory_space<vmem>>, vector<16xf32>,
      %broadcast_in_dim3A_178 = vector.broadcast %squeeze3A_160 : f32 to vector<16xf32>
      %select_n3A_179 = arith.select %lt3A_175, %get3A_177, %broadcast_in_dim3A_178 : vector<16xi1>, vector<16xf32>
      %get3A_180 = arith.constant 0 : index
      %get3A_181 = tpu.vector_load %arg19[%get3A_180] {strides = array<i32>} : memref<4112xf32, #tpu.memory_space<vmem>>, vector<16xf32>,
      %broadcast_in_dim3A_182 = vector.broadcast %squeeze3A_164 : f32 to vector<16xf32>
      %select_n3A_183 = arith.select %lt3A_175, %get3A_181, %broadcast_in_dim3A_182 : vector<16xi1>, vector<16xf32>
      %get3A_184 = arith.constant 0 : index
      %get3A_185 = tpu.vector_load %arg20[%get3A_184] {strides = array<i32>} : memref<4112xf32, #tpu.memory_space<vmem>>, vector<16xf32>,
      %broadcast_in_dim3A_186 = vector.broadcast %squeeze3A_168 : f32 to vector<16xf32>
      %select_n3A_187 = arith.select %lt3A_175, %get3A_185, %broadcast_in_dim3A_186 : vector<16xi1>, vector<16xf32>
      %mul3A_188 = arith.constant 4 : i32
      %mul3A_189 = vector.broadcast %mul3A_188 : i32 to vector<16xi32>
      %mul3A_190 = arith.muli %add3A_173, %mul3A_189 : vector<16xi32>
      %add3A_191 = vector.broadcast %mul3A_170 : i32 to vector<16xi32>
      %add3A_192 = arith.addi %add3A_191, %mul3A_190 : vector<16xi32>
      tpu.vector_store_idx %arg21[%add3A_192], %select_n3A_179 : memref<16384xf32, #tpu.memory_space<vmem>>[vector<16xi32>], vector<16xf32>,
      %add3A_193 = arith.constant 1 : i32
      %add3A_194 = vector.broadcast %add3A_193 : i32 to vector<16xi32>
      %add3A_195 = arith.addi %add3A_192, %add3A_194 : vector<16xi32>
      tpu.vector_store_idx %arg21[%add3A_195], %select_n3A_183 : memref<16384xf32, #tpu.memory_space<vmem>>[vector<16xi32>], vector<16xf32>,
      %add3A_196 = arith.constant 2 : i32
      %add3A_197 = vector.broadcast %add3A_196 : i32 to vector<16xi32>
      %add3A_198 = arith.addi %add3A_192, %add3A_197 : vector<16xi32>
      tpu.vector_store_idx %arg21[%add3A_198], %select_n3A_187 : memref<16384xf32, #tpu.memory_space<vmem>>[vector<16xi32>], vector<16xf32>,
      %add3A_199 = arith.constant 16 : i32
      %add3A_200 = vector.broadcast %add3A_199 : i32 to vector<16xi32>
      %add3A_201 = arith.addi %iota3A, %add3A_200 : vector<16xi32>
      %lt3A_202 = vector.broadcast %min3A_156 : i32 to vector<16xi32>
      %lt3A_203 = arith.cmpi slt, %add3A_201, %lt3A_202 : vector<16xi32>
      %get3A_204 = arith.constant 16 : index
      %get3A_205 = tpu.vector_load %arg18[%get3A_204] {strides = array<i32>} : memref<4112xf32, #tpu.memory_space<vmem>>, vector<16xf32>,
      %broadcast_in_dim3A_206 = vector.broadcast %squeeze3A_160 : f32 to vector<16xf32>
      %select_n3A_207 = arith.select %lt3A_203, %get3A_205, %broadcast_in_dim3A_206 : vector<16xi1>, vector<16xf32>
      %get3A_208 = arith.constant 16 : index
      %get3A_209 = tpu.vector_load %arg19[%get3A_208] {strides = array<i32>} : memref<4112xf32, #tpu.memory_space<vmem>>, vector<16xf32>,
      %broadcast_in_dim3A_210 = vector.broadcast %squeeze3A_164 : f32 to vector<16xf32>
      %select_n3A_211 = arith.select %lt3A_203, %get3A_209, %broadcast_in_dim3A_210 : vector<16xi1>, vector<16xf32>
      %get3A_212 = arith.constant 16 : index
      %get3A_213 = tpu.vector_load %arg20[%get3A_212] {strides = array<i32>} : memref<4112xf32, #tpu.memory_space<vmem>>, vector<16xf32>,
      %broadcast_in_dim3A_214 = vector.broadcast %squeeze3A_168 : f32 to vector<16xf32>
      %select_n3A_215 = arith.select %lt3A_203, %get3A_213, %broadcast_in_dim3A_214 : vector<16xi1>, vector<16xf32>
      %mul3A_216 = arith.constant 4 : i32
      %mul3A_217 = vector.broadcast %mul3A_216 : i32 to vector<16xi32>
      %mul3A_218 = arith.muli %add3A_201, %mul3A_217 : vector<16xi32>
      %add3A_219 = vector.broadcast %mul3A_170 : i32 to vector<16xi32>
      %add3A_220 = arith.addi %add3A_219, %mul3A_218 : vector<16xi32>
      tpu.vector_store_idx %arg21[%add3A_220], %select_n3A_207 : memref<16384xf32, #tpu.memory_space<vmem>>[vector<16xi32>], vector<16xf32>,
      %add3A_221 = arith.constant 1 : i32
      %add3A_222 = vector.broadcast %add3A_221 : i32 to vector<16xi32>
      %add3A_223 = arith.addi %add3A_220, %add3A_222 : vector<16xi32>
      tpu.vector_store_idx %arg21[%add3A_223], %select_n3A_211 : memref<16384xf32, #tpu.memory_space<vmem>>[vector<16xi32>], vector<16xf32>,
      %add3A_224 = arith.constant 2 : i32
      %add3A_225 = vector.broadcast %add3A_224 : i32 to vector<16xi32>
      %add3A_226 = arith.addi %add3A_220, %add3A_225 : vector<16xi32>
      tpu.vector_store_idx %arg21[%add3A_226], %select_n3A_215 : memref<16384xf32, #tpu.memory_space<vmem>>[vector<16xi32>], vector<16xf32>,
    }
    %scan3A_49 = arith.constant 64 : i32
    %mul3A_50 = arith.constant 16384 : i32
    %mul3A_51 = arith.muli %select_n3A_30, %mul3A_50 : i32
    "tpu.region"() ({
      %run_scoped3A = tpu.sem_alloc : memref<!tpu.dma_semaphore, #tpu.memory_space<semaphore_mem>>
      %dma_start3A = tpu.memref_slice %arg8[%select_n3A, %mul3A_51] : memref<8x65536xf32, #tpu.memory_space<hbm>> -> memref<1x16384xf32, #tpu.memory_space<hbm>>
      %dma_start3A_52 = tpu.memref_squeeze %dma_start3A : memref<1x16384xf32, #tpu.memory_space<hbm>> -> memref<16384xf32, #tpu.memory_space<hbm>>
      %dma_start3A_53 = tpu.memref_slice %arg8[%select_n3A, %mul3A_51] : memref<8x65536xf32, #tpu.memory_space<hbm>> -> memref<1x16384xf32, #tpu.memory_space<hbm>>
      %dma_start3A_54 = tpu.memref_squeeze %dma_start3A_53 : memref<1x16384xf32, #tpu.memory_space<hbm>> -> memref<16384xf32, #tpu.memory_space<hbm>>
      tpu.enqueue_dma source(%arg21 : memref<16384xf32, #tpu.memory_space<vmem>>) target(%dma_start3A_54 : memref<16384xf32, #tpu.memory_space<hbm>>) target_semaphore(%run_scoped3A : memref<!tpu.dma_semaphore, #tpu.memory_space<semaphore_mem>>)
      %dma_wait3A = tpu.memref_slice %arg8[%select_n3A, %mul3A_51] : memref<8x65536xf32, #tpu.memory_space<hbm>> -> memref<1x16384xf32, #tpu.memory_space<hbm>>
      %dma_wait3A_55 = tpu.memref_squeeze %dma_wait3A : memref<1x16384xf32, #tpu.memory_space<hbm>> -> memref<16384xf32, #tpu.memory_space<hbm>>
      %dma_wait3A_56 = tpu.memref_slice %arg8[%select_n3A, %mul3A_51] : memref<8x65536xf32, #tpu.memory_space<hbm>> -> memref<1x16384xf32, #tpu.memory_space<hbm>>
      %dma_wait3A_57 = tpu.memref_squeeze %dma_wait3A_56 : memref<1x16384xf32, #tpu.memory_space<hbm>> -> memref<16384xf32, #tpu.memory_space<hbm>>
      tpu.wait_dma2 semaphore(%run_scoped3A : memref<!tpu.dma_semaphore, #tpu.memory_space<semaphore_mem>>) src(%arg21 : memref<16384xf32, #tpu.memory_space<vmem>>) dst(%dma_wait3A_57 : memref<16384xf32, #tpu.memory_space<hbm>>)
      tpu.yield
    }) : () -> ()
    return
  }
}

#map = affine_map<(d0, d1) -> (0, 0)>
module attributes {stable_mosaic.version = 14 : i64} {
  func.func @_bq2_body(%arg0: i32, %arg1: i32, %arg2: memref<8x512xf32, #tpu.memory_space<hbm>>, %arg3: memref<8x512xf32, #tpu.memory_space<hbm>>, %arg4: memref<8x512xf32, #tpu.memory_space<hbm>>, %arg5: memref<8x65536xf32, #tpu.memory_space<hbm>>, %arg6: memref<8x128xf32, #tpu.memory_space<hbm>>, %arg7: memref<8x128xf32, #tpu.memory_space<hbm>>, %arg8: memref<8x128xf32, #tpu.memory_space<hbm>>, %arg9: memref<8x2097152xf32, #tpu.memory_space<hbm>>, %arg10: memref<512xf32, #tpu.memory_space<vmem>>, %arg11: memref<512xf32, #tpu.memory_space<vmem>>, %arg12: memref<512xf32, #tpu.memory_space<vmem>>, %arg13: memref<65536xf32, #tpu.memory_space<vmem>>, %arg14: memref<48xf32, #tpu.memory_space<vmem>>, %arg15: memref<48xf32, #tpu.memory_space<vmem>>, %arg16: memref<48xf32, #tpu.memory_space<vmem>>, %arg17: memref<528xf32, #tpu.memory_space<vmem>>, %arg18: memref<528xf32, #tpu.memory_space<vmem>>, %arg19: memref<528xf32, #tpu.memory_space<vmem>>, %arg20: memref<528xi32, #tpu.memory_space<vmem>>, %arg21: memref<16384xf32, #tpu.memory_space<vmem>>, %arg22: memref<16384xf32, #tpu.memory_space<vmem>>, %arg23: memref<!tpu.dma_semaphore, #tpu.memory_space<semaphore_mem>>, %arg24: memref<!tpu.dma_semaphore, #tpu.memory_space<semaphore_mem>>) attributes {dimension_semantics = [#tpu.dimension_semantics<core_parallel>, #tpu.dimension_semantics<subcore_parallel>], iteration_bounds = array<i64: 2, 16>, scalar_prefetch = 0 : i64, scratch_operands = 15 : i64, tpu.core_type = #tpu.core_type<sc_vector_subcore>, window_params = [{transform_indices = #map}, {transform_indices = #map}, {transform_indices = #map}, {transform_indices = #map}, {transform_indices = #map}, {transform_indices = #map}, {transform_indices = #map}, {transform_indices = #map}]} {
    %mul3A = arith.constant 2 : i32
    %mul3A_0 = arith.muli %arg1, %mul3A : i32
    %add3A = arith.addi %mul3A_0, %arg0 : i32
    %jit3A = arith.constant 4 : i32
    %div3A = arith.divsi %add3A, %jit3A : i32
    %sign3A = arith.constant 0 : i32
    %sign3A_1 = arith.cmpi sgt, %add3A, %sign3A : i32
    %sign3A_2 = arith.extui %sign3A_1 : i1 to i32
    %sign3A_3 = arith.constant 0 : i32
    %sign3A_4 = arith.cmpi slt, %add3A, %sign3A_3 : i32
    %sign3A_5 = arith.extui %sign3A_4 : i1 to i32
    %sign3A_6 = arith.subi %sign3A_2, %sign3A_5 : i32
    %sign3A_7 = arith.constant 0 : i32
    %sign3A_8 = arith.cmpi sgt, %jit3A, %sign3A_7 : i32
    %sign3A_9 = arith.extui %sign3A_8 : i1 to i32
    %sign3A_10 = arith.constant 0 : i32
    %sign3A_11 = arith.cmpi slt, %jit3A, %sign3A_10 : i32
    %sign3A_12 = arith.extui %sign3A_11 : i1 to i32
    %sign3A_13 = arith.subi %sign3A_9, %sign3A_12 : i32
    %ne3A = arith.cmpi ne, %sign3A_6, %sign3A_13 : i32
    %rem3A = arith.remsi %add3A, %jit3A : i32
    %ne3A_14 = arith.constant 0 : i32
    %ne3A_15 = arith.cmpi ne, %rem3A, %ne3A_14 : i32
    %and3A = arith.andi %ne3A, %ne3A_15 : i1
    %sub3A = arith.constant 1 : i32
    %sub3A_16 = arith.subi %div3A, %sub3A : i32
    %select_n3A = arith.select %and3A, %sub3A_16, %div3A : i32
    %jit3A_17 = arith.constant 4 : i32
    %eq3A = arith.constant 0 : i32
    %eq3A_18 = arith.cmpi eq, %jit3A_17, %eq3A : i32
    %jit3A_19 = arith.constant 1 : i32
    %select_n3A_20 = arith.select %eq3A_18, %jit3A_19, %jit3A_17 : i32
    %rem3A_21 = arith.remsi %add3A, %select_n3A_20 : i32
    %ne3A_22 = arith.constant 0 : i32
    %ne3A_23 = arith.cmpi ne, %rem3A_21, %ne3A_22 : i32
    %lt3A = arith.constant 0 : i32
    %lt3A_24 = arith.cmpi slt, %rem3A_21, %lt3A : i32
    %lt3A_25 = arith.constant 0 : i32
    %lt3A_26 = arith.cmpi slt, %select_n3A_20, %lt3A_25 : i32
    %ne3A_27 = arith.xori %lt3A_24, %lt3A_26 : i1
    %and3A_28 = arith.andi %ne3A_27, %ne3A_23 : i1
    %add3A_29 = arith.addi %rem3A_21, %select_n3A_20 : i32
    %select_n3A_30 = arith.select %and3A_28, %add3A_29, %rem3A_21 : i32
    "tpu.region"() ({
      %run_scoped3A = tpu.sem_alloc : memref<!tpu.dma_semaphore, #tpu.memory_space<semaphore_mem>>
      %dma_start3A = arith.constant 0 : i32
      %dma_start3A_65 = tpu.memref_slice %arg2[%select_n3A, %dma_start3A] : memref<8x512xf32, #tpu.memory_space<hbm>> -> memref<1x512xf32, #tpu.memory_space<hbm>>
      %dma_start3A_66 = tpu.memref_squeeze %dma_start3A_65 : memref<1x512xf32, #tpu.memory_space<hbm>> -> memref<512xf32, #tpu.memory_space<hbm>>
      %dma_start3A_67 = arith.constant 0 : i32
      %dma_start3A_68 = tpu.memref_slice %arg2[%select_n3A, %dma_start3A_67] : memref<8x512xf32, #tpu.memory_space<hbm>> -> memref<1x512xf32, #tpu.memory_space<hbm>>
      %dma_start3A_69 = tpu.memref_squeeze %dma_start3A_68 : memref<1x512xf32, #tpu.memory_space<hbm>> -> memref<512xf32, #tpu.memory_space<hbm>>
      tpu.enqueue_dma source(%dma_start3A_69 : memref<512xf32, #tpu.memory_space<hbm>>) target(%arg10 : memref<512xf32, #tpu.memory_space<vmem>>) target_semaphore(%run_scoped3A : memref<!tpu.dma_semaphore, #tpu.memory_space<semaphore_mem>>)
      %dma_wait3A_70 = arith.constant 0 : i32
      %dma_wait3A_71 = tpu.memref_slice %arg2[%select_n3A, %dma_wait3A_70] : memref<8x512xf32, #tpu.memory_space<hbm>> -> memref<1x512xf32, #tpu.memory_space<hbm>>
      %dma_wait3A_72 = tpu.memref_squeeze %dma_wait3A_71 : memref<1x512xf32, #tpu.memory_space<hbm>> -> memref<512xf32, #tpu.memory_space<hbm>>
      %dma_wait3A_73 = arith.constant 0 : i32
      %dma_wait3A_74 = tpu.memref_slice %arg2[%select_n3A, %dma_wait3A_73] : memref<8x512xf32, #tpu.memory_space<hbm>> -> memref<1x512xf32, #tpu.memory_space<hbm>>
      %dma_wait3A_75 = tpu.memref_squeeze %dma_wait3A_74 : memref<1x512xf32, #tpu.memory_space<hbm>> -> memref<512xf32, #tpu.memory_space<hbm>>
      tpu.wait_dma2 semaphore(%run_scoped3A : memref<!tpu.dma_semaphore, #tpu.memory_space<semaphore_mem>>) src(%dma_wait3A_75 : memref<512xf32, #tpu.memory_space<hbm>>) dst(%arg10 : memref<512xf32, #tpu.memory_space<vmem>>)
      tpu.yield
    }) : () -> ()
    "tpu.region"() ({
      %run_scoped3A = tpu.sem_alloc : memref<!tpu.dma_semaphore, #tpu.memory_space<semaphore_mem>>
      %dma_start3A = arith.constant 0 : i32
      %dma_start3A_65 = tpu.memref_slice %arg3[%select_n3A, %dma_start3A] : memref<8x512xf32, #tpu.memory_space<hbm>> -> memref<1x512xf32, #tpu.memory_space<hbm>>
      %dma_start3A_66 = tpu.memref_squeeze %dma_start3A_65 : memref<1x512xf32, #tpu.memory_space<hbm>> -> memref<512xf32, #tpu.memory_space<hbm>>
      %dma_start3A_67 = arith.constant 0 : i32
      %dma_start3A_68 = tpu.memref_slice %arg3[%select_n3A, %dma_start3A_67] : memref<8x512xf32, #tpu.memory_space<hbm>> -> memref<1x512xf32, #tpu.memory_space<hbm>>
      %dma_start3A_69 = tpu.memref_squeeze %dma_start3A_68 : memref<1x512xf32, #tpu.memory_space<hbm>> -> memref<512xf32, #tpu.memory_space<hbm>>
      tpu.enqueue_dma source(%dma_start3A_69 : memref<512xf32, #tpu.memory_space<hbm>>) target(%arg11 : memref<512xf32, #tpu.memory_space<vmem>>) target_semaphore(%run_scoped3A : memref<!tpu.dma_semaphore, #tpu.memory_space<semaphore_mem>>)
      %dma_wait3A_70 = arith.constant 0 : i32
      %dma_wait3A_71 = tpu.memref_slice %arg3[%select_n3A, %dma_wait3A_70] : memref<8x512xf32, #tpu.memory_space<hbm>> -> memref<1x512xf32, #tpu.memory_space<hbm>>
      %dma_wait3A_72 = tpu.memref_squeeze %dma_wait3A_71 : memref<1x512xf32, #tpu.memory_space<hbm>> -> memref<512xf32, #tpu.memory_space<hbm>>
      %dma_wait3A_73 = arith.constant 0 : i32
      %dma_wait3A_74 = tpu.memref_slice %arg3[%select_n3A, %dma_wait3A_73] : memref<8x512xf32, #tpu.memory_space<hbm>> -> memref<1x512xf32, #tpu.memory_space<hbm>>
      %dma_wait3A_75 = tpu.memref_squeeze %dma_wait3A_74 : memref<1x512xf32, #tpu.memory_space<hbm>> -> memref<512xf32, #tpu.memory_space<hbm>>
      tpu.wait_dma2 semaphore(%run_scoped3A : memref<!tpu.dma_semaphore, #tpu.memory_space<semaphore_mem>>) src(%dma_wait3A_75 : memref<512xf32, #tpu.memory_space<hbm>>) dst(%arg11 : memref<512xf32, #tpu.memory_space<vmem>>)
      tpu.yield
    }) : () -> ()
    "tpu.region"() ({
      %run_scoped3A = tpu.sem_alloc : memref<!tpu.dma_semaphore, #tpu.memory_space<semaphore_mem>>
      %dma_start3A = arith.constant 0 : i32
      %dma_start3A_65 = tpu.memref_slice %arg4[%select_n3A, %dma_start3A] : memref<8x512xf32, #tpu.memory_space<hbm>> -> memref<1x512xf32, #tpu.memory_space<hbm>>
      %dma_start3A_66 = tpu.memref_squeeze %dma_start3A_65 : memref<1x512xf32, #tpu.memory_space<hbm>> -> memref<512xf32, #tpu.memory_space<hbm>>
      %dma_start3A_67 = arith.constant 0 : i32
      %dma_start3A_68 = tpu.memref_slice %arg4[%select_n3A, %dma_start3A_67] : memref<8x512xf32, #tpu.memory_space<hbm>> -> memref<1x512xf32, #tpu.memory_space<hbm>>
      %dma_start3A_69 = tpu.memref_squeeze %dma_start3A_68 : memref<1x512xf32, #tpu.memory_space<hbm>> -> memref<512xf32, #tpu.memory_space<hbm>>
      tpu.enqueue_dma source(%dma_start3A_69 : memref<512xf32, #tpu.memory_space<hbm>>) target(%arg12 : memref<512xf32, #tpu.memory_space<vmem>>) target_semaphore(%run_scoped3A : memref<!tpu.dma_semaphore, #tpu.memory_space<semaphore_mem>>)
      %dma_wait3A_70 = arith.constant 0 : i32
      %dma_wait3A_71 = tpu.memref_slice %arg4[%select_n3A, %dma_wait3A_70] : memref<8x512xf32, #tpu.memory_space<hbm>> -> memref<1x512xf32, #tpu.memory_space<hbm>>
      %dma_wait3A_72 = tpu.memref_squeeze %dma_wait3A_71 : memref<1x512xf32, #tpu.memory_space<hbm>> -> memref<512xf32, #tpu.memory_space<hbm>>
      %dma_wait3A_73 = arith.constant 0 : i32
      %dma_wait3A_74 = tpu.memref_slice %arg4[%select_n3A, %dma_wait3A_73] : memref<8x512xf32, #tpu.memory_space<hbm>> -> memref<1x512xf32, #tpu.memory_space<hbm>>
      %dma_wait3A_75 = tpu.memref_squeeze %dma_wait3A_74 : memref<1x512xf32, #tpu.memory_space<hbm>> -> memref<512xf32, #tpu.memory_space<hbm>>
      tpu.wait_dma2 semaphore(%run_scoped3A : memref<!tpu.dma_semaphore, #tpu.memory_space<semaphore_mem>>) src(%dma_wait3A_75 : memref<512xf32, #tpu.memory_space<hbm>>) dst(%arg12 : memref<512xf32, #tpu.memory_space<vmem>>)
      tpu.yield
    }) : () -> ()
    "tpu.region"() ({
      %run_scoped3A = tpu.sem_alloc : memref<!tpu.dma_semaphore, #tpu.memory_space<semaphore_mem>>
      %dma_start3A = arith.constant 0 : i32
      %dma_start3A_65 = tpu.memref_slice %arg5[%select_n3A, %dma_start3A] : memref<8x65536xf32, #tpu.memory_space<hbm>> -> memref<1x65536xf32, #tpu.memory_space<hbm>>
      %dma_start3A_66 = tpu.memref_squeeze %dma_start3A_65 : memref<1x65536xf32, #tpu.memory_space<hbm>> -> memref<65536xf32, #tpu.memory_space<hbm>>
      %dma_start3A_67 = arith.constant 0 : i32
      %dma_start3A_68 = tpu.memref_slice %arg5[%select_n3A, %dma_start3A_67] : memref<8x65536xf32, #tpu.memory_space<hbm>> -> memref<1x65536xf32, #tpu.memory_space<hbm>>
      %dma_start3A_69 = tpu.memref_squeeze %dma_start3A_68 : memref<1x65536xf32, #tpu.memory_space<hbm>> -> memref<65536xf32, #tpu.memory_space<hbm>>
      tpu.enqueue_dma source(%dma_start3A_69 : memref<65536xf32, #tpu.memory_space<hbm>>) target(%arg13 : memref<65536xf32, #tpu.memory_space<vmem>>) target_semaphore(%run_scoped3A : memref<!tpu.dma_semaphore, #tpu.memory_space<semaphore_mem>>)
      %dma_wait3A_70 = arith.constant 0 : i32
      %dma_wait3A_71 = tpu.memref_slice %arg5[%select_n3A, %dma_wait3A_70] : memref<8x65536xf32, #tpu.memory_space<hbm>> -> memref<1x65536xf32, #tpu.memory_space<hbm>>
      %dma_wait3A_72 = tpu.memref_squeeze %dma_wait3A_71 : memref<1x65536xf32, #tpu.memory_space<hbm>> -> memref<65536xf32, #tpu.memory_space<hbm>>
      %dma_wait3A_73 = arith.constant 0 : i32
      %dma_wait3A_74 = tpu.memref_slice %arg5[%select_n3A, %dma_wait3A_73] : memref<8x65536xf32, #tpu.memory_space<hbm>> -> memref<1x65536xf32, #tpu.memory_space<hbm>>
      %dma_wait3A_75 = tpu.memref_squeeze %dma_wait3A_74 : memref<1x65536xf32, #tpu.memory_space<hbm>> -> memref<65536xf32, #tpu.memory_space<hbm>>
      tpu.wait_dma2 semaphore(%run_scoped3A : memref<!tpu.dma_semaphore, #tpu.memory_space<semaphore_mem>>) src(%dma_wait3A_75 : memref<65536xf32, #tpu.memory_space<hbm>>) dst(%arg13 : memref<65536xf32, #tpu.memory_space<vmem>>)
      tpu.yield
    }) : () -> ()
    %mul3A_31 = arith.constant 32 : i32
    %mul3A_32 = arith.muli %select_n3A_30, %mul3A_31 : i32
    "tpu.region"() ({
      %run_scoped3A = tpu.sem_alloc : memref<!tpu.dma_semaphore, #tpu.memory_space<semaphore_mem>>
      %dma_start3A = arith.constant 0 : i32
      %dma_start3A_65 = tpu.memref_slice %arg14[%dma_start3A] : memref<48xf32, #tpu.memory_space<vmem>> -> memref<32xf32, #tpu.memory_space<vmem>>
      %dma_start3A_66 = tpu.memref_slice %arg6[%select_n3A, %mul3A_32] : memref<8x128xf32, #tpu.memory_space<hbm>> -> memref<1x32xf32, #tpu.memory_space<hbm>>
      %dma_start3A_67 = tpu.memref_squeeze %dma_start3A_66 : memref<1x32xf32, #tpu.memory_space<hbm>> -> memref<32xf32, #tpu.memory_space<hbm>>
      %dma_start3A_68 = arith.constant 0 : i32
      %dma_start3A_69 = tpu.memref_slice %arg14[%dma_start3A_68] : memref<48xf32, #tpu.memory_space<vmem>> -> memref<32xf32, #tpu.memory_space<vmem>>
      %dma_start3A_70 = tpu.memref_slice %arg6[%select_n3A, %mul3A_32] : memref<8x128xf32, #tpu.memory_space<hbm>> -> memref<1x32xf32, #tpu.memory_space<hbm>>
      %dma_start3A_71 = tpu.memref_squeeze %dma_start3A_70 : memref<1x32xf32, #tpu.memory_space<hbm>> -> memref<32xf32, #tpu.memory_space<hbm>>
      tpu.enqueue_dma source(%dma_start3A_71 : memref<32xf32, #tpu.memory_space<hbm>>) target(%dma_start3A_69 : memref<32xf32, #tpu.memory_space<vmem>>) target_semaphore(%run_scoped3A : memref<!tpu.dma_semaphore, #tpu.memory_space<semaphore_mem>>)
      %dma_wait3A_72 = arith.constant 0 : i32
      %dma_wait3A_73 = tpu.memref_slice %arg14[%dma_wait3A_72] : memref<48xf32, #tpu.memory_space<vmem>> -> memref<32xf32, #tpu.memory_space<vmem>>
      %dma_wait3A_74 = tpu.memref_slice %arg6[%select_n3A, %mul3A_32] : memref<8x128xf32, #tpu.memory_space<hbm>> -> memref<1x32xf32, #tpu.memory_space<hbm>>
      %dma_wait3A_75 = tpu.memref_squeeze %dma_wait3A_74 : memref<1x32xf32, #tpu.memory_space<hbm>> -> memref<32xf32, #tpu.memory_space<hbm>>
      %dma_wait3A_76 = arith.constant 0 : i32
      %dma_wait3A_77 = tpu.memref_slice %arg14[%dma_wait3A_76] : memref<48xf32, #tpu.memory_space<vmem>> -> memref<32xf32, #tpu.memory_space<vmem>>
      %dma_wait3A_78 = tpu.memref_slice %arg6[%select_n3A, %mul3A_32] : memref<8x128xf32, #tpu.memory_space<hbm>> -> memref<1x32xf32, #tpu.memory_space<hbm>>
      %dma_wait3A_79 = tpu.memref_squeeze %dma_wait3A_78 : memref<1x32xf32, #tpu.memory_space<hbm>> -> memref<32xf32, #tpu.memory_space<hbm>>
      tpu.wait_dma2 semaphore(%run_scoped3A : memref<!tpu.dma_semaphore, #tpu.memory_space<semaphore_mem>>) src(%dma_wait3A_79 : memref<32xf32, #tpu.memory_space<hbm>>) dst(%dma_wait3A_77 : memref<32xf32, #tpu.memory_space<vmem>>)
      tpu.yield
    }) : () -> ()
    %mul3A_33 = arith.constant 32 : i32
    %mul3A_34 = arith.muli %select_n3A_30, %mul3A_33 : i32
    "tpu.region"() ({
      %run_scoped3A = tpu.sem_alloc : memref<!tpu.dma_semaphore, #tpu.memory_space<semaphore_mem>>
      %dma_start3A = arith.constant 0 : i32
      %dma_start3A_65 = tpu.memref_slice %arg15[%dma_start3A] : memref<48xf32, #tpu.memory_space<vmem>> -> memref<32xf32, #tpu.memory_space<vmem>>
      %dma_start3A_66 = tpu.memref_slice %arg7[%select_n3A, %mul3A_34] : memref<8x128xf32, #tpu.memory_space<hbm>> -> memref<1x32xf32, #tpu.memory_space<hbm>>
      %dma_start3A_67 = tpu.memref_squeeze %dma_start3A_66 : memref<1x32xf32, #tpu.memory_space<hbm>> -> memref<32xf32, #tpu.memory_space<hbm>>
      %dma_start3A_68 = arith.constant 0 : i32
      %dma_start3A_69 = tpu.memref_slice %arg15[%dma_start3A_68] : memref<48xf32, #tpu.memory_space<vmem>> -> memref<32xf32, #tpu.memory_space<vmem>>
      %dma_start3A_70 = tpu.memref_slice %arg7[%select_n3A, %mul3A_34] : memref<8x128xf32, #tpu.memory_space<hbm>> -> memref<1x32xf32, #tpu.memory_space<hbm>>
      %dma_start3A_71 = tpu.memref_squeeze %dma_start3A_70 : memref<1x32xf32, #tpu.memory_space<hbm>> -> memref<32xf32, #tpu.memory_space<hbm>>
      tpu.enqueue_dma source(%dma_start3A_71 : memref<32xf32, #tpu.memory_space<hbm>>) target(%dma_start3A_69 : memref<32xf32, #tpu.memory_space<vmem>>) target_semaphore(%run_scoped3A : memref<!tpu.dma_semaphore, #tpu.memory_space<semaphore_mem>>)
      %dma_wait3A_72 = arith.constant 0 : i32
      %dma_wait3A_73 = tpu.memref_slice %arg15[%dma_wait3A_72] : memref<48xf32, #tpu.memory_space<vmem>> -> memref<32xf32, #tpu.memory_space<vmem>>
      %dma_wait3A_74 = tpu.memref_slice %arg7[%select_n3A, %mul3A_34] : memref<8x128xf32, #tpu.memory_space<hbm>> -> memref<1x32xf32, #tpu.memory_space<hbm>>
      %dma_wait3A_75 = tpu.memref_squeeze %dma_wait3A_74 : memref<1x32xf32, #tpu.memory_space<hbm>> -> memref<32xf32, #tpu.memory_space<hbm>>
      %dma_wait3A_76 = arith.constant 0 : i32
      %dma_wait3A_77 = tpu.memref_slice %arg15[%dma_wait3A_76] : memref<48xf32, #tpu.memory_space<vmem>> -> memref<32xf32, #tpu.memory_space<vmem>>
      %dma_wait3A_78 = tpu.memref_slice %arg7[%select_n3A, %mul3A_34] : memref<8x128xf32, #tpu.memory_space<hbm>> -> memref<1x32xf32, #tpu.memory_space<hbm>>
      %dma_wait3A_79 = tpu.memref_squeeze %dma_wait3A_78 : memref<1x32xf32, #tpu.memory_space<hbm>> -> memref<32xf32, #tpu.memory_space<hbm>>
      tpu.wait_dma2 semaphore(%run_scoped3A : memref<!tpu.dma_semaphore, #tpu.memory_space<semaphore_mem>>) src(%dma_wait3A_79 : memref<32xf32, #tpu.memory_space<hbm>>) dst(%dma_wait3A_77 : memref<32xf32, #tpu.memory_space<vmem>>)
      tpu.yield
    }) : () -> ()
    %mul3A_35 = arith.constant 32 : i32
    %mul3A_36 = arith.muli %select_n3A_30, %mul3A_35 : i32
    "tpu.region"() ({
      %run_scoped3A = tpu.sem_alloc : memref<!tpu.dma_semaphore, #tpu.memory_space<semaphore_mem>>
      %dma_start3A = arith.constant 0 : i32
      %dma_start3A_65 = tpu.memref_slice %arg16[%dma_start3A] : memref<48xf32, #tpu.memory_space<vmem>> -> memref<32xf32, #tpu.memory_space<vmem>>
      %dma_start3A_66 = tpu.memref_slice %arg8[%select_n3A, %mul3A_36] : memref<8x128xf32, #tpu.memory_space<hbm>> -> memref<1x32xf32, #tpu.memory_space<hbm>>
      %dma_start3A_67 = tpu.memref_squeeze %dma_start3A_66 : memref<1x32xf32, #tpu.memory_space<hbm>> -> memref<32xf32, #tpu.memory_space<hbm>>
      %dma_start3A_68 = arith.constant 0 : i32
      %dma_start3A_69 = tpu.memref_slice %arg16[%dma_start3A_68] : memref<48xf32, #tpu.memory_space<vmem>> -> memref<32xf32, #tpu.memory_space<vmem>>
      %dma_start3A_70 = tpu.memref_slice %arg8[%select_n3A, %mul3A_36] : memref<8x128xf32, #tpu.memory_space<hbm>> -> memref<1x32xf32, #tpu.memory_space<hbm>>
      %dma_start3A_71 = tpu.memref_squeeze %dma_start3A_70 : memref<1x32xf32, #tpu.memory_space<hbm>> -> memref<32xf32, #tpu.memory_space<hbm>>
      tpu.enqueue_dma source(%dma_start3A_71 : memref<32xf32, #tpu.memory_space<hbm>>) target(%dma_start3A_69 : memref<32xf32, #tpu.memory_space<vmem>>) target_semaphore(%run_scoped3A : memref<!tpu.dma_semaphore, #tpu.memory_space<semaphore_mem>>)
      %dma_wait3A_72 = arith.constant 0 : i32
      %dma_wait3A_73 = tpu.memref_slice %arg16[%dma_wait3A_72] : memref<48xf32, #tpu.memory_space<vmem>> -> memref<32xf32, #tpu.memory_space<vmem>>
      %dma_wait3A_74 = tpu.memref_slice %arg8[%select_n3A, %mul3A_36] : memref<8x128xf32, #tpu.memory_space<hbm>> -> memref<1x32xf32, #tpu.memory_space<hbm>>
      %dma_wait3A_75 = tpu.memref_squeeze %dma_wait3A_74 : memref<1x32xf32, #tpu.memory_space<hbm>> -> memref<32xf32, #tpu.memory_space<hbm>>
      %dma_wait3A_76 = arith.constant 0 : i32
      %dma_wait3A_77 = tpu.memref_slice %arg16[%dma_wait3A_76] : memref<48xf32, #tpu.memory_space<vmem>> -> memref<32xf32, #tpu.memory_space<vmem>>
      %dma_wait3A_78 = tpu.memref_slice %arg8[%select_n3A, %mul3A_36] : memref<8x128xf32, #tpu.memory_space<hbm>> -> memref<1x32xf32, #tpu.memory_space<hbm>>
      %dma_wait3A_79 = tpu.memref_squeeze %dma_wait3A_78 : memref<1x32xf32, #tpu.memory_space<hbm>> -> memref<32xf32, #tpu.memory_space<hbm>>
      tpu.wait_dma2 semaphore(%run_scoped3A : memref<!tpu.dma_semaphore, #tpu.memory_space<semaphore_mem>>) src(%dma_wait3A_79 : memref<32xf32, #tpu.memory_space<hbm>>) dst(%dma_wait3A_77 : memref<32xf32, #tpu.memory_space<vmem>>)
      tpu.yield
    }) : () -> ()
    %broadcast_in_dim3A = arith.constant 0.000000e+00 : f32
    %broadcast_in_dim3A_37 = vector.broadcast %broadcast_in_dim3A : f32 to vector<16xf32>
    %scan3A = arith.constant 0 : i32
    %scan3A_38 = arith.constant 0 : i32
    %scan3A_39 = arith.constant 1024 : i32
    %scan3A_40 = arith.addi %scan3A_38, %scan3A_39 : i32
    %scan3A_41 = arith.constant 1 : i32
    scf.for %scan3A_65 = %scan3A_38 to %scan3A_40 step %scan3A_41  : i32 {
      %mul3A_66 = arith.constant 16 : i32
      %mul3A_67 = arith.muli %scan3A_65, %mul3A_66 : i32
      %swap3A = arith.index_cast %mul3A_67 : i32 to index
      %swap3A_68 = tpu.vector_load %arg21[%swap3A] {strides = array<i32>} : memref<16384xf32, #tpu.memory_space<vmem>>, vector<16xf32>,
      tpu.vector_store %arg21[%swap3A], %broadcast_in_dim3A_37 {strides = array<i32>} : memref<16384xf32, #tpu.memory_space<vmem>>, vector<16xf32>,
      %mul3A_69 = arith.constant 16 : i32
      %mul3A_70 = arith.muli %scan3A_65, %mul3A_69 : i32
      %swap3A_71 = arith.index_cast %mul3A_70 : i32 to index
      %swap3A_72 = tpu.vector_load %arg22[%swap3A_71] {strides = array<i32>} : memref<16384xf32, #tpu.memory_space<vmem>>, vector<16xf32>,
      tpu.vector_store %arg22[%swap3A_71], %broadcast_in_dim3A_37 {strides = array<i32>} : memref<16384xf32, #tpu.memory_space<vmem>>, vector<16xf32>,
    }
    %scan3A_42 = arith.constant 1024 : i32
    %iota3A = tpu.iota {dimensions = array<i32: 0>} : vector<16xi32>
    %scan3A_43 = arith.constant 0 : i32
    %scan3A_44 = arith.constant 1.600000e-01 : f32
    %scan3A_45 = arith.constant 0 : i32
    %scan3A_46 = arith.constant 16 : i32
    %scan3A_47 = arith.addi %scan3A_45, %scan3A_46 : i32
    %scan3A_48 = arith.constant 1 : i32
    scf.for %scan3A_65 = %scan3A_45 to %scan3A_47 step %scan3A_48  : i32 {
      %mul3A_66 = arith.constant 2 : i32
      %mul3A_67 = arith.muli %scan3A_65, %mul3A_66 : i32
      %add3A_68 = arith.constant 0 : i32
      %add3A_69 = arith.addi %mul3A_67, %add3A_68 : i32
      %mul3A_70 = arith.constant 32 : i32
      %mul3A_71 = arith.muli %select_n3A_30, %mul3A_70 : i32
      %add3A_72 = arith.addi %mul3A_71, %add3A_69 : i32
      %mul3A_73 = arith.constant 16384 : i32
      %mul3A_74 = arith.muli %add3A_72, %mul3A_73 : i32
      %gt3A = arith.constant 0 : i32
      %gt3A_75 = arith.cmpi sgt, %scan3A_65, %gt3A : i32
      %convert_element_type3A = arith.extui %gt3A_75 : i1 to i32
      %cond3A = arith.constant 0 : i32
      %cond3A_76 = arith.cmpi ne, %convert_element_type3A, %cond3A : i32
      scf.if %cond3A_76 {
        %dma_wait3A_388 = tpu.memref_slice %arg9[%select_n3A, %mul3A_74] : memref<8x2097152xf32, #tpu.memory_space<hbm>> -> memref<1x16384xf32, #tpu.memory_space<hbm>>
        %dma_wait3A_389 = tpu.memref_squeeze %dma_wait3A_388 : memref<1x16384xf32, #tpu.memory_space<hbm>> -> memref<16384xf32, #tpu.memory_space<hbm>>
        %dma_wait3A_390 = tpu.memref_slice %arg9[%select_n3A, %mul3A_74] : memref<8x2097152xf32, #tpu.memory_space<hbm>> -> memref<1x16384xf32, #tpu.memory_space<hbm>>
        %dma_wait3A_391 = tpu.memref_squeeze %dma_wait3A_390 : memref<1x16384xf32, #tpu.memory_space<hbm>> -> memref<16384xf32, #tpu.memory_space<hbm>>
        tpu.wait_dma2 semaphore(%arg23 : memref<!tpu.dma_semaphore, #tpu.memory_space<semaphore_mem>>) src(%arg21 : memref<16384xf32, #tpu.memory_space<vmem>>) dst(%dma_wait3A_391 : memref<16384xf32, #tpu.memory_space<hbm>>)
      } else {
      }
      %get3A = arith.index_cast %add3A_69 : i32 to index
      %get3A_77 = tpu.vector_load %arg14[%get3A] {strides = array<i32>} : memref<48xf32, #tpu.memory_space<vmem>>, vector<16xf32>,
      %slice3A = vector.extract_strided_slice %get3A_77 {offsets = [0], sizes = [1], strides = [1]} : vector<16xf32> to vector<1xf32>
      %squeeze3A = vector.extract %slice3A[0] : f32 from vector<1xf32>
      %get3A_78 = arith.index_cast %add3A_69 : i32 to index
      %get3A_79 = tpu.vector_load %arg15[%get3A_78] {strides = array<i32>} : memref<48xf32, #tpu.memory_space<vmem>>, vector<16xf32>,
      %slice3A_80 = vector.extract_strided_slice %get3A_79 {offsets = [0], sizes = [1], strides = [1]} : vector<16xf32> to vector<1xf32>
      %squeeze3A_81 = vector.extract %slice3A_80[0] : f32 from vector<1xf32>
      %get3A_82 = arith.index_cast %add3A_69 : i32 to index
      %get3A_83 = tpu.vector_load %arg16[%get3A_82] {strides = array<i32>} : memref<48xf32, #tpu.memory_space<vmem>>, vector<16xf32>,
      %slice3A_84 = vector.extract_strided_slice %get3A_83 {offsets = [0], sizes = [1], strides = [1]} : vector<16xf32> to vector<1xf32>
      %squeeze3A_85 = vector.extract %slice3A_84[0] : f32 from vector<1xf32>
      %scan3A_86 = arith.constant 0 : i32
      %scan3A_87 = arith.constant 0 : i32
      %scan3A_88 = arith.constant 32 : i32
      %scan3A_89 = arith.addi %scan3A_87, %scan3A_88 : i32
      %scan3A_90 = arith.constant 1 : i32
      %scan3A_91 = scf.for %scan3A_388 = %scan3A_87 to %scan3A_89 step %scan3A_90 iter_args(%scan3A_389 = %scan3A_86) -> (i32)  : i32 {
        %mul3A_390 = arith.constant 16 : i32
        %mul3A_391 = arith.muli %scan3A_388, %mul3A_390 : i32
        %get3A_392 = arith.index_cast %mul3A_391 : i32 to index
        %get3A_393 = tpu.vector_load %arg10[%get3A_392] {strides = array<i32>} : memref<512xf32, #tpu.memory_space<vmem>>, vector<16xf32>,
        %mul3A_394 = arith.constant 16 : i32
        %mul3A_395 = arith.muli %scan3A_388, %mul3A_394 : i32
        %get3A_396 = arith.index_cast %mul3A_395 : i32 to index
        %get3A_397 = tpu.vector_load %arg11[%get3A_396] {strides = array<i32>} : memref<512xf32, #tpu.memory_space<vmem>>, vector<16xf32>,
        %mul3A_398 = arith.constant 16 : i32
        %mul3A_399 = arith.muli %scan3A_388, %mul3A_398 : i32
        %get3A_400 = arith.index_cast %mul3A_399 : i32 to index
        %get3A_401 = tpu.vector_load %arg12[%get3A_400] {strides = array<i32>} : memref<512xf32, #tpu.memory_space<vmem>>, vector<16xf32>,
        %sub3A_402 = vector.broadcast %squeeze3A : f32 to vector<16xf32>
        %sub3A_403 = arith.subf %get3A_393, %sub3A_402 : vector<16xf32>
        %sub3A_404 = vector.broadcast %squeeze3A_81 : f32 to vector<16xf32>
        %sub3A_405 = arith.subf %get3A_397, %sub3A_404 : vector<16xf32>
        %sub3A_406 = vector.broadcast %squeeze3A_85 : f32 to vector<16xf32>
        %sub3A_407 = arith.subf %get3A_401, %sub3A_406 : vector<16xf32>
        %mul3A_408 = arith.mulf %sub3A_403, %sub3A_403 : vector<16xf32>
        %mul3A_409 = arith.mulf %sub3A_405, %sub3A_405 : vector<16xf32>
        %add3A_410 = arith.addf %mul3A_408, %mul3A_409 : vector<16xf32>
        %mul3A_411 = arith.mulf %sub3A_407, %sub3A_407 : vector<16xf32>
        %add3A_412 = arith.addf %add3A_410, %mul3A_411 : vector<16xf32>
        %le3A = vector.broadcast %scan3A_44 : f32 to vector<16xf32>
        %le3A_413 = arith.cmpf ole, %add3A_412, %le3A : vector<16xf32>
        %all_reduce_population_count3A = tpu.all_reduce %le3A_413 {dim = 0 : i64, kind = #tpu.reduction_kind<sum>} : vector<16xi1> -> vector<16xi32>
        %slice3A_414 = vector.extract_strided_slice %all_reduce_population_count3A {offsets = [0], sizes = [1], strides = [1]} : vector<16xi32> to vector<1xi32>
        %squeeze3A_415 = vector.extract %slice3A_414[0] : i32 from vector<1xi32>
        %swap3A = arith.index_cast %scan3A_389 : i32 to index
        %swap3A_416 = tpu.vector_load %arg17[%swap3A] masked %le3A_413 {strides = array<i32>} : memref<528xf32, #tpu.memory_space<vmem>>, vector<16xf32>, vector<16xi1>
        tpu.vector_store %arg17[%swap3A], %sub3A_403 masked %le3A_413 {strides = array<i32>} : memref<528xf32, #tpu.memory_space<vmem>>, vector<16xf32>, vector<16xi1>
        %swap3A_417 = arith.index_cast %scan3A_389 : i32 to index
        %swap3A_418 = tpu.vector_load %arg18[%swap3A_417] masked %le3A_413 {strides = array<i32>} : memref<528xf32, #tpu.memory_space<vmem>>, vector<16xf32>, vector<16xi1>
        tpu.vector_store %arg18[%swap3A_417], %sub3A_405 masked %le3A_413 {strides = array<i32>} : memref<528xf32, #tpu.memory_space<vmem>>, vector<16xf32>, vector<16xi1>
        %swap3A_419 = arith.index_cast %scan3A_389 : i32 to index
        %swap3A_420 = tpu.vector_load %arg19[%swap3A_419] masked %le3A_413 {strides = array<i32>} : memref<528xf32, #tpu.memory_space<vmem>>, vector<16xf32>, vector<16xi1>
        tpu.vector_store %arg19[%swap3A_419], %sub3A_407 masked %le3A_413 {strides = array<i32>} : memref<528xf32, #tpu.memory_space<vmem>>, vector<16xf32>, vector<16xi1>
        %mul3A_421 = arith.constant 16 : i32
        %mul3A_422 = arith.muli %scan3A_388, %mul3A_421 : i32
        %add3A_423 = vector.broadcast %mul3A_422 : i32 to vector<16xi32>
        %add3A_424 = arith.addi %add3A_423, %iota3A : vector<16xi32>
        %swap3A_425 = arith.index_cast %scan3A_389 : i32 to index
        %swap3A_426 = tpu.vector_load %arg20[%swap3A_425] masked %le3A_413 {strides = array<i32>} : memref<528xi32, #tpu.memory_space<vmem>>, vector<16xi32>, vector<16xi1>
        tpu.vector_store %arg20[%swap3A_425], %add3A_424 masked %le3A_413 {strides = array<i32>} : memref<528xi32, #tpu.memory_space<vmem>>, vector<16xi32>, vector<16xi1>
        %add3A_427 = arith.addi %scan3A_389, %squeeze3A_415 : i32
        scf.yield %add3A_427 : i32
      }
      %scan3A_92 = arith.constant 32 : i32
      %min3A = arith.constant 64 : i32
      %min3A_93 = arith.minsi %scan3A_91, %min3A : i32
      %get3A_94 = arith.constant 0 : index
      %get3A_95 = tpu.vector_load %arg17[%get3A_94] {strides = array<i32>} : memref<528xf32, #tpu.memory_space<vmem>>, vector<16xf32>,
      %slice3A_96 = vector.extract_strided_slice %get3A_95 {offsets = [0], sizes = [1], strides = [1]} : vector<16xf32> to vector<1xf32>
      %squeeze3A_97 = vector.extract %slice3A_96[0] : f32 from vector<1xf32>
      %get3A_98 = arith.constant 0 : index
      %get3A_99 = tpu.vector_load %arg18[%get3A_98] {strides = array<i32>} : memref<528xf32, #tpu.memory_space<vmem>>, vector<16xf32>,
      %slice3A_100 = vector.extract_strided_slice %get3A_99 {offsets = [0], sizes = [1], strides = [1]} : vector<16xf32> to vector<1xf32>
      %squeeze3A_101 = vector.extract %slice3A_100[0] : f32 from vector<1xf32>
      %get3A_102 = arith.constant 0 : index
      %get3A_103 = tpu.vector_load %arg19[%get3A_102] {strides = array<i32>} : memref<528xf32, #tpu.memory_space<vmem>>, vector<16xf32>,
      %slice3A_104 = vector.extract_strided_slice %get3A_103 {offsets = [0], sizes = [1], strides = [1]} : vector<16xf32> to vector<1xf32>
      %squeeze3A_105 = vector.extract %slice3A_104[0] : f32 from vector<1xf32>
      %get3A_106 = arith.constant 0 : index
      %get3A_107 = tpu.vector_load %arg20[%get3A_106] {strides = array<i32>} : memref<528xi32, #tpu.memory_space<vmem>>, vector<16xi32>,
      %slice3A_108 = vector.extract_strided_slice %get3A_107 {offsets = [0], sizes = [1], strides = [1]} : vector<16xi32> to vector<1xi32>
      %squeeze3A_109 = vector.extract %slice3A_108[0] : i32 from vector<1xi32>
      %add3A_110 = arith.constant 0 : i32
      %add3A_111 = vector.broadcast %add3A_110 : i32 to vector<16xi32>
      %add3A_112 = arith.addi %iota3A, %add3A_111 : vector<16xi32>
      %lt3A_113 = vector.broadcast %min3A_93 : i32 to vector<16xi32>
      %lt3A_114 = arith.cmpi slt, %add3A_112, %lt3A_113 : vector<16xi32>
      %get3A_115 = arith.constant 0 : index
      %get3A_116 = tpu.vector_load %arg17[%get3A_115] {strides = array<i32>} : memref<528xf32, #tpu.memory_space<vmem>>, vector<16xf32>,
      %broadcast_in_dim3A_117 = vector.broadcast %squeeze3A_97 : f32 to vector<16xf32>
      %select_n3A_118 = arith.select %lt3A_114, %get3A_116, %broadcast_in_dim3A_117 : vector<16xi1>, vector<16xf32>
      %get3A_119 = arith.constant 0 : index
      %get3A_120 = tpu.vector_load %arg18[%get3A_119] {strides = array<i32>} : memref<528xf32, #tpu.memory_space<vmem>>, vector<16xf32>,
      %broadcast_in_dim3A_121 = vector.broadcast %squeeze3A_101 : f32 to vector<16xf32>
      %select_n3A_122 = arith.select %lt3A_114, %get3A_120, %broadcast_in_dim3A_121 : vector<16xi1>, vector<16xf32>
      %get3A_123 = arith.constant 0 : index
      %get3A_124 = tpu.vector_load %arg19[%get3A_123] {strides = array<i32>} : memref<528xf32, #tpu.memory_space<vmem>>, vector<16xf32>,
      %broadcast_in_dim3A_125 = vector.broadcast %squeeze3A_105 : f32 to vector<16xf32>
      %select_n3A_126 = arith.select %lt3A_114, %get3A_124, %broadcast_in_dim3A_125 : vector<16xi1>, vector<16xf32>
      %mul3A_127 = arith.constant 256 : i32
      %mul3A_128 = vector.broadcast %mul3A_127 : i32 to vector<16xi32>
      %mul3A_129 = arith.muli %add3A_112, %mul3A_128 : vector<16xi32>
      tpu.vector_store_idx %arg21[%mul3A_129], %select_n3A_118 : memref<16384xf32, #tpu.memory_space<vmem>>[vector<16xi32>], vector<16xf32>,
      %add3A_130 = arith.constant 1 : i32
      %add3A_131 = vector.broadcast %add3A_130 : i32 to vector<16xi32>
      %add3A_132 = arith.addi %mul3A_129, %add3A_131 : vector<16xi32>
      tpu.vector_store_idx %arg21[%add3A_132], %select_n3A_122 : memref<16384xf32, #tpu.memory_space<vmem>>[vector<16xi32>], vector<16xf32>,
      %add3A_133 = arith.constant 2 : i32
      %add3A_134 = vector.broadcast %add3A_133 : i32 to vector<16xi32>
      %add3A_135 = arith.addi %mul3A_129, %add3A_134 : vector<16xi32>
      tpu.vector_store_idx %arg21[%add3A_135], %select_n3A_126 : memref<16384xf32, #tpu.memory_space<vmem>>[vector<16xi32>], vector<16xf32>,
      %add3A_136 = arith.constant 16 : i32
      %add3A_137 = vector.broadcast %add3A_136 : i32 to vector<16xi32>
      %add3A_138 = arith.addi %iota3A, %add3A_137 : vector<16xi32>
      %lt3A_139 = vector.broadcast %min3A_93 : i32 to vector<16xi32>
      %lt3A_140 = arith.cmpi slt, %add3A_138, %lt3A_139 : vector<16xi32>
      %get3A_141 = arith.constant 16 : index
      %get3A_142 = tpu.vector_load %arg17[%get3A_141] {strides = array<i32>} : memref<528xf32, #tpu.memory_space<vmem>>, vector<16xf32>,
      %broadcast_in_dim3A_143 = vector.broadcast %squeeze3A_97 : f32 to vector<16xf32>
      %select_n3A_144 = arith.select %lt3A_140, %get3A_142, %broadcast_in_dim3A_143 : vector<16xi1>, vector<16xf32>
      %get3A_145 = arith.constant 16 : index
      %get3A_146 = tpu.vector_load %arg18[%get3A_145] {strides = array<i32>} : memref<528xf32, #tpu.memory_space<vmem>>, vector<16xf32>,
      %broadcast_in_dim3A_147 = vector.broadcast %squeeze3A_101 : f32 to vector<16xf32>
      %select_n3A_148 = arith.select %lt3A_140, %get3A_146, %broadcast_in_dim3A_147 : vector<16xi1>, vector<16xf32>
      %get3A_149 = arith.constant 16 : index
      %get3A_150 = tpu.vector_load %arg19[%get3A_149] {strides = array<i32>} : memref<528xf32, #tpu.memory_space<vmem>>, vector<16xf32>,
      %broadcast_in_dim3A_151 = vector.broadcast %squeeze3A_105 : f32 to vector<16xf32>
      %select_n3A_152 = arith.select %lt3A_140, %get3A_150, %broadcast_in_dim3A_151 : vector<16xi1>, vector<16xf32>
      %mul3A_153 = arith.constant 256 : i32
      %mul3A_154 = vector.broadcast %mul3A_153 : i32 to vector<16xi32>
      %mul3A_155 = arith.muli %add3A_138, %mul3A_154 : vector<16xi32>
      tpu.vector_store_idx %arg21[%mul3A_155], %select_n3A_144 : memref<16384xf32, #tpu.memory_space<vmem>>[vector<16xi32>], vector<16xf32>,
      %add3A_156 = arith.constant 1 : i32
      %add3A_157 = vector.broadcast %add3A_156 : i32 to vector<16xi32>
      %add3A_158 = arith.addi %mul3A_155, %add3A_157 : vector<16xi32>
      tpu.vector_store_idx %arg21[%add3A_158], %select_n3A_148 : memref<16384xf32, #tpu.memory_space<vmem>>[vector<16xi32>], vector<16xf32>,
      %add3A_159 = arith.constant 2 : i32
      %add3A_160 = vector.broadcast %add3A_159 : i32 to vector<16xi32>
      %add3A_161 = arith.addi %mul3A_155, %add3A_160 : vector<16xi32>
      tpu.vector_store_idx %arg21[%add3A_161], %select_n3A_152 : memref<16384xf32, #tpu.memory_space<vmem>>[vector<16xi32>], vector<16xf32>,
      %add3A_162 = arith.constant 32 : i32
      %add3A_163 = vector.broadcast %add3A_162 : i32 to vector<16xi32>
      %add3A_164 = arith.addi %iota3A, %add3A_163 : vector<16xi32>
      %lt3A_165 = vector.broadcast %min3A_93 : i32 to vector<16xi32>
      %lt3A_166 = arith.cmpi slt, %add3A_164, %lt3A_165 : vector<16xi32>
      %get3A_167 = arith.constant 32 : index
      %get3A_168 = tpu.vector_load %arg17[%get3A_167] {strides = array<i32>} : memref<528xf32, #tpu.memory_space<vmem>>, vector<16xf32>,
      %broadcast_in_dim3A_169 = vector.broadcast %squeeze3A_97 : f32 to vector<16xf32>
      %select_n3A_170 = arith.select %lt3A_166, %get3A_168, %broadcast_in_dim3A_169 : vector<16xi1>, vector<16xf32>
      %get3A_171 = arith.constant 32 : index
      %get3A_172 = tpu.vector_load %arg18[%get3A_171] {strides = array<i32>} : memref<528xf32, #tpu.memory_space<vmem>>, vector<16xf32>,
      %broadcast_in_dim3A_173 = vector.broadcast %squeeze3A_101 : f32 to vector<16xf32>
      %select_n3A_174 = arith.select %lt3A_166, %get3A_172, %broadcast_in_dim3A_173 : vector<16xi1>, vector<16xf32>
      %get3A_175 = arith.constant 32 : index
      %get3A_176 = tpu.vector_load %arg19[%get3A_175] {strides = array<i32>} : memref<528xf32, #tpu.memory_space<vmem>>, vector<16xf32>,
      %broadcast_in_dim3A_177 = vector.broadcast %squeeze3A_105 : f32 to vector<16xf32>
      %select_n3A_178 = arith.select %lt3A_166, %get3A_176, %broadcast_in_dim3A_177 : vector<16xi1>, vector<16xf32>
      %mul3A_179 = arith.constant 256 : i32
      %mul3A_180 = vector.broadcast %mul3A_179 : i32 to vector<16xi32>
      %mul3A_181 = arith.muli %add3A_164, %mul3A_180 : vector<16xi32>
      tpu.vector_store_idx %arg21[%mul3A_181], %select_n3A_170 : memref<16384xf32, #tpu.memory_space<vmem>>[vector<16xi32>], vector<16xf32>,
      %add3A_182 = arith.constant 1 : i32
      %add3A_183 = vector.broadcast %add3A_182 : i32 to vector<16xi32>
      %add3A_184 = arith.addi %mul3A_181, %add3A_183 : vector<16xi32>
      tpu.vector_store_idx %arg21[%add3A_184], %select_n3A_174 : memref<16384xf32, #tpu.memory_space<vmem>>[vector<16xi32>], vector<16xf32>,
      %add3A_185 = arith.constant 2 : i32
      %add3A_186 = vector.broadcast %add3A_185 : i32 to vector<16xi32>
      %add3A_187 = arith.addi %mul3A_181, %add3A_186 : vector<16xi32>
      tpu.vector_store_idx %arg21[%add3A_187], %select_n3A_178 : memref<16384xf32, #tpu.memory_space<vmem>>[vector<16xi32>], vector<16xf32>,
      %add3A_188 = arith.constant 48 : i32
      %add3A_189 = vector.broadcast %add3A_188 : i32 to vector<16xi32>
      %add3A_190 = arith.addi %iota3A, %add3A_189 : vector<16xi32>
      %lt3A_191 = vector.broadcast %min3A_93 : i32 to vector<16xi32>
      %lt3A_192 = arith.cmpi slt, %add3A_190, %lt3A_191 : vector<16xi32>
      %get3A_193 = arith.constant 48 : index
      %get3A_194 = tpu.vector_load %arg17[%get3A_193] {strides = array<i32>} : memref<528xf32, #tpu.memory_space<vmem>>, vector<16xf32>,
      %broadcast_in_dim3A_195 = vector.broadcast %squeeze3A_97 : f32 to vector<16xf32>
      %select_n3A_196 = arith.select %lt3A_192, %get3A_194, %broadcast_in_dim3A_195 : vector<16xi1>, vector<16xf32>
      %get3A_197 = arith.constant 48 : index
      %get3A_198 = tpu.vector_load %arg18[%get3A_197] {strides = array<i32>} : memref<528xf32, #tpu.memory_space<vmem>>, vector<16xf32>,
      %broadcast_in_dim3A_199 = vector.broadcast %squeeze3A_101 : f32 to vector<16xf32>
      %select_n3A_200 = arith.select %lt3A_192, %get3A_198, %broadcast_in_dim3A_199 : vector<16xi1>, vector<16xf32>
      %get3A_201 = arith.constant 48 : index
      %get3A_202 = tpu.vector_load %arg19[%get3A_201] {strides = array<i32>} : memref<528xf32, #tpu.memory_space<vmem>>, vector<16xf32>,
      %broadcast_in_dim3A_203 = vector.broadcast %squeeze3A_105 : f32 to vector<16xf32>
      %select_n3A_204 = arith.select %lt3A_192, %get3A_202, %broadcast_in_dim3A_203 : vector<16xi1>, vector<16xf32>
      %mul3A_205 = arith.constant 256 : i32
      %mul3A_206 = vector.broadcast %mul3A_205 : i32 to vector<16xi32>
      %mul3A_207 = arith.muli %add3A_190, %mul3A_206 : vector<16xi32>
      tpu.vector_store_idx %arg21[%mul3A_207], %select_n3A_196 : memref<16384xf32, #tpu.memory_space<vmem>>[vector<16xi32>], vector<16xf32>,
      %add3A_208 = arith.constant 1 : i32
      %add3A_209 = vector.broadcast %add3A_208 : i32 to vector<16xi32>
      %add3A_210 = arith.addi %mul3A_207, %add3A_209 : vector<16xi32>
      tpu.vector_store_idx %arg21[%add3A_210], %select_n3A_200 : memref<16384xf32, #tpu.memory_space<vmem>>[vector<16xi32>], vector<16xf32>,
      %add3A_211 = arith.constant 2 : i32
      %add3A_212 = vector.broadcast %add3A_211 : i32 to vector<16xi32>
      %add3A_213 = arith.addi %mul3A_207, %add3A_212 : vector<16xi32>
      tpu.vector_store_idx %arg21[%add3A_213], %select_n3A_204 : memref<16384xf32, #tpu.memory_space<vmem>>[vector<16xi32>], vector<16xf32>,
      %scan3A_214 = arith.constant 0 : i32
      %scan3A_215 = arith.constant 0 : i32
      %scan3A_216 = arith.constant 64 : i32
      %scan3A_217 = arith.addi %scan3A_215, %scan3A_216 : i32
      %scan3A_218 = arith.constant 1 : i32
      scf.for %scan3A_388 = %scan3A_215 to %scan3A_217 step %scan3A_218  : i32 {
        %lt3A_389 = arith.cmpi slt, %scan3A_388, %min3A_93 : i32
        %get3A_390 = arith.index_cast %scan3A_388 : i32 to index
        %get3A_391 = tpu.vector_load %arg20[%get3A_390] {strides = array<i32>} : memref<528xi32, #tpu.memory_space<vmem>>, vector<16xi32>,
        %slice3A_392 = vector.extract_strided_slice %get3A_391 {offsets = [0], sizes = [1], strides = [1]} : vector<16xi32> to vector<1xi32>
        %squeeze3A_393 = vector.extract %slice3A_392[0] : i32 from vector<1xi32>
        %select_n3A_394 = arith.select %lt3A_389, %squeeze3A_393, %squeeze3A_109 : i32
        %mul3A_395 = arith.constant 128 : i32
        %mul3A_396 = arith.muli %select_n3A_394, %mul3A_395 : i32
        %mul3A_397 = arith.constant 256 : i32
        %mul3A_398 = arith.muli %scan3A_388, %mul3A_397 : i32
        %add3A_399 = arith.constant 3 : i32
        %add3A_400 = arith.addi %mul3A_398, %add3A_399 : i32
        %add3A_401 = arith.constant 0 : i32
        %add3A_402 = arith.addi %mul3A_396, %add3A_401 : i32
        %get3A_403 = arith.index_cast %add3A_402 : i32 to index
        %get3A_404 = tpu.vector_load %arg13[%get3A_403] {strides = array<i32>} : memref<65536xf32, #tpu.memory_space<vmem>>, vector<16xf32>,
        %add3A_405 = arith.constant 0 : i32
        %add3A_406 = arith.addi %add3A_400, %add3A_405 : i32
        %swap3A = arith.index_cast %add3A_406 : i32 to index
        %swap3A_407 = tpu.vector_load %arg21[%swap3A] {strides = array<i32>} : memref<16384xf32, #tpu.memory_space<vmem>>, vector<16xf32>,
        tpu.vector_store %arg21[%swap3A], %get3A_404 {strides = array<i32>} : memref<16384xf32, #tpu.memory_space<vmem>>, vector<16xf32>,
        %add3A_408 = arith.constant 16 : i32
        %add3A_409 = arith.addi %mul3A_396, %add3A_408 : i32
        %get3A_410 = arith.index_cast %add3A_409 : i32 to index
        %get3A_411 = tpu.vector_load %arg13[%get3A_410] {strides = array<i32>} : memref<65536xf32, #tpu.memory_space<vmem>>, vector<16xf32>,
        %add3A_412 = arith.constant 16 : i32
        %add3A_413 = arith.addi %add3A_400, %add3A_412 : i32
        %swap3A_414 = arith.index_cast %add3A_413 : i32 to index
        %swap3A_415 = tpu.vector_load %arg21[%swap3A_414] {strides = array<i32>} : memref<16384xf32, #tpu.memory_space<vmem>>, vector<16xf32>,
        tpu.vector_store %arg21[%swap3A_414], %get3A_411 {strides = array<i32>} : memref<16384xf32, #tpu.memory_space<vmem>>, vector<16xf32>,
        %add3A_416 = arith.constant 32 : i32
        %add3A_417 = arith.addi %mul3A_396, %add3A_416 : i32
        %get3A_418 = arith.index_cast %add3A_417 : i32 to index
        %get3A_419 = tpu.vector_load %arg13[%get3A_418] {strides = array<i32>} : memref<65536xf32, #tpu.memory_space<vmem>>, vector<16xf32>,
        %add3A_420 = arith.constant 32 : i32
        %add3A_421 = arith.addi %add3A_400, %add3A_420 : i32
        %swap3A_422 = arith.index_cast %add3A_421 : i32 to index
        %swap3A_423 = tpu.vector_load %arg21[%swap3A_422] {strides = array<i32>} : memref<16384xf32, #tpu.memory_space<vmem>>, vector<16xf32>,
        tpu.vector_store %arg21[%swap3A_422], %get3A_419 {strides = array<i32>} : memref<16384xf32, #tpu.memory_space<vmem>>, vector<16xf32>,
        %add3A_424 = arith.constant 48 : i32
        %add3A_425 = arith.addi %mul3A_396, %add3A_424 : i32
        %get3A_426 = arith.index_cast %add3A_425 : i32 to index
        %get3A_427 = tpu.vector_load %arg13[%get3A_426] {strides = array<i32>} : memref<65536xf32, #tpu.memory_space<vmem>>, vector<16xf32>,
        %add3A_428 = arith.constant 48 : i32
        %add3A_429 = arith.addi %add3A_400, %add3A_428 : i32
        %swap3A_430 = arith.index_cast %add3A_429 : i32 to index
        %swap3A_431 = tpu.vector_load %arg21[%swap3A_430] {strides = array<i32>} : memref<16384xf32, #tpu.memory_space<vmem>>, vector<16xf32>,
        tpu.vector_store %arg21[%swap3A_430], %get3A_427 {strides = array<i32>} : memref<16384xf32, #tpu.memory_space<vmem>>, vector<16xf32>,
        %add3A_432 = arith.constant 64 : i32
        %add3A_433 = arith.addi %mul3A_396, %add3A_432 : i32
        %get3A_434 = arith.index_cast %add3A_433 : i32 to index
        %get3A_435 = tpu.vector_load %arg13[%get3A_434] {strides = array<i32>} : memref<65536xf32, #tpu.memory_space<vmem>>, vector<16xf32>,
        %add3A_436 = arith.constant 64 : i32
        %add3A_437 = arith.addi %add3A_400, %add3A_436 : i32
        %swap3A_438 = arith.index_cast %add3A_437 : i32 to index
        %swap3A_439 = tpu.vector_load %arg21[%swap3A_438] {strides = array<i32>} : memref<16384xf32, #tpu.memory_space<vmem>>, vector<16xf32>,
        tpu.vector_store %arg21[%swap3A_438], %get3A_435 {strides = array<i32>} : memref<16384xf32, #tpu.memory_space<vmem>>, vector<16xf32>,
        %add3A_440 = arith.constant 80 : i32
        %add3A_441 = arith.addi %mul3A_396, %add3A_440 : i32
        %get3A_442 = arith.index_cast %add3A_441 : i32 to index
        %get3A_443 = tpu.vector_load %arg13[%get3A_442] {strides = array<i32>} : memref<65536xf32, #tpu.memory_space<vmem>>, vector<16xf32>,
        %add3A_444 = arith.constant 80 : i32
        %add3A_445 = arith.addi %add3A_400, %add3A_444 : i32
        %swap3A_446 = arith.index_cast %add3A_445 : i32 to index
        %swap3A_447 = tpu.vector_load %arg21[%swap3A_446] {strides = array<i32>} : memref<16384xf32, #tpu.memory_space<vmem>>, vector<16xf32>,
        tpu.vector_store %arg21[%swap3A_446], %get3A_443 {strides = array<i32>} : memref<16384xf32, #tpu.memory_space<vmem>>, vector<16xf32>,
        %add3A_448 = arith.constant 96 : i32
        %add3A_449 = arith.addi %mul3A_396, %add3A_448 : i32
        %get3A_450 = arith.index_cast %add3A_449 : i32 to index
        %get3A_451 = tpu.vector_load %arg13[%get3A_450] {strides = array<i32>} : memref<65536xf32, #tpu.memory_space<vmem>>, vector<16xf32>,
        %add3A_452 = arith.constant 96 : i32
        %add3A_453 = arith.addi %add3A_400, %add3A_452 : i32
        %swap3A_454 = arith.index_cast %add3A_453 : i32 to index
        %swap3A_455 = tpu.vector_load %arg21[%swap3A_454] {strides = array<i32>} : memref<16384xf32, #tpu.memory_space<vmem>>, vector<16xf32>,
        tpu.vector_store %arg21[%swap3A_454], %get3A_451 {strides = array<i32>} : memref<16384xf32, #tpu.memory_space<vmem>>, vector<16xf32>,
        %add3A_456 = arith.constant 112 : i32
        %add3A_457 = arith.addi %mul3A_396, %add3A_456 : i32
        %get3A_458 = arith.index_cast %add3A_457 : i32 to index
        %get3A_459 = tpu.vector_load %arg13[%get3A_458] {strides = array<i32>} : memref<65536xf32, #tpu.memory_space<vmem>>, vector<16xf32>,
        %add3A_460 = arith.constant 112 : i32
        %add3A_461 = arith.addi %add3A_400, %add3A_460 : i32
        %swap3A_462 = arith.index_cast %add3A_461 : i32 to index
        %swap3A_463 = tpu.vector_load %arg21[%swap3A_462] {strides = array<i32>} : memref<16384xf32, #tpu.memory_space<vmem>>, vector<16xf32>,
        tpu.vector_store %arg21[%swap3A_462], %get3A_459 {strides = array<i32>} : memref<16384xf32, #tpu.memory_space<vmem>>, vector<16xf32>,
      }
      %scan3A_219 = arith.constant 64 : i32
      %dma_start3A = tpu.memref_slice %arg9[%select_n3A, %mul3A_74] : memref<8x2097152xf32, #tpu.memory_space<hbm>> -> memref<1x16384xf32, #tpu.memory_space<hbm>>
      %dma_start3A_220 = tpu.memref_squeeze %dma_start3A : memref<1x16384xf32, #tpu.memory_space<hbm>> -> memref<16384xf32, #tpu.memory_space<hbm>>
      %dma_start3A_221 = tpu.memref_slice %arg9[%select_n3A, %mul3A_74] : memref<8x2097152xf32, #tpu.memory_space<hbm>> -> memref<1x16384xf32, #tpu.memory_space<hbm>>
      %dma_start3A_222 = tpu.memref_squeeze %dma_start3A_221 : memref<1x16384xf32, #tpu.memory_space<hbm>> -> memref<16384xf32, #tpu.memory_space<hbm>>
      tpu.enqueue_dma source(%arg21 : memref<16384xf32, #tpu.memory_space<vmem>>) target(%dma_start3A_222 : memref<16384xf32, #tpu.memory_space<hbm>>) target_semaphore(%arg23 : memref<!tpu.dma_semaphore, #tpu.memory_space<semaphore_mem>>)
      %mul3A_223 = arith.constant 2 : i32
      %mul3A_224 = arith.muli %scan3A_65, %mul3A_223 : i32
      %add3A_225 = arith.constant 1 : i32
      %add3A_226 = arith.addi %mul3A_224, %add3A_225 : i32
      %mul3A_227 = arith.constant 32 : i32
      %mul3A_228 = arith.muli %select_n3A_30, %mul3A_227 : i32
      %add3A_229 = arith.addi %mul3A_228, %add3A_226 : i32
      %mul3A_230 = arith.constant 16384 : i32
      %mul3A_231 = arith.muli %add3A_229, %mul3A_230 : i32
      %gt3A_232 = arith.constant 0 : i32
      %gt3A_233 = arith.cmpi sgt, %scan3A_65, %gt3A_232 : i32
      %convert_element_type3A_234 = arith.extui %gt3A_233 : i1 to i32
      %cond3A_235 = arith.constant 0 : i32
      %cond3A_236 = arith.cmpi ne, %convert_element_type3A_234, %cond3A_235 : i32
      scf.if %cond3A_236 {
        %dma_wait3A_388 = tpu.memref_slice %arg9[%select_n3A, %mul3A_231] : memref<8x2097152xf32, #tpu.memory_space<hbm>> -> memref<1x16384xf32, #tpu.memory_space<hbm>>
        %dma_wait3A_389 = tpu.memref_squeeze %dma_wait3A_388 : memref<1x16384xf32, #tpu.memory_space<hbm>> -> memref<16384xf32, #tpu.memory_space<hbm>>
        %dma_wait3A_390 = tpu.memref_slice %arg9[%select_n3A, %mul3A_231] : memref<8x2097152xf32, #tpu.memory_space<hbm>> -> memref<1x16384xf32, #tpu.memory_space<hbm>>
        %dma_wait3A_391 = tpu.memref_squeeze %dma_wait3A_390 : memref<1x16384xf32, #tpu.memory_space<hbm>> -> memref<16384xf32, #tpu.memory_space<hbm>>
        tpu.wait_dma2 semaphore(%arg24 : memref<!tpu.dma_semaphore, #tpu.memory_space<semaphore_mem>>) src(%arg22 : memref<16384xf32, #tpu.memory_space<vmem>>) dst(%dma_wait3A_391 : memref<16384xf32, #tpu.memory_space<hbm>>)
      } else {
      }
      %get3A_237 = arith.index_cast %add3A_226 : i32 to index
      %get3A_238 = tpu.vector_load %arg14[%get3A_237] {strides = array<i32>} : memref<48xf32, #tpu.memory_space<vmem>>, vector<16xf32>,
      %slice3A_239 = vector.extract_strided_slice %get3A_238 {offsets = [0], sizes = [1], strides = [1]} : vector<16xf32> to vector<1xf32>
      %squeeze3A_240 = vector.extract %slice3A_239[0] : f32 from vector<1xf32>
      %get3A_241 = arith.index_cast %add3A_226 : i32 to index
      %get3A_242 = tpu.vector_load %arg15[%get3A_241] {strides = array<i32>} : memref<48xf32, #tpu.memory_space<vmem>>, vector<16xf32>,
      %slice3A_243 = vector.extract_strided_slice %get3A_242 {offsets = [0], sizes = [1], strides = [1]} : vector<16xf32> to vector<1xf32>
      %squeeze3A_244 = vector.extract %slice3A_243[0] : f32 from vector<1xf32>
      %get3A_245 = arith.index_cast %add3A_226 : i32 to index
      %get3A_246 = tpu.vector_load %arg16[%get3A_245] {strides = array<i32>} : memref<48xf32, #tpu.memory_space<vmem>>, vector<16xf32>,
      %slice3A_247 = vector.extract_strided_slice %get3A_246 {offsets = [0], sizes = [1], strides = [1]} : vector<16xf32> to vector<1xf32>
      %squeeze3A_248 = vector.extract %slice3A_247[0] : f32 from vector<1xf32>
      %scan3A_249 = arith.constant 0 : i32
      %scan3A_250 = arith.constant 0 : i32
      %scan3A_251 = arith.constant 32 : i32
      %scan3A_252 = arith.addi %scan3A_250, %scan3A_251 : i32
      %scan3A_253 = arith.constant 1 : i32
      %scan3A_254 = scf.for %scan3A_388 = %scan3A_250 to %scan3A_252 step %scan3A_253 iter_args(%scan3A_389 = %scan3A_249) -> (i32)  : i32 {
        %mul3A_390 = arith.constant 16 : i32
        %mul3A_391 = arith.muli %scan3A_388, %mul3A_390 : i32
        %get3A_392 = arith.index_cast %mul3A_391 : i32 to index
        %get3A_393 = tpu.vector_load %arg10[%get3A_392] {strides = array<i32>} : memref<512xf32, #tpu.memory_space<vmem>>, vector<16xf32>,
        %mul3A_394 = arith.constant 16 : i32
        %mul3A_395 = arith.muli %scan3A_388, %mul3A_394 : i32
        %get3A_396 = arith.index_cast %mul3A_395 : i32 to index
        %get3A_397 = tpu.vector_load %arg11[%get3A_396] {strides = array<i32>} : memref<512xf32, #tpu.memory_space<vmem>>, vector<16xf32>,
        %mul3A_398 = arith.constant 16 : i32
        %mul3A_399 = arith.muli %scan3A_388, %mul3A_398 : i32
        %get3A_400 = arith.index_cast %mul3A_399 : i32 to index
        %get3A_401 = tpu.vector_load %arg12[%get3A_400] {strides = array<i32>} : memref<512xf32, #tpu.memory_space<vmem>>, vector<16xf32>,
        %sub3A_402 = vector.broadcast %squeeze3A_240 : f32 to vector<16xf32>
        %sub3A_403 = arith.subf %get3A_393, %sub3A_402 : vector<16xf32>
        %sub3A_404 = vector.broadcast %squeeze3A_244 : f32 to vector<16xf32>
        %sub3A_405 = arith.subf %get3A_397, %sub3A_404 : vector<16xf32>
        %sub3A_406 = vector.broadcast %squeeze3A_248 : f32 to vector<16xf32>
        %sub3A_407 = arith.subf %get3A_401, %sub3A_406 : vector<16xf32>
        %mul3A_408 = arith.mulf %sub3A_403, %sub3A_403 : vector<16xf32>
        %mul3A_409 = arith.mulf %sub3A_405, %sub3A_405 : vector<16xf32>
        %add3A_410 = arith.addf %mul3A_408, %mul3A_409 : vector<16xf32>
        %mul3A_411 = arith.mulf %sub3A_407, %sub3A_407 : vector<16xf32>
        %add3A_412 = arith.addf %add3A_410, %mul3A_411 : vector<16xf32>
        %le3A = vector.broadcast %scan3A_44 : f32 to vector<16xf32>
        %le3A_413 = arith.cmpf ole, %add3A_412, %le3A : vector<16xf32>
        %all_reduce_population_count3A = tpu.all_reduce %le3A_413 {dim = 0 : i64, kind = #tpu.reduction_kind<sum>} : vector<16xi1> -> vector<16xi32>
        %slice3A_414 = vector.extract_strided_slice %all_reduce_population_count3A {offsets = [0], sizes = [1], strides = [1]} : vector<16xi32> to vector<1xi32>
        %squeeze3A_415 = vector.extract %slice3A_414[0] : i32 from vector<1xi32>
        %swap3A = arith.index_cast %scan3A_389 : i32 to index
        %swap3A_416 = tpu.vector_load %arg17[%swap3A] masked %le3A_413 {strides = array<i32>} : memref<528xf32, #tpu.memory_space<vmem>>, vector<16xf32>, vector<16xi1>
        tpu.vector_store %arg17[%swap3A], %sub3A_403 masked %le3A_413 {strides = array<i32>} : memref<528xf32, #tpu.memory_space<vmem>>, vector<16xf32>, vector<16xi1>
        %swap3A_417 = arith.index_cast %scan3A_389 : i32 to index
        %swap3A_418 = tpu.vector_load %arg18[%swap3A_417] masked %le3A_413 {strides = array<i32>} : memref<528xf32, #tpu.memory_space<vmem>>, vector<16xf32>, vector<16xi1>
        tpu.vector_store %arg18[%swap3A_417], %sub3A_405 masked %le3A_413 {strides = array<i32>} : memref<528xf32, #tpu.memory_space<vmem>>, vector<16xf32>, vector<16xi1>
        %swap3A_419 = arith.index_cast %scan3A_389 : i32 to index
        %swap3A_420 = tpu.vector_load %arg19[%swap3A_419] masked %le3A_413 {strides = array<i32>} : memref<528xf32, #tpu.memory_space<vmem>>, vector<16xf32>, vector<16xi1>
        tpu.vector_store %arg19[%swap3A_419], %sub3A_407 masked %le3A_413 {strides = array<i32>} : memref<528xf32, #tpu.memory_space<vmem>>, vector<16xf32>, vector<16xi1>
        %mul3A_421 = arith.constant 16 : i32
        %mul3A_422 = arith.muli %scan3A_388, %mul3A_421 : i32
        %add3A_423 = vector.broadcast %mul3A_422 : i32 to vector<16xi32>
        %add3A_424 = arith.addi %add3A_423, %iota3A : vector<16xi32>
        %swap3A_425 = arith.index_cast %scan3A_389 : i32 to index
        %swap3A_426 = tpu.vector_load %arg20[%swap3A_425] masked %le3A_413 {strides = array<i32>} : memref<528xi32, #tpu.memory_space<vmem>>, vector<16xi32>, vector<16xi1>
        tpu.vector_store %arg20[%swap3A_425], %add3A_424 masked %le3A_413 {strides = array<i32>} : memref<528xi32, #tpu.memory_space<vmem>>, vector<16xi32>, vector<16xi1>
        %add3A_427 = arith.addi %scan3A_389, %squeeze3A_415 : i32
        scf.yield %add3A_427 : i32
      }
      %scan3A_255 = arith.constant 32 : i32
      %min3A_256 = arith.constant 64 : i32
      %min3A_257 = arith.minsi %scan3A_254, %min3A_256 : i32
      %get3A_258 = arith.constant 0 : index
      %get3A_259 = tpu.vector_load %arg17[%get3A_258] {strides = array<i32>} : memref<528xf32, #tpu.memory_space<vmem>>, vector<16xf32>,
      %slice3A_260 = vector.extract_strided_slice %get3A_259 {offsets = [0], sizes = [1], strides = [1]} : vector<16xf32> to vector<1xf32>
      %squeeze3A_261 = vector.extract %slice3A_260[0] : f32 from vector<1xf32>
      %get3A_262 = arith.constant 0 : index
      %get3A_263 = tpu.vector_load %arg18[%get3A_262] {strides = array<i32>} : memref<528xf32, #tpu.memory_space<vmem>>, vector<16xf32>,
      %slice3A_264 = vector.extract_strided_slice %get3A_263 {offsets = [0], sizes = [1], strides = [1]} : vector<16xf32> to vector<1xf32>
      %squeeze3A_265 = vector.extract %slice3A_264[0] : f32 from vector<1xf32>
      %get3A_266 = arith.constant 0 : index
      %get3A_267 = tpu.vector_load %arg19[%get3A_266] {strides = array<i32>} : memref<528xf32, #tpu.memory_space<vmem>>, vector<16xf32>,
      %slice3A_268 = vector.extract_strided_slice %get3A_267 {offsets = [0], sizes = [1], strides = [1]} : vector<16xf32> to vector<1xf32>
      %squeeze3A_269 = vector.extract %slice3A_268[0] : f32 from vector<1xf32>
      %get3A_270 = arith.constant 0 : index
      %get3A_271 = tpu.vector_load %arg20[%get3A_270] {strides = array<i32>} : memref<528xi32, #tpu.memory_space<vmem>>, vector<16xi32>,
      %slice3A_272 = vector.extract_strided_slice %get3A_271 {offsets = [0], sizes = [1], strides = [1]} : vector<16xi32> to vector<1xi32>
      %squeeze3A_273 = vector.extract %slice3A_272[0] : i32 from vector<1xi32>
      %add3A_274 = arith.constant 0 : i32
      %add3A_275 = vector.broadcast %add3A_274 : i32 to vector<16xi32>
      %add3A_276 = arith.addi %iota3A, %add3A_275 : vector<16xi32>
      %lt3A_277 = vector.broadcast %min3A_257 : i32 to vector<16xi32>
      %lt3A_278 = arith.cmpi slt, %add3A_276, %lt3A_277 : vector<16xi32>
      %get3A_279 = arith.constant 0 : index
      %get3A_280 = tpu.vector_load %arg17[%get3A_279] {strides = array<i32>} : memref<528xf32, #tpu.memory_space<vmem>>, vector<16xf32>,
      %broadcast_in_dim3A_281 = vector.broadcast %squeeze3A_261 : f32 to vector<16xf32>
      %select_n3A_282 = arith.select %lt3A_278, %get3A_280, %broadcast_in_dim3A_281 : vector<16xi1>, vector<16xf32>
      %get3A_283 = arith.constant 0 : index
      %get3A_284 = tpu.vector_load %arg18[%get3A_283] {strides = array<i32>} : memref<528xf32, #tpu.memory_space<vmem>>, vector<16xf32>,
      %broadcast_in_dim3A_285 = vector.broadcast %squeeze3A_265 : f32 to vector<16xf32>
      %select_n3A_286 = arith.select %lt3A_278, %get3A_284, %broadcast_in_dim3A_285 : vector<16xi1>, vector<16xf32>
      %get3A_287 = arith.constant 0 : index
      %get3A_288 = tpu.vector_load %arg19[%get3A_287] {strides = array<i32>} : memref<528xf32, #tpu.memory_space<vmem>>, vector<16xf32>,
      %broadcast_in_dim3A_289 = vector.broadcast %squeeze3A_269 : f32 to vector<16xf32>
      %select_n3A_290 = arith.select %lt3A_278, %get3A_288, %broadcast_in_dim3A_289 : vector<16xi1>, vector<16xf32>
      %mul3A_291 = arith.constant 256 : i32
      %mul3A_292 = vector.broadcast %mul3A_291 : i32 to vector<16xi32>
      %mul3A_293 = arith.muli %add3A_276, %mul3A_292 : vector<16xi32>
      tpu.vector_store_idx %arg22[%mul3A_293], %select_n3A_282 : memref<16384xf32, #tpu.memory_space<vmem>>[vector<16xi32>], vector<16xf32>,
      %add3A_294 = arith.constant 1 : i32
      %add3A_295 = vector.broadcast %add3A_294 : i32 to vector<16xi32>
      %add3A_296 = arith.addi %mul3A_293, %add3A_295 : vector<16xi32>
      tpu.vector_store_idx %arg22[%add3A_296], %select_n3A_286 : memref<16384xf32, #tpu.memory_space<vmem>>[vector<16xi32>], vector<16xf32>,
      %add3A_297 = arith.constant 2 : i32
      %add3A_298 = vector.broadcast %add3A_297 : i32 to vector<16xi32>
      %add3A_299 = arith.addi %mul3A_293, %add3A_298 : vector<16xi32>
      tpu.vector_store_idx %arg22[%add3A_299], %select_n3A_290 : memref<16384xf32, #tpu.memory_space<vmem>>[vector<16xi32>], vector<16xf32>,
      %add3A_300 = arith.constant 16 : i32
      %add3A_301 = vector.broadcast %add3A_300 : i32 to vector<16xi32>
      %add3A_302 = arith.addi %iota3A, %add3A_301 : vector<16xi32>
      %lt3A_303 = vector.broadcast %min3A_257 : i32 to vector<16xi32>
      %lt3A_304 = arith.cmpi slt, %add3A_302, %lt3A_303 : vector<16xi32>
      %get3A_305 = arith.constant 16 : index
      %get3A_306 = tpu.vector_load %arg17[%get3A_305] {strides = array<i32>} : memref<528xf32, #tpu.memory_space<vmem>>, vector<16xf32>,
      %broadcast_in_dim3A_307 = vector.broadcast %squeeze3A_261 : f32 to vector<16xf32>
      %select_n3A_308 = arith.select %lt3A_304, %get3A_306, %broadcast_in_dim3A_307 : vector<16xi1>, vector<16xf32>
      %get3A_309 = arith.constant 16 : index
      %get3A_310 = tpu.vector_load %arg18[%get3A_309] {strides = array<i32>} : memref<528xf32, #tpu.memory_space<vmem>>, vector<16xf32>,
      %broadcast_in_dim3A_311 = vector.broadcast %squeeze3A_265 : f32 to vector<16xf32>
      %select_n3A_312 = arith.select %lt3A_304, %get3A_310, %broadcast_in_dim3A_311 : vector<16xi1>, vector<16xf32>
      %get3A_313 = arith.constant 16 : index
      %get3A_314 = tpu.vector_load %arg19[%get3A_313] {strides = array<i32>} : memref<528xf32, #tpu.memory_space<vmem>>, vector<16xf32>,
      %broadcast_in_dim3A_315 = vector.broadcast %squeeze3A_269 : f32 to vector<16xf32>
      %select_n3A_316 = arith.select %lt3A_304, %get3A_314, %broadcast_in_dim3A_315 : vector<16xi1>, vector<16xf32>
      %mul3A_317 = arith.constant 256 : i32
      %mul3A_318 = vector.broadcast %mul3A_317 : i32 to vector<16xi32>
      %mul3A_319 = arith.muli %add3A_302, %mul3A_318 : vector<16xi32>
      tpu.vector_store_idx %arg22[%mul3A_319], %select_n3A_308 : memref<16384xf32, #tpu.memory_space<vmem>>[vector<16xi32>], vector<16xf32>,
      %add3A_320 = arith.constant 1 : i32
      %add3A_321 = vector.broadcast %add3A_320 : i32 to vector<16xi32>
      %add3A_322 = arith.addi %mul3A_319, %add3A_321 : vector<16xi32>
      tpu.vector_store_idx %arg22[%add3A_322], %select_n3A_312 : memref<16384xf32, #tpu.memory_space<vmem>>[vector<16xi32>], vector<16xf32>,
      %add3A_323 = arith.constant 2 : i32
      %add3A_324 = vector.broadcast %add3A_323 : i32 to vector<16xi32>
      %add3A_325 = arith.addi %mul3A_319, %add3A_324 : vector<16xi32>
      tpu.vector_store_idx %arg22[%add3A_325], %select_n3A_316 : memref<16384xf32, #tpu.memory_space<vmem>>[vector<16xi32>], vector<16xf32>,
      %add3A_326 = arith.constant 32 : i32
      %add3A_327 = vector.broadcast %add3A_326 : i32 to vector<16xi32>
      %add3A_328 = arith.addi %iota3A, %add3A_327 : vector<16xi32>
      %lt3A_329 = vector.broadcast %min3A_257 : i32 to vector<16xi32>
      %lt3A_330 = arith.cmpi slt, %add3A_328, %lt3A_329 : vector<16xi32>
      %get3A_331 = arith.constant 32 : index
      %get3A_332 = tpu.vector_load %arg17[%get3A_331] {strides = array<i32>} : memref<528xf32, #tpu.memory_space<vmem>>, vector<16xf32>,
      %broadcast_in_dim3A_333 = vector.broadcast %squeeze3A_261 : f32 to vector<16xf32>
      %select_n3A_334 = arith.select %lt3A_330, %get3A_332, %broadcast_in_dim3A_333 : vector<16xi1>, vector<16xf32>
      %get3A_335 = arith.constant 32 : index
      %get3A_336 = tpu.vector_load %arg18[%get3A_335] {strides = array<i32>} : memref<528xf32, #tpu.memory_space<vmem>>, vector<16xf32>,
      %broadcast_in_dim3A_337 = vector.broadcast %squeeze3A_265 : f32 to vector<16xf32>
      %select_n3A_338 = arith.select %lt3A_330, %get3A_336, %broadcast_in_dim3A_337 : vector<16xi1>, vector<16xf32>
      %get3A_339 = arith.constant 32 : index
      %get3A_340 = tpu.vector_load %arg19[%get3A_339] {strides = array<i32>} : memref<528xf32, #tpu.memory_space<vmem>>, vector<16xf32>,
      %broadcast_in_dim3A_341 = vector.broadcast %squeeze3A_269 : f32 to vector<16xf32>
      %select_n3A_342 = arith.select %lt3A_330, %get3A_340, %broadcast_in_dim3A_341 : vector<16xi1>, vector<16xf32>
      %mul3A_343 = arith.constant 256 : i32
      %mul3A_344 = vector.broadcast %mul3A_343 : i32 to vector<16xi32>
      %mul3A_345 = arith.muli %add3A_328, %mul3A_344 : vector<16xi32>
      tpu.vector_store_idx %arg22[%mul3A_345], %select_n3A_334 : memref<16384xf32, #tpu.memory_space<vmem>>[vector<16xi32>], vector<16xf32>,
      %add3A_346 = arith.constant 1 : i32
      %add3A_347 = vector.broadcast %add3A_346 : i32 to vector<16xi32>
      %add3A_348 = arith.addi %mul3A_345, %add3A_347 : vector<16xi32>
      tpu.vector_store_idx %arg22[%add3A_348], %select_n3A_338 : memref<16384xf32, #tpu.memory_space<vmem>>[vector<16xi32>], vector<16xf32>,
      %add3A_349 = arith.constant 2 : i32
      %add3A_350 = vector.broadcast %add3A_349 : i32 to vector<16xi32>
      %add3A_351 = arith.addi %mul3A_345, %add3A_350 : vector<16xi32>
      tpu.vector_store_idx %arg22[%add3A_351], %select_n3A_342 : memref<16384xf32, #tpu.memory_space<vmem>>[vector<16xi32>], vector<16xf32>,
      %add3A_352 = arith.constant 48 : i32
      %add3A_353 = vector.broadcast %add3A_352 : i32 to vector<16xi32>
      %add3A_354 = arith.addi %iota3A, %add3A_353 : vector<16xi32>
      %lt3A_355 = vector.broadcast %min3A_257 : i32 to vector<16xi32>
      %lt3A_356 = arith.cmpi slt, %add3A_354, %lt3A_355 : vector<16xi32>
      %get3A_357 = arith.constant 48 : index
      %get3A_358 = tpu.vector_load %arg17[%get3A_357] {strides = array<i32>} : memref<528xf32, #tpu.memory_space<vmem>>, vector<16xf32>,
      %broadcast_in_dim3A_359 = vector.broadcast %squeeze3A_261 : f32 to vector<16xf32>
      %select_n3A_360 = arith.select %lt3A_356, %get3A_358, %broadcast_in_dim3A_359 : vector<16xi1>, vector<16xf32>
      %get3A_361 = arith.constant 48 : index
      %get3A_362 = tpu.vector_load %arg18[%get3A_361] {strides = array<i32>} : memref<528xf32, #tpu.memory_space<vmem>>, vector<16xf32>,
      %broadcast_in_dim3A_363 = vector.broadcast %squeeze3A_265 : f32 to vector<16xf32>
      %select_n3A_364 = arith.select %lt3A_356, %get3A_362, %broadcast_in_dim3A_363 : vector<16xi1>, vector<16xf32>
      %get3A_365 = arith.constant 48 : index
      %get3A_366 = tpu.vector_load %arg19[%get3A_365] {strides = array<i32>} : memref<528xf32, #tpu.memory_space<vmem>>, vector<16xf32>,
      %broadcast_in_dim3A_367 = vector.broadcast %squeeze3A_269 : f32 to vector<16xf32>
      %select_n3A_368 = arith.select %lt3A_356, %get3A_366, %broadcast_in_dim3A_367 : vector<16xi1>, vector<16xf32>
      %mul3A_369 = arith.constant 256 : i32
      %mul3A_370 = vector.broadcast %mul3A_369 : i32 to vector<16xi32>
      %mul3A_371 = arith.muli %add3A_354, %mul3A_370 : vector<16xi32>
      tpu.vector_store_idx %arg22[%mul3A_371], %select_n3A_360 : memref<16384xf32, #tpu.memory_space<vmem>>[vector<16xi32>], vector<16xf32>,
      %add3A_372 = arith.constant 1 : i32
      %add3A_373 = vector.broadcast %add3A_372 : i32 to vector<16xi32>
      %add3A_374 = arith.addi %mul3A_371, %add3A_373 : vector<16xi32>
      tpu.vector_store_idx %arg22[%add3A_374], %select_n3A_364 : memref<16384xf32, #tpu.memory_space<vmem>>[vector<16xi32>], vector<16xf32>,
      %add3A_375 = arith.constant 2 : i32
      %add3A_376 = vector.broadcast %add3A_375 : i32 to vector<16xi32>
      %add3A_377 = arith.addi %mul3A_371, %add3A_376 : vector<16xi32>
      tpu.vector_store_idx %arg22[%add3A_377], %select_n3A_368 : memref<16384xf32, #tpu.memory_space<vmem>>[vector<16xi32>], vector<16xf32>,
      %scan3A_378 = arith.constant 0 : i32
      %scan3A_379 = arith.constant 0 : i32
      %scan3A_380 = arith.constant 64 : i32
      %scan3A_381 = arith.addi %scan3A_379, %scan3A_380 : i32
      %scan3A_382 = arith.constant 1 : i32
      scf.for %scan3A_388 = %scan3A_379 to %scan3A_381 step %scan3A_382  : i32 {
        %lt3A_389 = arith.cmpi slt, %scan3A_388, %min3A_257 : i32
        %get3A_390 = arith.index_cast %scan3A_388 : i32 to index
        %get3A_391 = tpu.vector_load %arg20[%get3A_390] {strides = array<i32>} : memref<528xi32, #tpu.memory_space<vmem>>, vector<16xi32>,
        %slice3A_392 = vector.extract_strided_slice %get3A_391 {offsets = [0], sizes = [1], strides = [1]} : vector<16xi32> to vector<1xi32>
        %squeeze3A_393 = vector.extract %slice3A_392[0] : i32 from vector<1xi32>
        %select_n3A_394 = arith.select %lt3A_389, %squeeze3A_393, %squeeze3A_273 : i32
        %mul3A_395 = arith.constant 128 : i32
        %mul3A_396 = arith.muli %select_n3A_394, %mul3A_395 : i32
        %mul3A_397 = arith.constant 256 : i32
        %mul3A_398 = arith.muli %scan3A_388, %mul3A_397 : i32
        %add3A_399 = arith.constant 3 : i32
        %add3A_400 = arith.addi %mul3A_398, %add3A_399 : i32
        %add3A_401 = arith.constant 0 : i32
        %add3A_402 = arith.addi %mul3A_396, %add3A_401 : i32
        %get3A_403 = arith.index_cast %add3A_402 : i32 to index
        %get3A_404 = tpu.vector_load %arg13[%get3A_403] {strides = array<i32>} : memref<65536xf32, #tpu.memory_space<vmem>>, vector<16xf32>,
        %add3A_405 = arith.constant 0 : i32
        %add3A_406 = arith.addi %add3A_400, %add3A_405 : i32
        %swap3A = arith.index_cast %add3A_406 : i32 to index
        %swap3A_407 = tpu.vector_load %arg22[%swap3A] {strides = array<i32>} : memref<16384xf32, #tpu.memory_space<vmem>>, vector<16xf32>,
        tpu.vector_store %arg22[%swap3A], %get3A_404 {strides = array<i32>} : memref<16384xf32, #tpu.memory_space<vmem>>, vector<16xf32>,
        %add3A_408 = arith.constant 16 : i32
        %add3A_409 = arith.addi %mul3A_396, %add3A_408 : i32
        %get3A_410 = arith.index_cast %add3A_409 : i32 to index
        %get3A_411 = tpu.vector_load %arg13[%get3A_410] {strides = array<i32>} : memref<65536xf32, #tpu.memory_space<vmem>>, vector<16xf32>,
        %add3A_412 = arith.constant 16 : i32
        %add3A_413 = arith.addi %add3A_400, %add3A_412 : i32
        %swap3A_414 = arith.index_cast %add3A_413 : i32 to index
        %swap3A_415 = tpu.vector_load %arg22[%swap3A_414] {strides = array<i32>} : memref<16384xf32, #tpu.memory_space<vmem>>, vector<16xf32>,
        tpu.vector_store %arg22[%swap3A_414], %get3A_411 {strides = array<i32>} : memref<16384xf32, #tpu.memory_space<vmem>>, vector<16xf32>,
        %add3A_416 = arith.constant 32 : i32
        %add3A_417 = arith.addi %mul3A_396, %add3A_416 : i32
        %get3A_418 = arith.index_cast %add3A_417 : i32 to index
        %get3A_419 = tpu.vector_load %arg13[%get3A_418] {strides = array<i32>} : memref<65536xf32, #tpu.memory_space<vmem>>, vector<16xf32>,
        %add3A_420 = arith.constant 32 : i32
        %add3A_421 = arith.addi %add3A_400, %add3A_420 : i32
        %swap3A_422 = arith.index_cast %add3A_421 : i32 to index
        %swap3A_423 = tpu.vector_load %arg22[%swap3A_422] {strides = array<i32>} : memref<16384xf32, #tpu.memory_space<vmem>>, vector<16xf32>,
        tpu.vector_store %arg22[%swap3A_422], %get3A_419 {strides = array<i32>} : memref<16384xf32, #tpu.memory_space<vmem>>, vector<16xf32>,
        %add3A_424 = arith.constant 48 : i32
        %add3A_425 = arith.addi %mul3A_396, %add3A_424 : i32
        %get3A_426 = arith.index_cast %add3A_425 : i32 to index
        %get3A_427 = tpu.vector_load %arg13[%get3A_426] {strides = array<i32>} : memref<65536xf32, #tpu.memory_space<vmem>>, vector<16xf32>,
        %add3A_428 = arith.constant 48 : i32
        %add3A_429 = arith.addi %add3A_400, %add3A_428 : i32
        %swap3A_430 = arith.index_cast %add3A_429 : i32 to index
        %swap3A_431 = tpu.vector_load %arg22[%swap3A_430] {strides = array<i32>} : memref<16384xf32, #tpu.memory_space<vmem>>, vector<16xf32>,
        tpu.vector_store %arg22[%swap3A_430], %get3A_427 {strides = array<i32>} : memref<16384xf32, #tpu.memory_space<vmem>>, vector<16xf32>,
        %add3A_432 = arith.constant 64 : i32
        %add3A_433 = arith.addi %mul3A_396, %add3A_432 : i32
        %get3A_434 = arith.index_cast %add3A_433 : i32 to index
        %get3A_435 = tpu.vector_load %arg13[%get3A_434] {strides = array<i32>} : memref<65536xf32, #tpu.memory_space<vmem>>, vector<16xf32>,
        %add3A_436 = arith.constant 64 : i32
        %add3A_437 = arith.addi %add3A_400, %add3A_436 : i32
        %swap3A_438 = arith.index_cast %add3A_437 : i32 to index
        %swap3A_439 = tpu.vector_load %arg22[%swap3A_438] {strides = array<i32>} : memref<16384xf32, #tpu.memory_space<vmem>>, vector<16xf32>,
        tpu.vector_store %arg22[%swap3A_438], %get3A_435 {strides = array<i32>} : memref<16384xf32, #tpu.memory_space<vmem>>, vector<16xf32>,
        %add3A_440 = arith.constant 80 : i32
        %add3A_441 = arith.addi %mul3A_396, %add3A_440 : i32
        %get3A_442 = arith.index_cast %add3A_441 : i32 to index
        %get3A_443 = tpu.vector_load %arg13[%get3A_442] {strides = array<i32>} : memref<65536xf32, #tpu.memory_space<vmem>>, vector<16xf32>,
        %add3A_444 = arith.constant 80 : i32
        %add3A_445 = arith.addi %add3A_400, %add3A_444 : i32
        %swap3A_446 = arith.index_cast %add3A_445 : i32 to index
        %swap3A_447 = tpu.vector_load %arg22[%swap3A_446] {strides = array<i32>} : memref<16384xf32, #tpu.memory_space<vmem>>, vector<16xf32>,
        tpu.vector_store %arg22[%swap3A_446], %get3A_443 {strides = array<i32>} : memref<16384xf32, #tpu.memory_space<vmem>>, vector<16xf32>,
        %add3A_448 = arith.constant 96 : i32
        %add3A_449 = arith.addi %mul3A_396, %add3A_448 : i32
        %get3A_450 = arith.index_cast %add3A_449 : i32 to index
        %get3A_451 = tpu.vector_load %arg13[%get3A_450] {strides = array<i32>} : memref<65536xf32, #tpu.memory_space<vmem>>, vector<16xf32>,
        %add3A_452 = arith.constant 96 : i32
        %add3A_453 = arith.addi %add3A_400, %add3A_452 : i32
        %swap3A_454 = arith.index_cast %add3A_453 : i32 to index
        %swap3A_455 = tpu.vector_load %arg22[%swap3A_454] {strides = array<i32>} : memref<16384xf32, #tpu.memory_space<vmem>>, vector<16xf32>,
        tpu.vector_store %arg22[%swap3A_454], %get3A_451 {strides = array<i32>} : memref<16384xf32, #tpu.memory_space<vmem>>, vector<16xf32>,
        %add3A_456 = arith.constant 112 : i32
        %add3A_457 = arith.addi %mul3A_396, %add3A_456 : i32
        %get3A_458 = arith.index_cast %add3A_457 : i32 to index
        %get3A_459 = tpu.vector_load %arg13[%get3A_458] {strides = array<i32>} : memref<65536xf32, #tpu.memory_space<vmem>>, vector<16xf32>,
        %add3A_460 = arith.constant 112 : i32
        %add3A_461 = arith.addi %add3A_400, %add3A_460 : i32
        %swap3A_462 = arith.index_cast %add3A_461 : i32 to index
        %swap3A_463 = tpu.vector_load %arg22[%swap3A_462] {strides = array<i32>} : memref<16384xf32, #tpu.memory_space<vmem>>, vector<16xf32>,
        tpu.vector_store %arg22[%swap3A_462], %get3A_459 {strides = array<i32>} : memref<16384xf32, #tpu.memory_space<vmem>>, vector<16xf32>,
      }
      %scan3A_383 = arith.constant 64 : i32
      %dma_start3A_384 = tpu.memref_slice %arg9[%select_n3A, %mul3A_231] : memref<8x2097152xf32, #tpu.memory_space<hbm>> -> memref<1x16384xf32, #tpu.memory_space<hbm>>
      %dma_start3A_385 = tpu.memref_squeeze %dma_start3A_384 : memref<1x16384xf32, #tpu.memory_space<hbm>> -> memref<16384xf32, #tpu.memory_space<hbm>>
      %dma_start3A_386 = tpu.memref_slice %arg9[%select_n3A, %mul3A_231] : memref<8x2097152xf32, #tpu.memory_space<hbm>> -> memref<1x16384xf32, #tpu.memory_space<hbm>>
      %dma_start3A_387 = tpu.memref_squeeze %dma_start3A_386 : memref<1x16384xf32, #tpu.memory_space<hbm>> -> memref<16384xf32, #tpu.memory_space<hbm>>
      tpu.enqueue_dma source(%arg22 : memref<16384xf32, #tpu.memory_space<vmem>>) target(%dma_start3A_387 : memref<16384xf32, #tpu.memory_space<hbm>>) target_semaphore(%arg24 : memref<!tpu.dma_semaphore, #tpu.memory_space<semaphore_mem>>)
    }
    %scan3A_49 = arith.constant 16 : i32
    %mul3A_50 = arith.constant 32 : i32
    %mul3A_51 = arith.muli %select_n3A_30, %mul3A_50 : i32
    %mul3A_52 = arith.constant 16384 : i32
    %mul3A_53 = arith.muli %mul3A_51, %mul3A_52 : i32
    %dma_wait3A = tpu.memref_slice %arg9[%select_n3A, %mul3A_53] : memref<8x2097152xf32, #tpu.memory_space<hbm>> -> memref<1x16384xf32, #tpu.memory_space<hbm>>
    %dma_wait3A_54 = tpu.memref_squeeze %dma_wait3A : memref<1x16384xf32, #tpu.memory_space<hbm>> -> memref<16384xf32, #tpu.memory_space<hbm>>
    %dma_wait3A_55 = tpu.memref_slice %arg9[%select_n3A, %mul3A_53] : memref<8x2097152xf32, #tpu.memory_space<hbm>> -> memref<1x16384xf32, #tpu.memory_space<hbm>>
    %dma_wait3A_56 = tpu.memref_squeeze %dma_wait3A_55 : memref<1x16384xf32, #tpu.memory_space<hbm>> -> memref<16384xf32, #tpu.memory_space<hbm>>
    tpu.wait_dma2 semaphore(%arg23 : memref<!tpu.dma_semaphore, #tpu.memory_space<semaphore_mem>>) src(%arg21 : memref<16384xf32, #tpu.memory_space<vmem>>) dst(%dma_wait3A_56 : memref<16384xf32, #tpu.memory_space<hbm>>)
    %mul3A_57 = arith.constant 32 : i32
    %mul3A_58 = arith.muli %select_n3A_30, %mul3A_57 : i32
    %mul3A_59 = arith.constant 16384 : i32
    %mul3A_60 = arith.muli %mul3A_58, %mul3A_59 : i32
    %dma_wait3A_61 = tpu.memref_slice %arg9[%select_n3A, %mul3A_60] : memref<8x2097152xf32, #tpu.memory_space<hbm>> -> memref<1x16384xf32, #tpu.memory_space<hbm>>
    %dma_wait3A_62 = tpu.memref_squeeze %dma_wait3A_61 : memref<1x16384xf32, #tpu.memory_space<hbm>> -> memref<16384xf32, #tpu.memory_space<hbm>>
    %dma_wait3A_63 = tpu.memref_slice %arg9[%select_n3A, %mul3A_60] : memref<8x2097152xf32, #tpu.memory_space<hbm>> -> memref<1x16384xf32, #tpu.memory_space<hbm>>
    %dma_wait3A_64 = tpu.memref_squeeze %dma_wait3A_63 : memref<1x16384xf32, #tpu.memory_space<hbm>> -> memref<16384xf32, #tpu.memory_space<hbm>>
    tpu.wait_dma2 semaphore(%arg24 : memref<!tpu.dma_semaphore, #tpu.memory_space<semaphore_mem>>) src(%arg22 : memref<16384xf32, #tpu.memory_space<vmem>>) dst(%dma_wait3A_64 : memref<16384xf32, #tpu.memory_space<hbm>>)
    return
  }
}

module attributes {stable_mosaic.version = 14 : i64} {
  func.func @_fps_body(%arg0: memref<8x512xf32, #tpu.memory_space<vmem>>, %arg1: memref<8x512xf32, #tpu.memory_space<vmem>>, %arg2: memref<8x512xf32, #tpu.memory_space<vmem>>, %arg3: memref<8x128xf32, #tpu.memory_space<vmem>>, %arg4: memref<8x128xf32, #tpu.memory_space<vmem>>, %arg5: memref<8x128xf32, #tpu.memory_space<vmem>>) attributes {dimension_semantics = [], scalar_prefetch = 0 : i64, scratch_operands = 0 : i64, tpu.core_type = #tpu.core_type<tc>} {
    %get3A = arith.constant 0 : index
    %get3A_0 = arith.constant 0 : index
    %get3A_1 = vector.load %arg0[%get3A, %get3A_0] : memref<8x512xf32, #tpu.memory_space<vmem>>, vector<8x512xf32>
    %get3A_2 = arith.constant 0 : index
    %get3A_3 = arith.constant 0 : index
    %get3A_4 = vector.load %arg1[%get3A_2, %get3A_3] : memref<8x512xf32, #tpu.memory_space<vmem>>, vector<8x512xf32>
    %get3A_5 = arith.constant 0 : index
    %get3A_6 = arith.constant 0 : index
    %get3A_7 = vector.load %arg2[%get3A_5, %get3A_6] : memref<8x512xf32, #tpu.memory_space<vmem>>, vector<8x512xf32>
    %iota3A = tpu.iota {dimensions = array<i32: 1>} : vector<8x512xi32>
    %broadcast_in_dim3A = arith.constant 1.000000e+10 : f32
    %broadcast_in_dim3A_8 = vector.broadcast %broadcast_in_dim3A : f32 to vector<8x512xf32>
    %broadcast_in_dim3A_9 = arith.constant 0 : i32
    %broadcast_in_dim3A_10 = vector.broadcast %broadcast_in_dim3A_9 : i32 to vector<8x1xi32>
    %scan3A = arith.constant 0 : i32
    %scan3A_11 = arith.constant 128 : i32
    %scan3A_12 = arith.addi %scan3A, %scan3A_11 : i32
    %scan3A_13 = arith.constant 1 : i32
    %scan3A_14:2 = scf.for %scan3A_16 = %scan3A to %scan3A_12 step %scan3A_13 iter_args(%scan3A_17 = %broadcast_in_dim3A_8, %scan3A_18 = %broadcast_in_dim3A_10) -> (vector<8x512xf32>, vector<8x1xi32>)  : i32 {
      %eq3A = vector.broadcast %scan3A_18 : vector<8x1xi32> to vector<8x512xi32>
      %eq3A_19 = arith.cmpi eq, %iota3A, %eq3A : vector<8x512xi32>
      %jit3A = arith.constant 0.000000e+00 : f32
      %broadcast_in_dim3A_20 = vector.broadcast %jit3A : f32 to vector<8x512xf32>
      %select_n3A = arith.select %eq3A_19, %get3A_1, %broadcast_in_dim3A_20 : vector<8x512xi1>, vector<8x512xf32>
      %reduce_sum3A = arith.constant dense<0.000000e+00> : vector<8xf32>
      %reduce_sum3A_21 = vector.multi_reduction <add>, %select_n3A, %reduce_sum3A [1] : vector<8x512xf32> to vector<8xf32>
      %broadcast_in_dim3A_22 = vector.shape_cast %reduce_sum3A_21 : vector<8xf32> to vector<8x1xf32>
      %jit3A_23 = arith.constant 0.000000e+00 : f32
      %broadcast_in_dim3A_24 = vector.broadcast %jit3A_23 : f32 to vector<8x512xf32>
      %select_n3A_25 = arith.select %eq3A_19, %get3A_4, %broadcast_in_dim3A_24 : vector<8x512xi1>, vector<8x512xf32>
      %reduce_sum3A_26 = arith.constant dense<0.000000e+00> : vector<8xf32>
      %reduce_sum3A_27 = vector.multi_reduction <add>, %select_n3A_25, %reduce_sum3A_26 [1] : vector<8x512xf32> to vector<8xf32>
      %broadcast_in_dim3A_28 = vector.shape_cast %reduce_sum3A_27 : vector<8xf32> to vector<8x1xf32>
      %jit3A_29 = arith.constant 0.000000e+00 : f32
      %broadcast_in_dim3A_30 = vector.broadcast %jit3A_29 : f32 to vector<8x512xf32>
      %select_n3A_31 = arith.select %eq3A_19, %get3A_7, %broadcast_in_dim3A_30 : vector<8x512xi1>, vector<8x512xf32>
      %reduce_sum3A_32 = arith.constant dense<0.000000e+00> : vector<8xf32>
      %reduce_sum3A_33 = vector.multi_reduction <add>, %select_n3A_31, %reduce_sum3A_32 [1] : vector<8x512xf32> to vector<8xf32>
      %broadcast_in_dim3A_34 = vector.shape_cast %reduce_sum3A_33 : vector<8xf32> to vector<8x1xf32>
      %sub3A = vector.broadcast %broadcast_in_dim3A_22 : vector<8x1xf32> to vector<8x512xf32>
      %sub3A_35 = arith.subf %get3A_1, %sub3A : vector<8x512xf32>
      %sub3A_36 = vector.broadcast %broadcast_in_dim3A_28 : vector<8x1xf32> to vector<8x512xf32>
      %sub3A_37 = arith.subf %get3A_4, %sub3A_36 : vector<8x512xf32>
      %sub3A_38 = vector.broadcast %broadcast_in_dim3A_34 : vector<8x1xf32> to vector<8x512xf32>
      %sub3A_39 = arith.subf %get3A_7, %sub3A_38 : vector<8x512xf32>
      %mul3A = arith.mulf %sub3A_35, %sub3A_35 : vector<8x512xf32>
      %mul3A_40 = arith.mulf %sub3A_37, %sub3A_37 : vector<8x512xf32>
      %add3A = arith.addf %mul3A, %mul3A_40 : vector<8x512xf32>
      %mul3A_41 = arith.mulf %sub3A_39, %sub3A_39 : vector<8x512xf32>
      %add3A_42 = arith.addf %add3A, %mul3A_41 : vector<8x512xf32>
      %min3A = arith.minimumf %scan3A_17, %add3A_42 : vector<8x512xf32>
      %reduce_max3A = arith.constant dense<0xFF800000> : vector<8xf32>
      %reduce_max3A_43 = vector.multi_reduction <maximumf>, %min3A, %reduce_max3A [1] : vector<8x512xf32> to vector<8xf32>
      %broadcast_in_dim3A_44 = vector.shape_cast %reduce_max3A_43 : vector<8xf32> to vector<8x1xf32>
      %eq3A_45 = vector.broadcast %broadcast_in_dim3A_44 : vector<8x1xf32> to vector<8x512xf32>
      %eq3A_46 = arith.cmpf oeq, %min3A, %eq3A_45 : vector<8x512xf32>
      %jit3A_47 = arith.constant 512 : i32
      %broadcast_in_dim3A_48 = vector.broadcast %jit3A_47 : i32 to vector<8x512xi32>
      %select_n3A_49 = arith.select %eq3A_46, %iota3A, %broadcast_in_dim3A_48 : vector<8x512xi1>, vector<8x512xi32>
      %reduce_min3A = arith.constant dense<2147483647> : vector<8xi32>
      %reduce_min3A_50 = vector.multi_reduction <minsi>, %select_n3A_49, %reduce_min3A [1] : vector<8x512xi32> to vector<8xi32>
      %broadcast_in_dim3A_51 = vector.shape_cast %reduce_min3A_50 : vector<8xi32> to vector<8x1xi32>
      %iota3A_52 = tpu.iota {dimensions = array<i32: 1>} : vector<8x128xi32>
      %eq3A_53 = vector.broadcast %scan3A_16 : i32 to vector<8x128xi32>
      %eq3A_54 = arith.cmpi eq, %iota3A_52, %eq3A_53 : vector<8x128xi32>
      %get3A_55 = arith.constant 0 : index
      %get3A_56 = arith.constant 0 : index
      %get3A_57 = vector.load %arg3[%get3A_55, %get3A_56] : memref<8x128xf32, #tpu.memory_space<vmem>>, vector<8x128xf32>
      %broadcast_in_dim3A_58 = vector.shape_cast %broadcast_in_dim3A_22 : vector<8x1xf32> to vector<8x1xf32>
      %broadcast_in_dim3A_59 = vector.broadcast %broadcast_in_dim3A_58 : vector<8x1xf32> to vector<8x128xf32>
      %select_n3A_60 = arith.select %eq3A_54, %broadcast_in_dim3A_59, %get3A_57 : vector<8x128xi1>, vector<8x128xf32>
      %swap3A = arith.constant 0 : index
      %swap3A_61 = arith.constant 0 : index
      %swap3A_62 = vector.load %arg3[%swap3A, %swap3A_61] : memref<8x128xf32, #tpu.memory_space<vmem>>, vector<8x128xf32>
      tpu.vector_store %arg3[%swap3A, %swap3A_61], %select_n3A_60 {strides = array<i32>} : memref<8x128xf32, #tpu.memory_space<vmem>>, vector<8x128xf32>,
      %get3A_63 = arith.constant 0 : index
      %get3A_64 = arith.constant 0 : index
      %get3A_65 = vector.load %arg4[%get3A_63, %get3A_64] : memref<8x128xf32, #tpu.memory_space<vmem>>, vector<8x128xf32>
      %broadcast_in_dim3A_66 = vector.shape_cast %broadcast_in_dim3A_28 : vector<8x1xf32> to vector<8x1xf32>
      %broadcast_in_dim3A_67 = vector.broadcast %broadcast_in_dim3A_66 : vector<8x1xf32> to vector<8x128xf32>
      %select_n3A_68 = arith.select %eq3A_54, %broadcast_in_dim3A_67, %get3A_65 : vector<8x128xi1>, vector<8x128xf32>
      %swap3A_69 = arith.constant 0 : index
      %swap3A_70 = arith.constant 0 : index
      %swap3A_71 = vector.load %arg4[%swap3A_69, %swap3A_70] : memref<8x128xf32, #tpu.memory_space<vmem>>, vector<8x128xf32>
      tpu.vector_store %arg4[%swap3A_69, %swap3A_70], %select_n3A_68 {strides = array<i32>} : memref<8x128xf32, #tpu.memory_space<vmem>>, vector<8x128xf32>,
      %get3A_72 = arith.constant 0 : index
      %get3A_73 = arith.constant 0 : index
      %get3A_74 = vector.load %arg5[%get3A_72, %get3A_73] : memref<8x128xf32, #tpu.memory_space<vmem>>, vector<8x128xf32>
      %broadcast_in_dim3A_75 = vector.shape_cast %broadcast_in_dim3A_34 : vector<8x1xf32> to vector<8x1xf32>
      %broadcast_in_dim3A_76 = vector.broadcast %broadcast_in_dim3A_75 : vector<8x1xf32> to vector<8x128xf32>
      %select_n3A_77 = arith.select %eq3A_54, %broadcast_in_dim3A_76, %get3A_74 : vector<8x128xi1>, vector<8x128xf32>
      %swap3A_78 = arith.constant 0 : index
      %swap3A_79 = arith.constant 0 : index
      %swap3A_80 = vector.load %arg5[%swap3A_78, %swap3A_79] : memref<8x128xf32, #tpu.memory_space<vmem>>, vector<8x128xf32>
      tpu.vector_store %arg5[%swap3A_78, %swap3A_79], %select_n3A_77 {strides = array<i32>} : memref<8x128xf32, #tpu.memory_space<vmem>>, vector<8x128xf32>,
      scf.yield %min3A, %broadcast_in_dim3A_51 : vector<8x512xf32>, vector<8x1xi32>
    }
    %scan3A_15 = arith.constant 128 : i32
    return
  }
}

module attributes {stable_mosaic.version = 14 : i64} {
  func.func @_fps_body(%arg0: memref<8x4096xf32, #tpu.memory_space<vmem>>, %arg1: memref<8x4096xf32, #tpu.memory_space<vmem>>, %arg2: memref<8x4096xf32, #tpu.memory_space<vmem>>, %arg3: memref<8x512xf32, #tpu.memory_space<vmem>>, %arg4: memref<8x512xf32, #tpu.memory_space<vmem>>, %arg5: memref<8x512xf32, #tpu.memory_space<vmem>>) attributes {dimension_semantics = [], scalar_prefetch = 0 : i64, scratch_operands = 0 : i64, tpu.core_type = #tpu.core_type<tc>} {
    %get3A = arith.constant 0 : index
    %get3A_0 = arith.constant 0 : index
    %get3A_1 = vector.load %arg0[%get3A, %get3A_0] : memref<8x4096xf32, #tpu.memory_space<vmem>>, vector<8x4096xf32>
    %get3A_2 = arith.constant 0 : index
    %get3A_3 = arith.constant 0 : index
    %get3A_4 = vector.load %arg1[%get3A_2, %get3A_3] : memref<8x4096xf32, #tpu.memory_space<vmem>>, vector<8x4096xf32>
    %get3A_5 = arith.constant 0 : index
    %get3A_6 = arith.constant 0 : index
    %get3A_7 = vector.load %arg2[%get3A_5, %get3A_6] : memref<8x4096xf32, #tpu.memory_space<vmem>>, vector<8x4096xf32>
    %iota3A = tpu.iota {dimensions = array<i32: 1>} : vector<8x4096xi32>
    %broadcast_in_dim3A = arith.constant 1.000000e+10 : f32
    %broadcast_in_dim3A_8 = vector.broadcast %broadcast_in_dim3A : f32 to vector<8x4096xf32>
    %broadcast_in_dim3A_9 = arith.constant 0 : i32
    %broadcast_in_dim3A_10 = vector.broadcast %broadcast_in_dim3A_9 : i32 to vector<8x1xi32>
    %scan3A = arith.constant 0 : i32
    %scan3A_11 = arith.constant 512 : i32
    %scan3A_12 = arith.addi %scan3A, %scan3A_11 : i32
    %scan3A_13 = arith.constant 1 : i32
    %scan3A_14:2 = scf.for %scan3A_16 = %scan3A to %scan3A_12 step %scan3A_13 iter_args(%scan3A_17 = %broadcast_in_dim3A_8, %scan3A_18 = %broadcast_in_dim3A_10) -> (vector<8x4096xf32>, vector<8x1xi32>)  : i32 {
      %eq3A = vector.broadcast %scan3A_18 : vector<8x1xi32> to vector<8x4096xi32>
      %eq3A_19 = arith.cmpi eq, %iota3A, %eq3A : vector<8x4096xi32>
      %jit3A = arith.constant 0.000000e+00 : f32
      %broadcast_in_dim3A_20 = vector.broadcast %jit3A : f32 to vector<8x4096xf32>
      %select_n3A = arith.select %eq3A_19, %get3A_1, %broadcast_in_dim3A_20 : vector<8x4096xi1>, vector<8x4096xf32>
      %reduce_sum3A = arith.constant dense<0.000000e+00> : vector<8xf32>
      %reduce_sum3A_21 = vector.multi_reduction <add>, %select_n3A, %reduce_sum3A [1] : vector<8x4096xf32> to vector<8xf32>
      %broadcast_in_dim3A_22 = vector.shape_cast %reduce_sum3A_21 : vector<8xf32> to vector<8x1xf32>
      %jit3A_23 = arith.constant 0.000000e+00 : f32
      %broadcast_in_dim3A_24 = vector.broadcast %jit3A_23 : f32 to vector<8x4096xf32>
      %select_n3A_25 = arith.select %eq3A_19, %get3A_4, %broadcast_in_dim3A_24 : vector<8x4096xi1>, vector<8x4096xf32>
      %reduce_sum3A_26 = arith.constant dense<0.000000e+00> : vector<8xf32>
      %reduce_sum3A_27 = vector.multi_reduction <add>, %select_n3A_25, %reduce_sum3A_26 [1] : vector<8x4096xf32> to vector<8xf32>
      %broadcast_in_dim3A_28 = vector.shape_cast %reduce_sum3A_27 : vector<8xf32> to vector<8x1xf32>
      %jit3A_29 = arith.constant 0.000000e+00 : f32
      %broadcast_in_dim3A_30 = vector.broadcast %jit3A_29 : f32 to vector<8x4096xf32>
      %select_n3A_31 = arith.select %eq3A_19, %get3A_7, %broadcast_in_dim3A_30 : vector<8x4096xi1>, vector<8x4096xf32>
      %reduce_sum3A_32 = arith.constant dense<0.000000e+00> : vector<8xf32>
      %reduce_sum3A_33 = vector.multi_reduction <add>, %select_n3A_31, %reduce_sum3A_32 [1] : vector<8x4096xf32> to vector<8xf32>
      %broadcast_in_dim3A_34 = vector.shape_cast %reduce_sum3A_33 : vector<8xf32> to vector<8x1xf32>
      %sub3A = vector.broadcast %broadcast_in_dim3A_22 : vector<8x1xf32> to vector<8x4096xf32>
      %sub3A_35 = arith.subf %get3A_1, %sub3A : vector<8x4096xf32>
      %sub3A_36 = vector.broadcast %broadcast_in_dim3A_28 : vector<8x1xf32> to vector<8x4096xf32>
      %sub3A_37 = arith.subf %get3A_4, %sub3A_36 : vector<8x4096xf32>
      %sub3A_38 = vector.broadcast %broadcast_in_dim3A_34 : vector<8x1xf32> to vector<8x4096xf32>
      %sub3A_39 = arith.subf %get3A_7, %sub3A_38 : vector<8x4096xf32>
      %mul3A = arith.mulf %sub3A_35, %sub3A_35 : vector<8x4096xf32>
      %mul3A_40 = arith.mulf %sub3A_37, %sub3A_37 : vector<8x4096xf32>
      %add3A = arith.addf %mul3A, %mul3A_40 : vector<8x4096xf32>
      %mul3A_41 = arith.mulf %sub3A_39, %sub3A_39 : vector<8x4096xf32>
      %add3A_42 = arith.addf %add3A, %mul3A_41 : vector<8x4096xf32>
      %min3A = arith.minimumf %scan3A_17, %add3A_42 : vector<8x4096xf32>
      %reduce_max3A = arith.constant dense<0xFF800000> : vector<8xf32>
      %reduce_max3A_43 = vector.multi_reduction <maximumf>, %min3A, %reduce_max3A [1] : vector<8x4096xf32> to vector<8xf32>
      %broadcast_in_dim3A_44 = vector.shape_cast %reduce_max3A_43 : vector<8xf32> to vector<8x1xf32>
      %eq3A_45 = vector.broadcast %broadcast_in_dim3A_44 : vector<8x1xf32> to vector<8x4096xf32>
      %eq3A_46 = arith.cmpf oeq, %min3A, %eq3A_45 : vector<8x4096xf32>
      %jit3A_47 = arith.constant 4096 : i32
      %broadcast_in_dim3A_48 = vector.broadcast %jit3A_47 : i32 to vector<8x4096xi32>
      %select_n3A_49 = arith.select %eq3A_46, %iota3A, %broadcast_in_dim3A_48 : vector<8x4096xi1>, vector<8x4096xi32>
      %reduce_min3A = arith.constant dense<2147483647> : vector<8xi32>
      %reduce_min3A_50 = vector.multi_reduction <minsi>, %select_n3A_49, %reduce_min3A [1] : vector<8x4096xi32> to vector<8xi32>
      %broadcast_in_dim3A_51 = vector.shape_cast %reduce_min3A_50 : vector<8xi32> to vector<8x1xi32>
      %iota3A_52 = tpu.iota {dimensions = array<i32: 1>} : vector<8x512xi32>
      %eq3A_53 = vector.broadcast %scan3A_16 : i32 to vector<8x512xi32>
      %eq3A_54 = arith.cmpi eq, %iota3A_52, %eq3A_53 : vector<8x512xi32>
      %get3A_55 = arith.constant 0 : index
      %get3A_56 = arith.constant 0 : index
      %get3A_57 = vector.load %arg3[%get3A_55, %get3A_56] : memref<8x512xf32, #tpu.memory_space<vmem>>, vector<8x512xf32>
      %broadcast_in_dim3A_58 = vector.shape_cast %broadcast_in_dim3A_22 : vector<8x1xf32> to vector<8x1xf32>
      %broadcast_in_dim3A_59 = vector.broadcast %broadcast_in_dim3A_58 : vector<8x1xf32> to vector<8x512xf32>
      %select_n3A_60 = arith.select %eq3A_54, %broadcast_in_dim3A_59, %get3A_57 : vector<8x512xi1>, vector<8x512xf32>
      %swap3A = arith.constant 0 : index
      %swap3A_61 = arith.constant 0 : index
      %swap3A_62 = vector.load %arg3[%swap3A, %swap3A_61] : memref<8x512xf32, #tpu.memory_space<vmem>>, vector<8x512xf32>
      tpu.vector_store %arg3[%swap3A, %swap3A_61], %select_n3A_60 {strides = array<i32>} : memref<8x512xf32, #tpu.memory_space<vmem>>, vector<8x512xf32>,
      %get3A_63 = arith.constant 0 : index
      %get3A_64 = arith.constant 0 : index
      %get3A_65 = vector.load %arg4[%get3A_63, %get3A_64] : memref<8x512xf32, #tpu.memory_space<vmem>>, vector<8x512xf32>
      %broadcast_in_dim3A_66 = vector.shape_cast %broadcast_in_dim3A_28 : vector<8x1xf32> to vector<8x1xf32>
      %broadcast_in_dim3A_67 = vector.broadcast %broadcast_in_dim3A_66 : vector<8x1xf32> to vector<8x512xf32>
      %select_n3A_68 = arith.select %eq3A_54, %broadcast_in_dim3A_67, %get3A_65 : vector<8x512xi1>, vector<8x512xf32>
      %swap3A_69 = arith.constant 0 : index
      %swap3A_70 = arith.constant 0 : index
      %swap3A_71 = vector.load %arg4[%swap3A_69, %swap3A_70] : memref<8x512xf32, #tpu.memory_space<vmem>>, vector<8x512xf32>
      tpu.vector_store %arg4[%swap3A_69, %swap3A_70], %select_n3A_68 {strides = array<i32>} : memref<8x512xf32, #tpu.memory_space<vmem>>, vector<8x512xf32>,
      %get3A_72 = arith.constant 0 : index
      %get3A_73 = arith.constant 0 : index
      %get3A_74 = vector.load %arg5[%get3A_72, %get3A_73] : memref<8x512xf32, #tpu.memory_space<vmem>>, vector<8x512xf32>
      %broadcast_in_dim3A_75 = vector.shape_cast %broadcast_in_dim3A_34 : vector<8x1xf32> to vector<8x1xf32>
      %broadcast_in_dim3A_76 = vector.broadcast %broadcast_in_dim3A_75 : vector<8x1xf32> to vector<8x512xf32>
      %select_n3A_77 = arith.select %eq3A_54, %broadcast_in_dim3A_76, %get3A_74 : vector<8x512xi1>, vector<8x512xf32>
      %swap3A_78 = arith.constant 0 : index
      %swap3A_79 = arith.constant 0 : index
      %swap3A_80 = vector.load %arg5[%swap3A_78, %swap3A_79] : memref<8x512xf32, #tpu.memory_space<vmem>>, vector<8x512xf32>
      tpu.vector_store %arg5[%swap3A_78, %swap3A_79], %select_n3A_77 {strides = array<i32>} : memref<8x512xf32, #tpu.memory_space<vmem>>, vector<8x512xf32>,
      scf.yield %min3A, %broadcast_in_dim3A_51 : vector<8x4096xf32>, vector<8x1xi32>
    }
    %scan3A_15 = arith.constant 512 : i32
    return
  }
}

module attributes {stable_mosaic.version = 14 : i64} {
  func.func @_mlp1_body(%arg0: i32, %arg1: i32, %arg2: memref<1x2048x4xf32, #tpu.memory_space<vmem>>, %arg3: memref<4x64xf32, #tpu.memory_space<vmem>>, %arg4: memref<1x64xf32, #tpu.memory_space<vmem>>, %arg5: memref<64x64xf32, #tpu.memory_space<vmem>>, %arg6: memref<1x64xf32, #tpu.memory_space<vmem>>, %arg7: memref<64x128xf32, #tpu.memory_space<vmem>>, %arg8: memref<1x128xf32, #tpu.memory_space<vmem>>, %arg9: memref<1x64x64xf32, #tpu.memory_space<vmem>>, %arg10: memref<1x64x128xf32, #tpu.memory_space<vmem>>) attributes {dimension_semantics = [#tpu.dimension_semantics<arbitrary>, #tpu.dimension_semantics<arbitrary>], iteration_bounds = array<i64: 8, 8>, scalar_prefetch = 0 : i64, scratch_operands = 0 : i64, tpu.core_type = #tpu.core_type<tc>, window_params = [{transform_indices = @transform_0, window_bounds = array<i64: 1, 2048, 4>}, {pipeline_mode = #tpu.pipeline_mode<synchronous>, transform_indices = @transform_1, window_bounds = array<i64: 4, 64>}, {pipeline_mode = #tpu.pipeline_mode<synchronous>, transform_indices = @transform_2, window_bounds = array<i64: 1, 64>}, {pipeline_mode = #tpu.pipeline_mode<synchronous>, transform_indices = @transform_3, window_bounds = array<i64: 64, 64>}, {pipeline_mode = #tpu.pipeline_mode<synchronous>, transform_indices = @transform_4, window_bounds = array<i64: 1, 64>}, {pipeline_mode = #tpu.pipeline_mode<synchronous>, transform_indices = @transform_5, window_bounds = array<i64: 64, 128>}, {pipeline_mode = #tpu.pipeline_mode<synchronous>, transform_indices = @transform_6, window_bounds = array<i64: 1, 128>}, {transform_indices = @transform_7, window_bounds = array<i64: 1, 64, 64>}, {transform_indices = @transform_8, window_bounds = array<i64: 1, 64, 128>}]} {
    %get3A = arith.constant 0 : index
    %get3A_0 = arith.constant 0 : index
    %get3A_1 = arith.constant 0 : index
    %get3A_2 = vector.load %arg2[%get3A, %get3A_0, %get3A_1] : memref<1x2048x4xf32, #tpu.memory_space<vmem>>, vector<1x2048x4xf32>
    %get3A_3 = vector.shape_cast %get3A_2 : vector<1x2048x4xf32> to vector<2048x4xf32>
    %get3A_4 = arith.constant 0 : index
    %get3A_5 = arith.constant 0 : index
    %get3A_6 = vector.load %arg3[%get3A_4, %get3A_5] : memref<4x64xf32, #tpu.memory_space<vmem>>, vector<4x64xf32>
    %dot_general3A = arith.constant dense<0.000000e+00> : vector<2048x64xf32>
    %dot_general3A_7 = tpu.matmul %get3A_3, %get3A_6, %dot_general3A {dimension_numbers = #tpu.dot_dimension_numbers<[1], [0], [0], [1], [0, 0, 1, 1], [], []>, transpose_lhs_hint = false} : vector<2048x4xf32>, vector<4x64xf32>, vector<2048x64xf32> -> vector<2048x64xf32>
    %get3A_8 = arith.constant 0 : index
    %get3A_9 = arith.constant 0 : index
    %get3A_10 = vector.load %arg4[%get3A_8, %get3A_9] : memref<1x64xf32, #tpu.memory_space<vmem>>, vector<1x64xf32>
    %add3A = vector.broadcast %get3A_10 : vector<1x64xf32> to vector<2048x64xf32>
    %add3A_11 = arith.addf %dot_general3A_7, %add3A : vector<2048x64xf32>
    %max3A = arith.constant 0.000000e+00 : f32
    %max3A_12 = vector.broadcast %max3A : f32 to vector<2048x64xf32>
    %max3A_13 = arith.maximumf %add3A_11, %max3A_12 : vector<2048x64xf32>
    %get3A_14 = arith.constant 0 : index
    %get3A_15 = arith.constant 0 : index
    %get3A_16 = vector.load %arg5[%get3A_14, %get3A_15] : memref<64x64xf32, #tpu.memory_space<vmem>>, vector<64x64xf32>
    %dot_general3A_17 = arith.constant dense<0.000000e+00> : vector<2048x64xf32>
    %dot_general3A_18 = tpu.matmul %max3A_13, %get3A_16, %dot_general3A_17 {dimension_numbers = #tpu.dot_dimension_numbers<[1], [0], [0], [1], [0, 0, 1, 1], [], []>, transpose_lhs_hint = false} : vector<2048x64xf32>, vector<64x64xf32>, vector<2048x64xf32> -> vector<2048x64xf32>
    %get3A_19 = arith.constant 0 : index
    %get3A_20 = arith.constant 0 : index
    %get3A_21 = vector.load %arg6[%get3A_19, %get3A_20] : memref<1x64xf32, #tpu.memory_space<vmem>>, vector<1x64xf32>
    %add3A_22 = vector.broadcast %get3A_21 : vector<1x64xf32> to vector<2048x64xf32>
    %add3A_23 = arith.addf %dot_general3A_18, %add3A_22 : vector<2048x64xf32>
    %max3A_24 = arith.constant 0.000000e+00 : f32
    %max3A_25 = vector.broadcast %max3A_24 : f32 to vector<2048x64xf32>
    %max3A_26 = arith.maximumf %add3A_23, %max3A_25 : vector<2048x64xf32>
    %reshape3A = vector.shape_cast %max3A_26 : vector<2048x64xf32> to vector<64x32x64xf32>
    %reduce_max3A = arith.constant dense<0xFF800000> : vector<64x64xf32>
    %reduce_max3A_27 = vector.multi_reduction <maximumf>, %reshape3A, %reduce_max3A [1] : vector<64x32x64xf32> to vector<64x64xf32>
    %swap3A = arith.constant 0 : index
    %swap3A_28 = arith.constant 0 : index
    %swap3A_29 = arith.constant 0 : index
    %swap3A_30 = vector.load %arg9[%swap3A, %swap3A_28, %swap3A_29] : memref<1x64x64xf32, #tpu.memory_space<vmem>>, vector<1x64x64xf32>
    %swap3A_31 = vector.shape_cast %swap3A_30 : vector<1x64x64xf32> to vector<64x64xf32>
    %swap3A_32 = vector.shape_cast %reduce_max3A_27 : vector<64x64xf32> to vector<1x64x64xf32>
    tpu.vector_store %arg9[%swap3A, %swap3A_28, %swap3A_29], %swap3A_32 {strides = array<i32>} : memref<1x64x64xf32, #tpu.memory_space<vmem>>, vector<1x64x64xf32>,
    %get3A_33 = arith.constant 0 : index
    %get3A_34 = arith.constant 0 : index
    %get3A_35 = vector.load %arg7[%get3A_33, %get3A_34] : memref<64x128xf32, #tpu.memory_space<vmem>>, vector<64x128xf32>
    %dot_general3A_36 = arith.constant dense<0.000000e+00> : vector<2048x128xf32>
    %dot_general3A_37 = tpu.matmul %max3A_26, %get3A_35, %dot_general3A_36 {dimension_numbers = #tpu.dot_dimension_numbers<[1], [0], [0], [1], [0, 0, 1, 1], [], []>, transpose_lhs_hint = false} : vector<2048x64xf32>, vector<64x128xf32>, vector<2048x128xf32> -> vector<2048x128xf32>
    %get3A_38 = arith.constant 0 : index
    %get3A_39 = arith.constant 0 : index
    %get3A_40 = vector.load %arg8[%get3A_38, %get3A_39] : memref<1x128xf32, #tpu.memory_space<vmem>>, vector<1x128xf32>
    %add3A_41 = vector.broadcast %get3A_40 : vector<1x128xf32> to vector<2048x128xf32>
    %add3A_42 = arith.addf %dot_general3A_37, %add3A_41 : vector<2048x128xf32>
    %max3A_43 = arith.constant 0.000000e+00 : f32
    %max3A_44 = vector.broadcast %max3A_43 : f32 to vector<2048x128xf32>
    %max3A_45 = arith.maximumf %add3A_42, %max3A_44 : vector<2048x128xf32>
    %reshape3A_46 = vector.shape_cast %max3A_45 : vector<2048x128xf32> to vector<64x32x128xf32>
    %reduce_max3A_47 = arith.constant dense<0xFF800000> : vector<64x128xf32>
    %reduce_max3A_48 = vector.multi_reduction <maximumf>, %reshape3A_46, %reduce_max3A_47 [1] : vector<64x32x128xf32> to vector<64x128xf32>
    %swap3A_49 = arith.constant 0 : index
    %swap3A_50 = arith.constant 0 : index
    %swap3A_51 = arith.constant 0 : index
    %swap3A_52 = vector.load %arg10[%swap3A_49, %swap3A_50, %swap3A_51] : memref<1x64x128xf32, #tpu.memory_space<vmem>>, vector<1x64x128xf32>
    %swap3A_53 = vector.shape_cast %swap3A_52 : vector<1x64x128xf32> to vector<64x128xf32>
    %swap3A_54 = vector.shape_cast %reduce_max3A_48 : vector<64x128xf32> to vector<1x64x128xf32>
    tpu.vector_store %arg10[%swap3A_49, %swap3A_50, %swap3A_51], %swap3A_54 {strides = array<i32>} : memref<1x64x128xf32, #tpu.memory_space<vmem>>, vector<1x64x128xf32>,
    return
  }
  func.func @transform_0(%arg0: i32, %arg1: i32) -> (i32, i32, i32) {
    %c0_i32 = arith.constant 0 : i32
    %c0_i32_0 = arith.constant 0 : i32
    return %arg0, %arg1, %c0_i32 : i32, i32, i32
  }
  func.func @transform_1(%arg0: i32, %arg1: i32) -> (i32, i32) {
    %c0_i32 = arith.constant 0 : i32
    %c0_i32_0 = arith.constant 0 : i32
    %c0_i32_1 = arith.constant 0 : i32
    return %c0_i32, %c0_i32_0 : i32, i32
  }
  func.func @transform_2(%arg0: i32, %arg1: i32) -> (i32, i32) {
    %c0_i32 = arith.constant 0 : i32
    %c0_i32_0 = arith.constant 0 : i32
    %c0_i32_1 = arith.constant 0 : i32
    return %c0_i32, %c0_i32_0 : i32, i32
  }
  func.func @transform_3(%arg0: i32, %arg1: i32) -> (i32, i32) {
    %c0_i32 = arith.constant 0 : i32
    %c0_i32_0 = arith.constant 0 : i32
    %c0_i32_1 = arith.constant 0 : i32
    return %c0_i32, %c0_i32_0 : i32, i32
  }
  func.func @transform_4(%arg0: i32, %arg1: i32) -> (i32, i32) {
    %c0_i32 = arith.constant 0 : i32
    %c0_i32_0 = arith.constant 0 : i32
    %c0_i32_1 = arith.constant 0 : i32
    return %c0_i32, %c0_i32_0 : i32, i32
  }
  func.func @transform_5(%arg0: i32, %arg1: i32) -> (i32, i32) {
    %c0_i32 = arith.constant 0 : i32
    %c0_i32_0 = arith.constant 0 : i32
    %c0_i32_1 = arith.constant 0 : i32
    return %c0_i32, %c0_i32_0 : i32, i32
  }
  func.func @transform_6(%arg0: i32, %arg1: i32) -> (i32, i32) {
    %c0_i32 = arith.constant 0 : i32
    %c0_i32_0 = arith.constant 0 : i32
    %c0_i32_1 = arith.constant 0 : i32
    return %c0_i32, %c0_i32_0 : i32, i32
  }
  func.func @transform_7(%arg0: i32, %arg1: i32) -> (i32, i32, i32) {
    %c0_i32 = arith.constant 0 : i32
    %c0_i32_0 = arith.constant 0 : i32
    return %arg0, %arg1, %c0_i32 : i32, i32, i32
  }
  func.func @transform_8(%arg0: i32, %arg1: i32) -> (i32, i32, i32) {
    %c0_i32 = arith.constant 0 : i32
    %c0_i32_0 = arith.constant 0 : i32
    return %arg0, %arg1, %c0_i32 : i32, i32, i32
  }
}

module attributes {stable_mosaic.version = 14 : i64} {
  func.func @_red_body(%arg0: i32, %arg1: memref<1x512x64xf32, #tpu.memory_space<vmem>>, %arg2: memref<64x512xf32, #tpu.memory_space<vmem>>, %arg3: memref<64x1xf32, #tpu.memory_space<vmem>>, %arg4: memref<1x64x64xf32, #tpu.memory_space<vmem>>) attributes {dimension_semantics = [#tpu.dimension_semantics<arbitrary>], iteration_bounds = array<i64: 8>, scalar_prefetch = 0 : i64, scratch_operands = 0 : i64, tpu.core_type = #tpu.core_type<tc>, window_params = [{transform_indices = @transform_0, window_bounds = array<i64: 1, 512, 64>}, {pipeline_mode = #tpu.pipeline_mode<synchronous>, transform_indices = @transform_1, window_bounds = array<i64: 64, 512>}, {pipeline_mode = #tpu.pipeline_mode<synchronous>, transform_indices = @transform_2, window_bounds = array<i64: 64, 1>}, {transform_indices = @transform_3, window_bounds = array<i64: 1, 64, 64>}]} {
    %get3A = arith.constant 0 : index
    %get3A_0 = arith.constant 0 : index
    %get3A_1 = vector.load %arg2[%get3A, %get3A_0] : memref<64x512xf32, #tpu.memory_space<vmem>>, vector<64x512xf32>
    %get3A_2 = arith.constant 0 : index
    %get3A_3 = arith.constant 0 : index
    %get3A_4 = arith.constant 0 : index
    %get3A_5 = vector.load %arg1[%get3A_2, %get3A_3, %get3A_4] : memref<1x512x64xf32, #tpu.memory_space<vmem>>, vector<1x512x64xf32>
    %get3A_6 = vector.shape_cast %get3A_5 : vector<1x512x64xf32> to vector<512x64xf32>
    %dot_general3A = arith.constant dense<0.000000e+00> : vector<64x64xf32>
    %dot_general3A_7 = tpu.matmul %get3A_1, %get3A_6, %dot_general3A {dimension_numbers = #tpu.dot_dimension_numbers<[1], [0], [0], [1], [0, 0, 1, 1], [], []>, transpose_lhs_hint = false} : vector<64x512xf32>, vector<512x64xf32>, vector<64x64xf32> -> vector<64x64xf32>
    %get3A_8 = arith.constant 0 : index
    %get3A_9 = arith.constant 0 : index
    %get3A_10 = vector.load %arg3[%get3A_8, %get3A_9] : memref<64x1xf32, #tpu.memory_space<vmem>>, vector<64x1xf32>
    %add3A = vector.broadcast %get3A_10 : vector<64x1xf32> to vector<64x64xf32>
    %add3A_11 = arith.addf %dot_general3A_7, %add3A : vector<64x64xf32>
    %swap3A = arith.constant 0 : index
    %swap3A_12 = arith.constant 0 : index
    %swap3A_13 = arith.constant 0 : index
    %swap3A_14 = vector.load %arg4[%swap3A, %swap3A_12, %swap3A_13] : memref<1x64x64xf32, #tpu.memory_space<vmem>>, vector<1x64x64xf32>
    %swap3A_15 = vector.shape_cast %swap3A_14 : vector<1x64x64xf32> to vector<64x64xf32>
    %swap3A_16 = vector.shape_cast %add3A_11 : vector<64x64xf32> to vector<1x64x64xf32>
    tpu.vector_store %arg4[%swap3A, %swap3A_12, %swap3A_13], %swap3A_16 {strides = array<i32>} : memref<1x64x64xf32, #tpu.memory_space<vmem>>, vector<1x64x64xf32>,
    return
  }
  func.func @transform_0(%arg0: i32) -> (i32, i32, i32) {
    %c0_i32 = arith.constant 0 : i32
    %c0_i32_0 = arith.constant 0 : i32
    %c0_i32_1 = arith.constant 0 : i32
    return %arg0, %c0_i32, %c0_i32_0 : i32, i32, i32
  }
  func.func @transform_1(%arg0: i32) -> (i32, i32) {
    %c0_i32 = arith.constant 0 : i32
    %c0_i32_0 = arith.constant 0 : i32
    %c0_i32_1 = arith.constant 0 : i32
    return %c0_i32, %c0_i32_0 : i32, i32
  }
  func.func @transform_2(%arg0: i32) -> (i32, i32) {
    %c0_i32 = arith.constant 0 : i32
    %c0_i32_0 = arith.constant 0 : i32
    %c0_i32_1 = arith.constant 0 : i32
    return %c0_i32, %c0_i32_0 : i32, i32
  }
  func.func @transform_3(%arg0: i32) -> (i32, i32, i32) {
    %c0_i32 = arith.constant 0 : i32
    %c0_i32_0 = arith.constant 0 : i32
    %c0_i32_1 = arith.constant 0 : i32
    return %arg0, %c0_i32, %c0_i32_0 : i32, i32, i32
  }
}

module attributes {stable_mosaic.version = 14 : i64} {
  func.func @_mlp2_body(%arg0: i32, %arg1: i32, %arg2: memref<1x2048x256xf32, #tpu.memory_space<vmem>>, %arg3: memref<256x128xf32, #tpu.memory_space<vmem>>, %arg4: memref<1x128xf32, #tpu.memory_space<vmem>>, %arg5: memref<128x128xf32, #tpu.memory_space<vmem>>, %arg6: memref<1x128xf32, #tpu.memory_space<vmem>>, %arg7: memref<128x256xf32, #tpu.memory_space<vmem>>, %arg8: memref<1x256xf32, #tpu.memory_space<vmem>>, %arg9: memref<1x32x256xf32, #tpu.memory_space<vmem>>) attributes {dimension_semantics = [#tpu.dimension_semantics<arbitrary>, #tpu.dimension_semantics<arbitrary>], iteration_bounds = array<i64: 8, 4>, scalar_prefetch = 0 : i64, scratch_operands = 0 : i64, tpu.core_type = #tpu.core_type<tc>, window_params = [{transform_indices = @transform_0, window_bounds = array<i64: 1, 2048, 256>}, {pipeline_mode = #tpu.pipeline_mode<synchronous>, transform_indices = @transform_1, window_bounds = array<i64: 256, 128>}, {pipeline_mode = #tpu.pipeline_mode<synchronous>, transform_indices = @transform_2, window_bounds = array<i64: 1, 128>}, {pipeline_mode = #tpu.pipeline_mode<synchronous>, transform_indices = @transform_3, window_bounds = array<i64: 128, 128>}, {pipeline_mode = #tpu.pipeline_mode<synchronous>, transform_indices = @transform_4, window_bounds = array<i64: 1, 128>}, {pipeline_mode = #tpu.pipeline_mode<synchronous>, transform_indices = @transform_5, window_bounds = array<i64: 128, 256>}, {pipeline_mode = #tpu.pipeline_mode<synchronous>, transform_indices = @transform_6, window_bounds = array<i64: 1, 256>}, {transform_indices = @transform_7, window_bounds = array<i64: 1, 32, 256>}]} {
    %get3A = arith.constant 0 : index
    %get3A_0 = arith.constant 0 : index
    %get3A_1 = arith.constant 0 : index
    %get3A_2 = vector.load %arg2[%get3A, %get3A_0, %get3A_1] : memref<1x2048x256xf32, #tpu.memory_space<vmem>>, vector<1x2048x256xf32>
    %get3A_3 = vector.shape_cast %get3A_2 : vector<1x2048x256xf32> to vector<2048x256xf32>
    %get3A_4 = arith.constant 0 : index
    %get3A_5 = arith.constant 0 : index
    %get3A_6 = vector.load %arg3[%get3A_4, %get3A_5] : memref<256x128xf32, #tpu.memory_space<vmem>>, vector<256x128xf32>
    %dot_general3A = arith.constant dense<0.000000e+00> : vector<2048x128xf32>
    %dot_general3A_7 = tpu.matmul %get3A_3, %get3A_6, %dot_general3A {dimension_numbers = #tpu.dot_dimension_numbers<[1], [0], [0], [1], [0, 0, 1, 1], [], []>, transpose_lhs_hint = false} : vector<2048x256xf32>, vector<256x128xf32>, vector<2048x128xf32> -> vector<2048x128xf32>
    %get3A_8 = arith.constant 0 : index
    %get3A_9 = arith.constant 0 : index
    %get3A_10 = vector.load %arg4[%get3A_8, %get3A_9] : memref<1x128xf32, #tpu.memory_space<vmem>>, vector<1x128xf32>
    %add3A = vector.broadcast %get3A_10 : vector<1x128xf32> to vector<2048x128xf32>
    %add3A_11 = arith.addf %dot_general3A_7, %add3A : vector<2048x128xf32>
    %max3A = arith.constant 0.000000e+00 : f32
    %max3A_12 = vector.broadcast %max3A : f32 to vector<2048x128xf32>
    %max3A_13 = arith.maximumf %add3A_11, %max3A_12 : vector<2048x128xf32>
    %get3A_14 = arith.constant 0 : index
    %get3A_15 = arith.constant 0 : index
    %get3A_16 = vector.load %arg5[%get3A_14, %get3A_15] : memref<128x128xf32, #tpu.memory_space<vmem>>, vector<128x128xf32>
    %dot_general3A_17 = arith.constant dense<0.000000e+00> : vector<2048x128xf32>
    %dot_general3A_18 = tpu.matmul %max3A_13, %get3A_16, %dot_general3A_17 {dimension_numbers = #tpu.dot_dimension_numbers<[1], [0], [0], [1], [0, 0, 1, 1], [], []>, transpose_lhs_hint = false} : vector<2048x128xf32>, vector<128x128xf32>, vector<2048x128xf32> -> vector<2048x128xf32>
    %get3A_19 = arith.constant 0 : index
    %get3A_20 = arith.constant 0 : index
    %get3A_21 = vector.load %arg6[%get3A_19, %get3A_20] : memref<1x128xf32, #tpu.memory_space<vmem>>, vector<1x128xf32>
    %add3A_22 = vector.broadcast %get3A_21 : vector<1x128xf32> to vector<2048x128xf32>
    %add3A_23 = arith.addf %dot_general3A_18, %add3A_22 : vector<2048x128xf32>
    %max3A_24 = arith.constant 0.000000e+00 : f32
    %max3A_25 = vector.broadcast %max3A_24 : f32 to vector<2048x128xf32>
    %max3A_26 = arith.maximumf %add3A_23, %max3A_25 : vector<2048x128xf32>
    %get3A_27 = arith.constant 0 : index
    %get3A_28 = arith.constant 0 : index
    %get3A_29 = vector.load %arg7[%get3A_27, %get3A_28] : memref<128x256xf32, #tpu.memory_space<vmem>>, vector<128x256xf32>
    %dot_general3A_30 = arith.constant dense<0.000000e+00> : vector<2048x256xf32>
    %dot_general3A_31 = tpu.matmul %max3A_26, %get3A_29, %dot_general3A_30 {dimension_numbers = #tpu.dot_dimension_numbers<[1], [0], [0], [1], [0, 0, 1, 1], [], []>, transpose_lhs_hint = false} : vector<2048x128xf32>, vector<128x256xf32>, vector<2048x256xf32> -> vector<2048x256xf32>
    %get3A_32 = arith.constant 0 : index
    %get3A_33 = arith.constant 0 : index
    %get3A_34 = vector.load %arg8[%get3A_32, %get3A_33] : memref<1x256xf32, #tpu.memory_space<vmem>>, vector<1x256xf32>
    %add3A_35 = vector.broadcast %get3A_34 : vector<1x256xf32> to vector<2048x256xf32>
    %add3A_36 = arith.addf %dot_general3A_31, %add3A_35 : vector<2048x256xf32>
    %max3A_37 = arith.constant 0.000000e+00 : f32
    %max3A_38 = vector.broadcast %max3A_37 : f32 to vector<2048x256xf32>
    %max3A_39 = arith.maximumf %add3A_36, %max3A_38 : vector<2048x256xf32>
    %reshape3A = vector.shape_cast %max3A_39 : vector<2048x256xf32> to vector<32x64x256xf32>
    %reduce_max3A = arith.constant dense<0xFF800000> : vector<32x256xf32>
    %reduce_max3A_40 = vector.multi_reduction <maximumf>, %reshape3A, %reduce_max3A [1] : vector<32x64x256xf32> to vector<32x256xf32>
    %swap3A = arith.constant 0 : index
    %swap3A_41 = arith.constant 0 : index
    %swap3A_42 = arith.constant 0 : index
    %swap3A_43 = vector.load %arg9[%swap3A, %swap3A_41, %swap3A_42] : memref<1x32x256xf32, #tpu.memory_space<vmem>>, vector<1x32x256xf32>
    %swap3A_44 = vector.shape_cast %swap3A_43 : vector<1x32x256xf32> to vector<32x256xf32>
    %swap3A_45 = vector.shape_cast %reduce_max3A_40 : vector<32x256xf32> to vector<1x32x256xf32>
    tpu.vector_store %arg9[%swap3A, %swap3A_41, %swap3A_42], %swap3A_45 {strides = array<i32>} : memref<1x32x256xf32, #tpu.memory_space<vmem>>, vector<1x32x256xf32>,
    return
  }
  func.func @transform_0(%arg0: i32, %arg1: i32) -> (i32, i32, i32) {
    %c0_i32 = arith.constant 0 : i32
    %c0_i32_0 = arith.constant 0 : i32
    return %arg0, %arg1, %c0_i32 : i32, i32, i32
  }
  func.func @transform_1(%arg0: i32, %arg1: i32) -> (i32, i32) {
    %c0_i32 = arith.constant 0 : i32
    %c0_i32_0 = arith.constant 0 : i32
    %c0_i32_1 = arith.constant 0 : i32
    return %c0_i32, %c0_i32_0 : i32, i32
  }
  func.func @transform_2(%arg0: i32, %arg1: i32) -> (i32, i32) {
    %c0_i32 = arith.constant 0 : i32
    %c0_i32_0 = arith.constant 0 : i32
    %c0_i32_1 = arith.constant 0 : i32
    return %c0_i32, %c0_i32_0 : i32, i32
  }
  func.func @transform_3(%arg0: i32, %arg1: i32) -> (i32, i32) {
    %c0_i32 = arith.constant 0 : i32
    %c0_i32_0 = arith.constant 0 : i32
    %c0_i32_1 = arith.constant 0 : i32
    return %c0_i32, %c0_i32_0 : i32, i32
  }
  func.func @transform_4(%arg0: i32, %arg1: i32) -> (i32, i32) {
    %c0_i32 = arith.constant 0 : i32
    %c0_i32_0 = arith.constant 0 : i32
    %c0_i32_1 = arith.constant 0 : i32
    return %c0_i32, %c0_i32_0 : i32, i32
  }
  func.func @transform_5(%arg0: i32, %arg1: i32) -> (i32, i32) {
    %c0_i32 = arith.constant 0 : i32
    %c0_i32_0 = arith.constant 0 : i32
    %c0_i32_1 = arith.constant 0 : i32
    return %c0_i32, %c0_i32_0 : i32, i32
  }
  func.func @transform_6(%arg0: i32, %arg1: i32) -> (i32, i32) {
    %c0_i32 = arith.constant 0 : i32
    %c0_i32_0 = arith.constant 0 : i32
    %c0_i32_1 = arith.constant 0 : i32
    return %c0_i32, %c0_i32_0 : i32, i32
  }
  func.func @transform_7(%arg0: i32, %arg1: i32) -> (i32, i32, i32) {
    %c0_i32 = arith.constant 0 : i32
    %c0_i32_0 = arith.constant 0 : i32
    return %arg0, %arg1, %c0_i32 : i32, i32, i32
  }
}

module attributes {stable_mosaic.version = 14 : i64} {
  func.func @_sa3_body(%arg0: i32, %arg1: memref<1x128x3xf32, #tpu.memory_space<vmem>>, %arg2: memref<1x128x256xf32, #tpu.memory_space<vmem>>, %arg3: memref<3x256xf32, #tpu.memory_space<vmem>>, %arg4: memref<256x256xf32, #tpu.memory_space<vmem>>, %arg5: memref<1x256xf32, #tpu.memory_space<vmem>>, %arg6: memref<256x512xf32, #tpu.memory_space<vmem>>, %arg7: memref<1x512xf32, #tpu.memory_space<vmem>>, %arg8: memref<512x1024xf32, #tpu.memory_space<vmem>>, %arg9: memref<1x1024xf32, #tpu.memory_space<vmem>>, %arg10: memref<1x1x1024xf32, #tpu.memory_space<vmem>>) attributes {dimension_semantics = [#tpu.dimension_semantics<arbitrary>], iteration_bounds = array<i64: 8>, scalar_prefetch = 0 : i64, scratch_operands = 0 : i64, tpu.core_type = #tpu.core_type<tc>, window_params = [{transform_indices = @transform_0, window_bounds = array<i64: 1, 128, 3>}, {transform_indices = @transform_1, window_bounds = array<i64: 1, 128, 256>}, {pipeline_mode = #tpu.pipeline_mode<synchronous>, transform_indices = @transform_2, window_bounds = array<i64: 3, 256>}, {pipeline_mode = #tpu.pipeline_mode<synchronous>, transform_indices = @transform_3, window_bounds = array<i64: 256, 256>}, {pipeline_mode = #tpu.pipeline_mode<synchronous>, transform_indices = @transform_4, window_bounds = array<i64: 1, 256>}, {pipeline_mode = #tpu.pipeline_mode<synchronous>, transform_indices = @transform_5, window_bounds = array<i64: 256, 512>}, {pipeline_mode = #tpu.pipeline_mode<synchronous>, transform_indices = @transform_6, window_bounds = array<i64: 1, 512>}, {pipeline_mode = #tpu.pipeline_mode<synchronous>, transform_indices = @transform_7, window_bounds = array<i64: 512, 1024>}, {pipeline_mode = #tpu.pipeline_mode<synchronous>, transform_indices = @transform_8, window_bounds = array<i64: 1, 1024>}, {transform_indices = @transform_9, window_bounds = array<i64: 1, 1, 1024>}]} {
    %get3A = arith.constant 0 : index
    %get3A_0 = arith.constant 0 : index
    %get3A_1 = arith.constant 0 : index
    %get3A_2 = vector.load %arg1[%get3A, %get3A_0, %get3A_1] : memref<1x128x3xf32, #tpu.memory_space<vmem>>, vector<1x128x3xf32>
    %get3A_3 = vector.shape_cast %get3A_2 : vector<1x128x3xf32> to vector<128x3xf32>
    %get3A_4 = arith.constant 0 : index
    %get3A_5 = arith.constant 0 : index
    %get3A_6 = arith.constant 0 : index
    %get3A_7 = vector.load %arg2[%get3A_4, %get3A_5, %get3A_6] : memref<1x128x256xf32, #tpu.memory_space<vmem>>, vector<1x128x256xf32>
    %get3A_8 = vector.shape_cast %get3A_7 : vector<1x128x256xf32> to vector<128x256xf32>
    %get3A_9 = arith.constant 0 : index
    %get3A_10 = arith.constant 0 : index
    %get3A_11 = vector.load %arg3[%get3A_9, %get3A_10] : memref<3x256xf32, #tpu.memory_space<vmem>>, vector<3x256xf32>
    %dot_general3A = arith.constant dense<0.000000e+00> : vector<128x256xf32>
    %dot_general3A_12 = tpu.matmul %get3A_3, %get3A_11, %dot_general3A {dimension_numbers = #tpu.dot_dimension_numbers<[1], [0], [0], [1], [0, 0, 1, 1], [], []>, transpose_lhs_hint = false} : vector<128x3xf32>, vector<3x256xf32>, vector<128x256xf32> -> vector<128x256xf32>
    %get3A_13 = arith.constant 0 : index
    %get3A_14 = arith.constant 0 : index
    %get3A_15 = vector.load %arg4[%get3A_13, %get3A_14] : memref<256x256xf32, #tpu.memory_space<vmem>>, vector<256x256xf32>
    %dot_general3A_16 = arith.constant dense<0.000000e+00> : vector<128x256xf32>
    %dot_general3A_17 = tpu.matmul %get3A_8, %get3A_15, %dot_general3A_16 {dimension_numbers = #tpu.dot_dimension_numbers<[1], [0], [0], [1], [0, 0, 1, 1], [], []>, transpose_lhs_hint = false} : vector<128x256xf32>, vector<256x256xf32>, vector<128x256xf32> -> vector<128x256xf32>
    %add3A = arith.addf %dot_general3A_12, %dot_general3A_17 : vector<128x256xf32>
    %get3A_18 = arith.constant 0 : index
    %get3A_19 = arith.constant 0 : index
    %get3A_20 = vector.load %arg5[%get3A_18, %get3A_19] : memref<1x256xf32, #tpu.memory_space<vmem>>, vector<1x256xf32>
    %add3A_21 = vector.broadcast %get3A_20 : vector<1x256xf32> to vector<128x256xf32>
    %add3A_22 = arith.addf %add3A, %add3A_21 : vector<128x256xf32>
    %max3A = arith.constant 0.000000e+00 : f32
    %max3A_23 = vector.broadcast %max3A : f32 to vector<128x256xf32>
    %max3A_24 = arith.maximumf %add3A_22, %max3A_23 : vector<128x256xf32>
    %get3A_25 = arith.constant 0 : index
    %get3A_26 = arith.constant 0 : index
    %get3A_27 = vector.load %arg6[%get3A_25, %get3A_26] : memref<256x512xf32, #tpu.memory_space<vmem>>, vector<256x512xf32>
    %dot_general3A_28 = arith.constant dense<0.000000e+00> : vector<128x512xf32>
    %dot_general3A_29 = tpu.matmul %max3A_24, %get3A_27, %dot_general3A_28 {dimension_numbers = #tpu.dot_dimension_numbers<[1], [0], [0], [1], [0, 0, 1, 1], [], []>, transpose_lhs_hint = false} : vector<128x256xf32>, vector<256x512xf32>, vector<128x512xf32> -> vector<128x512xf32>
    %get3A_30 = arith.constant 0 : index
    %get3A_31 = arith.constant 0 : index
    %get3A_32 = vector.load %arg7[%get3A_30, %get3A_31] : memref<1x512xf32, #tpu.memory_space<vmem>>, vector<1x512xf32>
    %add3A_33 = vector.broadcast %get3A_32 : vector<1x512xf32> to vector<128x512xf32>
    %add3A_34 = arith.addf %dot_general3A_29, %add3A_33 : vector<128x512xf32>
    %max3A_35 = arith.constant 0.000000e+00 : f32
    %max3A_36 = vector.broadcast %max3A_35 : f32 to vector<128x512xf32>
    %max3A_37 = arith.maximumf %add3A_34, %max3A_36 : vector<128x512xf32>
    %get3A_38 = arith.constant 0 : index
    %get3A_39 = arith.constant 0 : index
    %get3A_40 = vector.load %arg8[%get3A_38, %get3A_39] : memref<512x1024xf32, #tpu.memory_space<vmem>>, vector<512x1024xf32>
    %dot_general3A_41 = arith.constant dense<0.000000e+00> : vector<128x1024xf32>
    %dot_general3A_42 = tpu.matmul %max3A_37, %get3A_40, %dot_general3A_41 {dimension_numbers = #tpu.dot_dimension_numbers<[1], [0], [0], [1], [0, 0, 1, 1], [], []>, transpose_lhs_hint = false} : vector<128x512xf32>, vector<512x1024xf32>, vector<128x1024xf32> -> vector<128x1024xf32>
    %get3A_43 = arith.constant 0 : index
    %get3A_44 = arith.constant 0 : index
    %get3A_45 = vector.load %arg9[%get3A_43, %get3A_44] : memref<1x1024xf32, #tpu.memory_space<vmem>>, vector<1x1024xf32>
    %add3A_46 = vector.broadcast %get3A_45 : vector<1x1024xf32> to vector<128x1024xf32>
    %add3A_47 = arith.addf %dot_general3A_42, %add3A_46 : vector<128x1024xf32>
    %max3A_48 = arith.constant 0.000000e+00 : f32
    %max3A_49 = vector.broadcast %max3A_48 : f32 to vector<128x1024xf32>
    %max3A_50 = arith.maximumf %add3A_47, %max3A_49 : vector<128x1024xf32>
    %reduce_max3A = arith.constant dense<0xFF800000> : vector<1024xf32>
    %reduce_max3A_51 = vector.multi_reduction <maximumf>, %max3A_50, %reduce_max3A [0] : vector<128x1024xf32> to vector<1024xf32>
    %broadcast_in_dim3A = vector.shape_cast %reduce_max3A_51 : vector<1024xf32> to vector<1x1024xf32>
    %swap3A = arith.constant 0 : index
    %swap3A_52 = arith.constant 0 : index
    %swap3A_53 = arith.constant 0 : index
    %swap3A_54 = vector.load %arg10[%swap3A, %swap3A_52, %swap3A_53] : memref<1x1x1024xf32, #tpu.memory_space<vmem>>, vector<1x1x1024xf32>
    %swap3A_55 = vector.shape_cast %swap3A_54 : vector<1x1x1024xf32> to vector<1x1024xf32>
    %swap3A_56 = vector.shape_cast %broadcast_in_dim3A : vector<1x1024xf32> to vector<1x1x1024xf32>
    tpu.vector_store %arg10[%swap3A, %swap3A_52, %swap3A_53], %swap3A_56 {strides = array<i32>} : memref<1x1x1024xf32, #tpu.memory_space<vmem>>, vector<1x1x1024xf32>,
    return
  }
  func.func @transform_0(%arg0: i32) -> (i32, i32, i32) {
    %c0_i32 = arith.constant 0 : i32
    %c0_i32_0 = arith.constant 0 : i32
    %c0_i32_1 = arith.constant 0 : i32
    return %arg0, %c0_i32, %c0_i32_0 : i32, i32, i32
  }
  func.func @transform_1(%arg0: i32) -> (i32, i32, i32) {
    %c0_i32 = arith.constant 0 : i32
    %c0_i32_0 = arith.constant 0 : i32
    %c0_i32_1 = arith.constant 0 : i32
    return %arg0, %c0_i32, %c0_i32_0 : i32, i32, i32
  }
  func.func @transform_2(%arg0: i32) -> (i32, i32) {
    %c0_i32 = arith.constant 0 : i32
    %c0_i32_0 = arith.constant 0 : i32
    %c0_i32_1 = arith.constant 0 : i32
    return %c0_i32, %c0_i32_0 : i32, i32
  }
  func.func @transform_3(%arg0: i32) -> (i32, i32) {
    %c0_i32 = arith.constant 0 : i32
    %c0_i32_0 = arith.constant 0 : i32
    %c0_i32_1 = arith.constant 0 : i32
    return %c0_i32, %c0_i32_0 : i32, i32
  }
  func.func @transform_4(%arg0: i32) -> (i32, i32) {
    %c0_i32 = arith.constant 0 : i32
    %c0_i32_0 = arith.constant 0 : i32
    %c0_i32_1 = arith.constant 0 : i32
    return %c0_i32, %c0_i32_0 : i32, i32
  }
  func.func @transform_5(%arg0: i32) -> (i32, i32) {
    %c0_i32 = arith.constant 0 : i32
    %c0_i32_0 = arith.constant 0 : i32
    %c0_i32_1 = arith.constant 0 : i32
    return %c0_i32, %c0_i32_0 : i32, i32
  }
  func.func @transform_6(%arg0: i32) -> (i32, i32) {
    %c0_i32 = arith.constant 0 : i32
    %c0_i32_0 = arith.constant 0 : i32
    %c0_i32_1 = arith.constant 0 : i32
    return %c0_i32, %c0_i32_0 : i32, i32
  }
  func.func @transform_7(%arg0: i32) -> (i32, i32) {
    %c0_i32 = arith.constant 0 : i32
    %c0_i32_0 = arith.constant 0 : i32
    %c0_i32_1 = arith.constant 0 : i32
    return %c0_i32, %c0_i32_0 : i32, i32
  }
  func.func @transform_8(%arg0: i32) -> (i32, i32) {
    %c0_i32 = arith.constant 0 : i32
    %c0_i32_0 = arith.constant 0 : i32
    %c0_i32_1 = arith.constant 0 : i32
    return %c0_i32, %c0_i32_0 : i32, i32
  }
  func.func @transform_9(%arg0: i32) -> (i32, i32, i32) {
    %c0_i32 = arith.constant 0 : i32
    %c0_i32_0 = arith.constant 0 : i32
    %c0_i32_1 = arith.constant 0 : i32
    return %arg0, %c0_i32, %c0_i32_0 : i32, i32, i32
  }
}

</mosaic_0001>

<sc_bundles>
// kernel: kernel.10.cloned.1.call-start
scs
__scs_entry_jumppad:
0x0: {  	(pc) =	sbr.rel $0x88, $3  }
0x1: {  	(tag) =	ssettag $0x0;
	lr =	simm.s32 $0x1  }
0x2: {  	[smem:$0x3F8C] =	sst lr;
	_ =	strace $0xD0000000  }
0x3: {  	_ = 	snop  }
0x4: {  	_ = 	snop  }
0x5: {  	_ = 	snop  }
0x6: {  	_ = 	snop  }
0x7: {  	_ = 	snop  }
__scs_overlays_trampoline_lowered:
0x8: {  	[smem:$0x3F9B] =	sst s0  }
0x9: {  	[smem:$0x3F9C] =	sst s1  }
0xa: {  	[smem:$0x3F9D] =	sst s2  }
0xb: {  	[smem:$0x3F9E] =	sst s3  }
0xc: {  	[smem:$0x3F9F] =	sst s4  }
0xd: {  	[smem:$0x3FA0] =	sst s5  }
0xe: {  	[smem:$0x3FA1] =	sst s6  }
0xf: {  	[smem:$0x3FA2] =	sst s7  }
0x10: {  	[smem:$0x3FA3] =	sst s8  }
0x11: {  	[smem:$0x3FA4] =	sst s9;
	s0 =	simm.s32 @!p0 $0x0  }
0x12: {  	s1 =	sld [smem:$0x3F8A];
	s0 =	simm.s32 @p0 $0x1  }
0x13: {  	[smem:$0x3FA5] =	sst s0;
	s0 =	simm.s32 @!p1 $0x0  }
0x14: {  	s2 =	sld [smem:$0x3F89];
	s0 =	simm.s32 @p1 $0x1  }
0x15: {  	[smem:$0x3FA6] =	sst s0;
	s0 =	simm.s32 @!p2 $0x0  }
0x16: {  	s3 =	sld [smem:$0x3FDB];
	s0 =	simm.s32 @p2 $0x1  }
0x17: {  	s4 =	simm.s32 $0x1BF5;
	[smem:$0x3FA8] =	sst s0  }
0x18: {  	s0 =	sld [smem:$0x3F8B];
	_ =	swait.ge [sflag:s4], $0x0  }
0x19: {  	s7 =	sld [smem:$0x3F8C]  }
0x1a: {  	s8 =	sadd.s32 $0xFFFFE003, lr  }
0x1b: {  	s9 =	sadd.s32 $0xFFFFFEF7, lr;
	s5 =	simm.s32 $0xFFFFFFFF;
	p2 =	slt.u32 s8, $0xFFFFF086  }
0x1c: {  	p1 =	slt.u32 s9, $0xF7A;
	s5 =	simm.s32 @!p2 $0x0  }
0x1d: {  	s5 =	simm.s32 @p1 $0x1;
	p0 =	seq.s32 s7, s2  }
0x1e: {  	s7 =	smul.u32 @!p0 $0xF7A, s2;
	p2 =	seq.s32 @!p0 s5, $0x0  }
0x1f: {  	s9 =	smul.u32 $0xF7A, s1;
	s8 =	simm.s32 @!p0 $0x1BF5;
	p2 =	por !p2, p0  }
0x20: {  	[sflag:s8] =	ssyncset.s32 @!p0 $0xFFFFF086;
	s6 =	sadd.s32 @!p0 s3, s7;
	s7 =	simm.s32 @!p0 $0x108  }
0x21: {  	s3 =	sadd.s32 s3, s9;
	s6 =	sadd.s32 @!p0 $0x88, s6;
	s7 =	simm.s32 @p2 $0x1082  }
0x22: {  	[simem:s7], [sflag:s8] =	dma.local @!p0 [hbm:s6], $0xF7A  }
0x23: {  	s9 =	sor.u32 $0xD0000000, s2;
	s6 =	simm.s32 $0x108;
	_ =	swait.ge @!p0 [sflag:s8], $0x0  }
0x24: {  	s3 =	sadd.s32 $0x88, s3;
	s6 =	simm.s32 @!p1 $0x1082;
	[sflag:s4] =	ssyncset.s32 $0xFFFFF086  }
0x25: {  	[simem:s6], [sflag:s4] =	dma.local [hbm:s3], $0xF7A  }
0x26: {  	[smem:$0x3F8C] =	sst s1;
	(tag) =	ssettag s2;
	_ =	strace s9  }
0x27: {  	s1 =	sld [smem:$0x3F9C]  }
0x28: {  	s2 =	sld [smem:$0x3F9D]  }
0x29: {  	s4 =	sld [smem:$0x3F9F]  }
0x2a: {  	p0 =	seq.s32 s5, $0x0;
	s5 =	sld [smem:$0x3FA0]  }
0x2b: {  	s6 =	sld [smem:$0x3FA1]  }
0x2c: {  	s7 =	sld [smem:$0x3FA2]  }
0x2d: {  	s3 =	simm.s32 $0x108;
	s8 =	sld [smem:$0x3FA3]  }
0x2e: {  	s3 =	simm.s32 @!p0 $0x1082;
	s9 =	sld [smem:$0x3FA4]  }
0x2f: {  	lr =	sadd.s32 s0, s3;
	s0 =	sld [smem:$0x3F9B]  }
0x30: {  	s3 =	sld [smem:$0x3F9E]  }
0x31: {  	[smem:$0x3FA7] =	sst s10  }
0x32: {  	s10 =	sld [smem:$0x3FA5];
	_ =	sdelay $0x3  }
0x33: {  	p0 =	seq.s32 s10, $0x1;
	s10 =	sld [smem:$0x3FA7];
	_ =	sdelay $0x3  }
0x34: {  	[smem:$0x3FA7] =	sst s10  }
0x35: {  	s10 =	sld [smem:$0x3FA6];
	_ =	sdelay $0x3  }
0x36: {  	p1 =	seq.s32 s10, $0x1;
	s10 =	sld [smem:$0x3FA7];
	_ =	sdelay $0x3  }
0x37: {  	[smem:$0x3FA7] =	sst s10  }
0x38: {  	s10 =	sld [smem:$0x3FA8]  }
0x39: {  	_ = 	snop;
	(pc) =	sbr.ind lr, $3  }
0x3a: {  	_ = 	snop  }
0x3b: {  	_ = 	snop  }
0x3c: {  	p2 =	seq.s32 s10, $0x1;
	s10 =	sld [smem:$0x3FA7]  }
0x3d: {  	_ =	shalt  }
0x3e: {  	_ =	shalt  }
0x3f: {  	_ =	shalt  }
0x40: {  	_ =	shalt  }
0x41: {  	_ =	shalt  }
0x42: {  	_ =	shalt  }
0x43: {  	_ =	shalt  }
0x44: {  	_ =	shalt  }
0x45: {  	_ =	shalt  }
0x46: {  	_ =	shalt  }
0x47: {  	_ =	shalt  }
0x48: {  	_ =	shalt  }
0x49: {  	_ =	shalt  }
0x4a: {  	_ =	shalt  }
0x4b: {  	_ =	shalt  }
0x4c: {  	_ =	shalt  }
0x4d: {  	_ =	shalt  }
0x4e: {  	_ =	shalt  }
0x4f: {  	_ =	shalt  }
0x50: {  	_ =	shalt  }
0x51: {  	_ =	shalt  }
0x52: {  	_ =	shalt  }
0x53: {  	_ =	shalt  }
0x54: {  	_ =	shalt  }
0x55: {  	_ =	shalt  }
0x56: {  	_ =	shalt  }
0x57: {  	_ =	shalt  }
0x58: {  	_ =	shalt  }
0x59: {  	_ =	shalt  }
0x5a: {  	_ =	shalt  }
0x5b: {  	_ =	shalt  }
0x5c: {  	_ =	shalt  }
0x5d: {  	_ =	shalt  }
0x5e: {  	_ =	shalt  }
0x5f: {  	_ =	shalt  }
0x60: {  	_ =	shalt  }
0x61: {  	_ =	shalt  }
0x62: {  	_ =	shalt  }
0x63: {  	_ =	shalt  }
0x64: {  	_ =	shalt  }
0x65: {  	_ =	shalt  }
0x66: {  	_ =	shalt  }
0x67: {  	_ =	shalt  }
0x68: {  	_ =	shalt  }
0x69: {  	_ =	shalt  }
0x6a: {  	_ =	shalt  }
0x6b: {  	_ =	shalt  }
0x6c: {  	_ =	shalt  }
0x6d: {  	_ =	shalt  }
0x6e: {  	_ =	shalt  }
0x6f: {  	_ =	shalt  }
0x70: {  	_ =	shalt  }
0x71: {  	_ =	shalt  }
0x72: {  	_ =	shalt  }
0x73: {  	_ =	shalt  }
0x74: {  	_ =	shalt  }
0x75: {  	_ =	shalt  }
0x76: {  	_ =	shalt  }
0x77: {  	_ =	shalt  }
0x78: {  	_ =	shalt  }
0x79: {  	_ =	shalt  }
0x7a: {  	_ =	shalt  }
0x7b: {  	_ =	shalt  }
0x7c: {  	_ =	shalt  }
0x7d: {  	_ =	shalt  }
0x7e: {  	_ =	shalt  }
0x7f: {  	_ =	shalt  }
0x80: {  	_ =	shalt  }
0x81: {  	_ =	shalt  }
0x82: {  	_ =	shalt  }
0x83: {  	_ =	shalt  }
0x84: {  	_ =	shalt  }
0x85: {  	_ =	shalt  }
0x86: {  	_ =	shalt  }
0x87: {  	_ =	shalt  }
.Lfunc_end0:
.L_simem_size_0:
called_computation.1_lowered:
.L_overlay_start_0:
0x88: {  	s2 =	sld [smem:$0x3FD9]  }
0x89: {  	s3 =	sld [smem:$0x3FFE];
	_ =	sdelay $0x1  }
0x8a: {  	s1 =	srdreg.scid  }
0x8b: {  	s0 =	sand.u32 $0x1, s1  }
0x8c: {  	s14 =	sshll.u32 s0, $0xA;
	s2 =	sadd.s32 s3, s2  }
0x8d: {  	s2 =	sadd.s32 s2, s14  }
0x8e: {  	[smem:$0x3FB3] =	sst s2  }
0x8f: {  	_ = 	snop  }
0x90: {  	s2 =	sld [smem:$0x3FD0];
	_ =	sdelay $0x2  }
0x91: {  	s15 =	simm.s32 $0xA;
	s4 =	simm.s32 $0x10  }
0x92: {  	[smem:s4], [sflag:s15] =	dma.local [hbm:s2], $0x1  }
0x93: {  	_ =	swait.eq [sflag:s15], $0x1  }
0x94: {  	[sflag:s15] =	ssyncset.done $0x0  }
0x95: {  	s16 =	sld [smem:$0x10];
	[sflag:s15] =	ssyncadd.s32 $0xFFFFFFFF  }
0x96: {  	s17 =	sld [smem:$0x11];
	(tm) =	ssettm $0x1  }
0x97: {  	s18 =	sld [smem:$0x3FFB];
	_ =	sdelay $0x3  }
0x98: {  	_ =	strace s18  }
0x99: {  	s4 =	sld [smem:$0x3FFC];
	_ =	sdelay $0x3  }
0x9a: {  	_ =	strace s4  }
0x9b: {  	s4 =	sld [smem:$0x3FFD];
	_ =	sdelay $0x3  }
0x9c: {  	_ =	strace s4  }
0x9d: {  	_ =	strace $0x8FFFFFFF  }
0x9e: {  	s19 =	sld [smem:$0x3FDB];
	_ =	sdelay $0x1  }
0x9f: {  	s5 =	simm.s32 $_scs_section_size  }
0xa0: {  	s6 =	simm.s32 $_size__tile_overlayer_lowered;
	s7 =	simm.s32 $_tile_overlayer_lowered  }
0xa1: {  	s22 =	simm.s32 $0x1BFF;
	s21 =	sshll.u32 s7, $0x1;
	s4 =	sadd.s32 s5, s19  }
0xa2: {  	s8 =	simm.s32 $0x0;
	s20 =	sshll.u32 s6, $0x1;
	s6 =	sadd.s32 s21, s4  }
0xa3: {  	[timem:s8], [sflag:s22] =	dma.local [hbm:s6], s20  }
0xa4: {  	_ =	swait.ge [sflag:s22], s20  }
0xa5: {  	s5 =	ssub.s32 $0x0, s20;
	[sflag:s22] =	ssyncset.done $0x0  }
0xa6: {  	[sflag:s22] =	ssyncadd.s32 s5;
	_ =	sdelay $0x1  }
0xa7: {  	s23 =	simm.s32 $0x1B8B  }
0xa8: {  	_ =	swait.ge [sflag:s23], $0x1  }
0xa9: {  	[sflag:s23] =	ssyncset.done $0x0  }
0xaa: {  	s25 =	simm.s32 $0x1B8E;
	s24 =	sld [smem:$0x3FFE];
	[sflag:s23] =	ssyncadd.s32 $0xFFFFFFFF  }
0xab: {  	s26 =	simm.s32 $execute0_lowered;
	[smem:$0x3FD2] =	sst s25  }
0xac: {  	s6 =	sshll.u32 s26, $0x1;
	_ =	strace $0x80000046;
	[dreg:$0x1] =	wrdreg $0xFFFFFFFF  }
0xad: {  	s28 =	simm.s32 $_size_execute0_lowered;
	s4 =	sadd.s32 s4, s6;
	[dreg:$0x0] =	wrdreg $0x0  }
0xae: {  	s6 =	sshll.u32 s28, $0x1;
	[dreg:$0x2] =	wrdreg s4  }
0xaf: {  	[dreg:$0x3] =	wrdreg s6  }
0xb0: {  	[dreg:$0x4] =	wrdreg $0xC0  }
0xb1: {  	_ =	task [dreg:s8], $0x5FFFF  }
0xb2: {  	[dreg:$0x1] =	wrdreg $0xFFFFFFFF  }
0xb3: {  	[dreg:$0x0] =	wrdreg $0x60  }
0xb4: {  	[dreg:$0x2] =	wrdreg s17  }
0xb5: {  	[dreg:$0x3] =	wrdreg s24  }
0xb6: {  	[dreg:$0x4] =	wrdreg s16  }
0xb7: {  	[dreg:$0x5] =	wrdreg $0x9  }
0xb8: {  	_ =	task.clear_ibuf [dreg:s8], $0x6FFFF;
	_ =	strace $0x90000046  }
0xb9: {  	s29 =	simm.s32 $0x9;
	_ =	strace $0x80000048  }
0xba: {  	_ =	swait.ge [sflag:s29], $0x1  }
0xbb: {  	[sflag:s29] =	ssyncadd.s32 $0xFFFFFFFF  }
0xbc: {  	_ =	strace $0x90000048  }
0xbd: {  	_ =	sfence  }
0xbe: {  	s30 =	sld [smem:$0x0];
	_ =	sdelay $0x2  }
0xbf: {  	s31 =	sshll.u32 s1, $0xD;
	s1 =	sshrl.u32 s1, $0x2  }
0xc0: {  	s3 =	sand.u32 $0x4000, s31;
	s1 =	sadd.s32 s1, s30  }
0xc1: {  	s0 =	sor.u32 s3, s0;
	s1 =	sshll.u32 s1, $0x11  }
0xc2: {  	s0 =	sor.u32 s1, s0  }
0xc3: {  	s0 =	sadd.s32 $0x8F2B, s0  }
0xc4: {  	[sflag:s0] =	ssyncadd.remote.s32 $0x1  }
0xc5: {  	_ =	sfence.sel $0xFFFF  }
0xc6: {  	[dreg:$0x0] =	wrdreg $0xFFFFFFFF;
	(pc) =	sbr.abs _section_cstart, $3  }
0xc7: {  	[dreg:$0x1] =	wrdreg $0xFFFFFFFF  }
0xc8: {  	_ =	task.clear_ibuf [dreg:s8], $0x2FFFF;
	_ =	strace $0x9FFFFFFF  }
0xc9: {  	(tm) =	ssettm $0x7FFFFFFF  }
tec
execute0_lowered:
.L_overlay_start_1:
0x0: {  	(tag) =	ssettag $0x1  }
0x1: {  	s3 =	rddreg [dreg:$0x0]  }
0x2: {  	s4 =	rddreg [dreg:$0x1]  }
0x3: {  	s6 =	rddreg [dreg:$0x2]  }
0x4: {  	s0 =	rddreg [dreg:$0x3]  }
0x5: {  	s2 =	simm.s32 $0x0;
	s1 =	stileid.u32;
	s7 =	srdreg.scid  }
0x6: {  	s14 =	simm.s32 $0x1000;
	s15 =	simm.s32 $0x2000;
	s16 =	simm.s32 $0x3000  }
0x7: {  	s17 =	simm.s32 $0x3100;
	s18 =	simm.s32 $0x3200;
	s19 =	simm.s32 $0x9600  }
0x8: {  	s20 =	simm.s32 $0x0;
	[smem:$0x7FF] =	sst s2;
	s5 =	sshll.u32 s1, $0x6  }
0x9: {  	s8 =	sshll.u32 s1, $0x1;
	s7 =	sand.u32 $0x1, s7;
	s5 =	sand.u32 $0x380, s5  }
0xa: {  	s8 =	sand.u32 $0x2, s8;
	_ =	strace $0x80000047;
	s9 =	sshrl.u32 s5, $0x3  }
0xb: {  	s8 =	sor.u32 s7, s8;
	s7 =	ssub.s32 $0x2, s7;
	s10 =	sadd.s32 s9, s4  }
0xc: {  	s11 =	sshll.u32 s8, $0xA;
	s8 =	sshll.u32 s8, $0x11;
	s31 =	sshrl.u32 s7, $0x1  }
0xd: {  	s3 =	sadd.s32 s3, s9;
	s11 =	sor.u32 s5, s11;
	s5 =	sor.u32 s5, s8  }
0xe: {  	v0 =	vlaneseq.u32;
	s30 =	sshrl.u32 s11, $0x3;
	s5 =	sshrl.u32 s5, $0x3;
	s11 =	ssub.s32 s7, s31  }
0xf: {  	v1 =	vmul.u32 $0x4, v0;
	s12 =	sadd.s32 s30, s4;
	s13 =	sadd.s32 s5, s4;
	s4 =	sadd.s32 $0x6E00, s10  }
0x10: {  	v2 =	vimm.f32 $0.0e+00;
	s5 =	sadd.s32 $0x5E00, s10;
	s6 =	sadd.s32 s6, s30;
	s10 =	smax.u32 s11, $0x1  }
0x11: {  	v5 =	vor.u32 $0x10, v0;
	v3 =	vor.u32 $0x1, v1;
	v4 =	vor.u32 $0x2, v1;
	s11 =	simm.s32 $0x80;
	s7 =	sadd.s32 $0x7E00, s12;
	s8 =	sadd.s32 $0x8000, s12  }
0x12: {  	v6 =	vor.u32 $0x40, v1;
	v7 =	vor.u32 $0x41, v1;
	v8 =	vor.u32 $0x42, v1;
	s9 =	sadd.s32 $0x8200, s13;
	s12 =	simm.s32 $0x400;
	s13 =	simm.s32 $0x1  }
.LBB2_1:
0x13: {  	[tilespmem:s2], [sflag:$0x1] =	stream.strided.gather [hbm4b:s3+s11], $0x1000, s12, s11, $0x38;
	[tilespmem:$0xD600] =	vst v63  }
0x14: {  	_ =	swait.ge [sflag:s13], $0x1000  }
0x15: {  	[sflag:s13] =	ssyncset.done $0x0  }
0x16: {  	[sflag:s13] =	ssyncadd.s32 $0xFFFFF000  }
0x17: {  	[tilespmem:s14], [sflag:$0x1] =	stream.strided.gather [hbm4b:s4+s11], $0x1000, s12, s11, $0x38;
	[tilespmem:$0xD600] =	vst v63  }
0x18: {  	_ =	swait.ge [sflag:s13], $0x1000  }
0x19: {  	[sflag:s13] =	ssyncset.done $0x0  }
0x1a: {  	[sflag:s13] =	ssyncadd.s32 $0xFFFFF000  }
0x1b: {  	[tilespmem:s15], [sflag:$0x1] =	stream.strided.gather [hbm4b:s5+s11], $0x1000, s12, s11, $0x38;
	[tilespmem:$0xD600] =	vst v63  }
0x1c: {  	_ =	swait.ge [sflag:s13], $0x1000  }
0x1d: {  	[sflag:s13] =	ssyncset.done $0x0  }
0x1e: {  	[sflag:s13] =	ssyncadd.s32 $0xFFFFF000  }
0x1f: {  	[tilespmem:s16], [sflag:$0x1] =	stream.linear.gather [hbm4b:s6+s2], $0x80, $0x38;
	[tilespmem:$0xD600] =	vst v63  }
0x20: {  	_ =	swait.ge [sflag:s13], $0x80  }
0x21: {  	[sflag:s13] =	ssyncset.done $0x0  }
0x22: {  	[sflag:s13] =	ssyncadd.s32 $0xFFFFFF80  }
0x23: {  	[tilespmem:s17], [sflag:$0x1] =	stream.linear.gather [hbm4b:s7+s2], $0x80, $0x38;
	[tilespmem:$0xD600] =	vst v63  }
0x24: {  	_ =	swait.ge [sflag:s13], $0x80  }
0x25: {  	[sflag:s13] =	ssyncset.done $0x0  }
0x26: {  	[sflag:s13] =	ssyncadd.s32 $0xFFFFFF80  }
0x27: {  	[tilespmem:s18], [sflag:$0x1] =	stream.linear.gather [hbm4b:s8+s2], $0x80, $0x38;
	[tilespmem:$0xD600] =	vst v63  }
0x28: {  	_ =	swait.ge [sflag:s13], $0x80  }
0x29: {  	[sflag:s13] =	ssyncset.done $0x0  }
0x2a: {  	s21 =	simm.s32 $0x40;
	s22 =	simm.s32 $0x0;
	[sflag:s13] =	ssyncadd.s32 $0xFFFFFF80  }
.LBB2_2:
0x2b: {  	p0 =	sne.s32 s21, $0xFFC0;
	[tilespmem:s22+$0x9600] =	vst v2;
	s22 =	smov.u32 s21;
	s21 =	sadd.s32 $0x40, s21  }
.Ltmp0:
0x2c: {  	(pc) =	sbr.rel @p0 .LBB2_2-.Ltmp0, $2  }
0x2d: {  	_ =	sdelay $0x2  }
0x2e: {  	s22 =	sshra.s32 s22, $0x2  }
0x2f: {  	[tilespmem:s22+$0x9600] =	vst v2;
	s21 =	simm.s32 $0x0;
	s22 =	simm.s32 $0x0  }
.LBB2_4:
0x30: {  	v13 =	vld.msk [tilespmem:s22+$0x3000 ss:$0x0], $0xffff  }
0x31: {  	v14 =	vld.msk [tilespmem:s22+$0x3100 ss:$0x0], $0xffff  }
0x32: {  	v12 =	vld.msk [tilespmem:s22+$0x3200 ss:$0x0], $0xffff;
	s23 =	simm.s32 $0x0  }
0x33: {  	v15 =	vld [tilespmem:s23+$0x0]  }
0x34: {  	v16 =	vld [tilespmem:s23+$0x1000]  }
0x35: {  	v9 =	vld.msk [tilespmem:s22+$0x3040 ss:$0x0], $0xffff  }
0x36: {  	v17 =	vld [tilespmem:s23+$0x2000]  }
0x37: {  	v11 =	vld.msk [tilespmem:s22+$0x3140 ss:$0x0], $0xffff;
	_ =	sdelay $0x1  }
0x38: {  	v10 =	vld.msk [tilespmem:s22+$0x3240 ss:$0x0], $0xffff;
	v18 =	vsub.f32 v15, v13;
	v19 =	vsub.f32 v16, v14;
	_ =	sdelay $0x1  }
0x39: {  	v20 =	vsub.f32 v17, v12;
	v21 =	vmul.f32 v18, v18;
	v22 =	vmul.f32 v19, v19  }
0x3a: {  	v15 =	vsub.f32 v15, v9;
	v16 =	vsub.f32 v16, v11  }
0x3b: {  	v21 =	vadd.f32 v22, v21;
	v22 =	vmul.f32 v20, v20  }
0x3c: {  	v17 =	vsub.f32 v17, v10;
	v23 =	vmul.f32 v15, v15;
	v24 =	vmul.f32 v16, v16  }
0x3d: {  	v21 =	vadd.f32 v22, v21  }
0x3e: {  	v22 =	vadd.f32 v24, v23;
	v23 =	vmul.f32 v17, v17  }
0x3f: {  	vm0 =	vle.f32 v21, $3.999999910e-02  }
0x40: {  	v21 =	vadd.f32 v23, v22;
	[tilespmem:s21+$0x3300] =	vst.msk vm0, v18  }
0x41: {  	[tilespmem:s21+$0x4380] =	vst.msk vm0, v19  }
0x42: {  	v18 =	vmpcnt.ones.xlane vm0;
	vm1 =	vle.f32 v21, $3.999999910e-02;
	[tilespmem:s21+$0x5400] =	vst.msk vm0, v20  }
0x43: {  	[tilespmem:s21+$0x6480] =	vst.msk vm1, v15  }
0x44: {  	(v2sf) =	vpush v18, $0x0;
	[tilespmem:s21+$0x7500] =	vst.msk vm1, v16  }
0x45: {  	v15 =	vmpcnt.ones.xlane vm1;
	[tilespmem:s21+$0x8580] =	vst.msk vm1, v17  }
0x46: {  	v16 =	vld [tilespmem:s23+$0x10]  }
0x47: {  	(v2sf) =	vpush v15, $0x0;
	v15 =	vld [tilespmem:s23+$0x1010];
	_ =	sdelay $0x1  }
0x48: {  	v17 =	vld [tilespmem:s23+$0x2010];
	_ =	sdelay $0x2  }
0x49: {  	v18 =	vsub.f32 v16, v13;
	v19 =	vsub.f32 v15, v14;
	_ =	sdelay $0x1  }
0x4a: {  	v20 =	vsub.f32 v17, v12;
	v21 =	vmul.f32 v18, v18;
	v22 =	vmul.f32 v19, v19  }
0x4b: {  	v16 =	vsub.f32 v16, v9;
	v15 =	vsub.f32 v15, v11  }
0x4c: {  	v23 =	vmul.f32 v20, v20;
	v21 =	vadd.f32 v22, v21  }
0x4d: {  	v17 =	vsub.f32 v17, v10;
	v63 =	vmul.f32 v15, v15;
	v22 =	vmul.f32 v16, v16  }
0x4e: {  	v21 =	vadd.f32 v23, v21  }
0x4f: {  	v22 =	vadd.f32 v63, v22;
	v23 =	vmul.f32 v17, v17;
	s30 =	spop (v2sf)  }
0x50: {  	s26 =	sadd.s32 $0x0, s30;
	vm14 =	vle.f32 v21, $3.999999910e-02  }
0x51: {  	v21 =	vadd.f32 v23, v22;
	[tilespmem:s26+$0x3300] =	vst.msk vm14, v18  }
0x52: {  	s31 =	spop (v2sf);
	[tilespmem:s26+$0x4380] =	vst.msk vm14, v19  }
0x53: {  	vm15 =	vle.f32 v21, $3.999999910e-02;
	s29 =	sadd.s32 $0x0, s31;
	[tilespmem:s26+$0x5400] =	vst.msk vm14, v20  }
0x54: {  	[tilespmem:s29+$0x6480] =	vst.msk vm15, v16  }
0x55: {  	[tilespmem:s29+$0x7500] =	vst.msk vm15, v15  }
0x56: {  	[tilespmem:s29+$0x8580] =	vst.msk vm15, v17;
	v17 =	vmpcnt.ones.xlane vm14  }
0x57: {  	v18 =	vmpcnt.ones.xlane vm15  }
0x58: {  	(v2sf) =	vpush v17, $0x0  }
0x59: {  	(v2sf) =	vpush v18, $0x0;
	_ =	sdelay $0x1  }
0x5a: {  	s25 =	simm.s32 $0x20  }
0x5b: {  	v15 =	vld [tilespmem:s25+$0x0]  }
0x5c: {  	v16 =	vld [tilespmem:s25+$0x1000];
	_ =	sdelay $0x1  }
0x5d: {  	v20 =	vld [tilespmem:s25+$0x2000];
	_ =	sdelay $0x2  }
0x5e: {  	v18 =	vsub.f32 v15, v13;
	v17 =	vsub.f32 v16, v14  }
0x5f: {  	v15 =	vsub.f32 v15, v9;
	v16 =	vsub.f32 v16, v11  }
0x60: {  	s24 =	simm.s32 $0x100;
	s23 =	sor.u32 $0x40, s22;
	v19 =	vsub.f32 v20, v12;
	v21 =	vmul.f32 v18, v18;
	v22 =	vmul.f32 v17, v17  }
.LBB2_5:
0x61: {  	p0 =	sne.s32 s24, $0x3F80;
	s28 =	smov.u32 s24;
	s24 =	sadd.s32 $0x80, s24  }
0x62: {  	v21 =	vadd.f32 v22, v21;
	v22 =	vmul.f32 v19, v19  }
0x63: {  	v20 =	vsub.f32 v20, v10;
	v23 =	vmul.f32 v15, v15;
	v24 =	vmul.f32 v16, v16;
	s30 =	spop (v2sf)  }
0x64: {  	v21 =	vadd.f32 v22, v21;
	s26 =	sadd.s32 s26, s30;
	s30 =	spop (v2sf)  }
0x65: {  	v22 =	vadd.f32 v24, v23;
	v23 =	vmul.f32 v20, v20;
	s29 =	sadd.s32 s29, s30  }
0x66: {  	vm0 =	vle.f32 v21, $3.999999910e-02  }
0x67: {  	v21 =	vadd.f32 v23, v22;
	v22 =	vmpcnt.ones.xlane vm0;
	[tilespmem:s26+$0x3300] =	vst.msk vm0, v18  }
0x68: {  	[tilespmem:s26+$0x4380] =	vst.msk vm0, v17  }
0x69: {  	vm1 =	vle.f32 v21, $3.999999910e-02;
	[tilespmem:s26+$0x5400] =	vst.msk vm0, v19;
	(v2sf) =	vpush v22, $0x0  }
0x6a: {  	v17 =	vmpcnt.ones.xlane vm1;
	[tilespmem:s29+$0x6480] =	vst.msk vm1, v15  }
0x6b: {  	[tilespmem:s29+$0x7500] =	vst.msk vm1, v16  }
0x6c: {  	[tilespmem:s29+$0x8580] =	vst.msk vm1, v20;
	(v2sf) =	vpush v17, $0x0  }
0x6d: {  	v15 =	vld [tilespmem:s25+$0x10]  }
0x6e: {  	v16 =	vld [tilespmem:s25+$0x1010]  }
0x6f: {  	v17 =	vld [tilespmem:s25+$0x2010];
	_ =	sdelay $0x2  }
0x70: {  	v18 =	vsub.f32 v15, v13;
	v15 =	vsub.f32 v15, v9  }
0x71: {  	v19 =	vsub.f32 v16, v14;
	v16 =	vsub.f32 v16, v11  }
0x72: {  	v20 =	vsub.f32 v17, v12;
	v21 =	vmul.f32 v18, v18;
	v22 =	vmul.f32 v15, v15  }
0x73: {  	v17 =	vsub.f32 v17, v10;
	v23 =	vmul.f32 v19, v19;
	v24 =	vmul.f32 v16, v16  }
0x74: {  	v25 =	vmul.f32 v20, v20  }
0x75: {  	v21 =	vadd.f32 v23, v21;
	v22 =	vadd.f32 v24, v22;
	v23 =	vmul.f32 v17, v17  }
0x76: {  	s25 =	spop (v2sf)  }
0x77: {  	v21 =	vadd.f32 v25, v21;
	v22 =	vadd.f32 v23, v22;
	_ =	sdelay $0x1  }
0x78: {  	s26 =	sadd.s32 s26, s25;
	vm0 =	vle.f32 v21, $3.999999910e-02;
	vm1 =	vle.f32 v22, $3.999999910e-02;
	s25 =	spop (v2sf)  }
0x79: {  	v21 =	vmpcnt.ones.xlane vm0;
	v22 =	vmpcnt.ones.xlane vm1;
	[tilespmem:s26+$0x3300] =	vst.msk vm0, v18  }
0x7a: {  	[tilespmem:s26+$0x4380] =	vst.msk vm0, v19  }
0x7b: {  	s29 =	sadd.s32 s29, s25;
	[tilespmem:s26+$0x5400] =	vst.msk vm0, v20;
	(v2sf) =	vpush v21, $0x0  }
0x7c: {  	[tilespmem:s29+$0x6480] =	vst.msk vm1, v15;
	(v2sf) =	vpush v22, $0x0  }
0x7d: {  	s25 =	sshra.s32 s28, $0x2;
	[tilespmem:s29+$0x7500] =	vst.msk vm1, v16  }
0x7e: {  	[tilespmem:s29+$0x8580] =	vst.msk vm1, v17  }
0x7f: {  	v16 =	vld [tilespmem:s25+$0x0]  }
0x80: {  	v19 =	vld [tilespmem:s25+$0x1000];
	_ =	sdelay $0x1  }
0x81: {  	v20 =	vld [tilespmem:s25+$0x2000]  }
.Ltmp1:
0x82: {  	(pc) =	sbr.rel @p0 .LBB2_5-.Ltmp1, $4  }
0x83: {  	v15 =	vsub.f32 v16, v9  }
0x84: {  	v18 =	vsub.f32 v16, v13;
	v17 =	vsub.f32 v19, v14  }
0x85: {  	v16 =	vsub.f32 v19, v11  }
0x86: {  	v21 =	vmul.f32 v18, v18;
	v19 =	vsub.f32 v20, v12;
	v22 =	vmul.f32 v17, v17  }
0x87: {  	_ = 	snop  }
0x88: {  	v21 =	vadd.f32 v22, v21;
	v35 =	vmul.f32 v19, v19  }
0x89: {  	v20 =	vsub.f32 v20, v10;
	v23 =	vmul.f32 v15, v15;
	v24 =	vmul.f32 v16, v16  }
0x8a: {  	v21 =	vadd.f32 v35, v21  }
0x8b: {  	s24 =	spop (v2sf);
	v36 =	vadd.f32 v24, v23;
	v37 =	vmul.f32 v20, v20  }
0x8c: {  	s24 =	sadd.s32 s26, s24;
	vm0 =	vle.f32 v21, $3.999999910e-02  }
0x8d: {  	v38 =	vadd.f32 v37, v36;
	[tilespmem:s24+$0x3300] =	vst.msk vm0, v18  }
0x8e: {  	s30 =	spop (v2sf);
	[tilespmem:s24+$0x4380] =	vst.msk vm0, v17  }
0x8f: {  	s26 =	sadd.s32 s29, s30;
	vm1 =	vle.f32 v38, $3.999999910e-02;
	[tilespmem:s24+$0x5400] =	vst.msk vm0, v19  }
0x90: {  	[tilespmem:s26+$0x6480] =	vst.msk vm1, v15  }
0x91: {  	[tilespmem:s26+$0x7500] =	vst.msk vm1, v16  }
0x92: {  	[tilespmem:s26+$0x8580] =	vst.msk vm1, v20  }
0x93: {  	v15 =	vld [tilespmem:s25+$0x10]  }
0x94: {  	v16 =	vld [tilespmem:s25+$0x1010];
	_ =	sdelay $0x1  }
0x95: {  	v17 =	vld [tilespmem:s25+$0x2010];
	_ =	sdelay $0x1  }
0x96: {  	v39 =	vmpcnt.ones.xlane vm0  }
0x97: {  	v13 =	vsub.f32 v15, v13;
	v14 =	vsub.f32 v16, v14  }
0x98: {  	(v2sf) =	vpush v39, $0x0  }
0x99: {  	v12 =	vsub.f32 v17, v12;
	v40 =	vmul.f32 v13, v13;
	v41 =	vmul.f32 v14, v14  }
0x9a: {  	v42 =	vmpcnt.ones.xlane vm1  }
0x9b: {  	v43 =	vmul.f32 v12, v12;
	v18 =	vadd.f32 v41, v40  }
0x9c: {  	(v2sf) =	vpush v42, $0x0  }
0x9d: {  	v18 =	vadd.f32 v43, v18;
	_ =	sdelay $0x1  }
0x9e: {  	vm10 =	vle.f32 v18, $3.999999910e-02  }
0x9f: {  	v18 =	vmpcnt.ones.xlane vm10;
	_ =	sdelay $0x1  }
0xa0: {  	(v2sf) =	vpush v18, $0x0;
	_ =	sdelay $0x1  }
0xa1: {  	v9 =	vsub.f32 v15, v9;
	v11 =	vsub.f32 v16, v11;
	_ =	sdelay $0x1  }
0xa2: {  	v10 =	vsub.f32 v17, v10;
	v15 =	vmul.f32 v9, v9;
	v16 =	vmul.f32 v11, v11;
	_ =	sdelay $0x1  }
0xa3: {  	v44 =	vmul.f32 v10, v10;
	v15 =	vadd.f32 v16, v15;
	s31 =	spop (v2sf)  }
0xa4: {  	s24 =	sadd.s32 s24, s31  }
0xa5: {  	v15 =	vadd.f32 v44, v15;
	[tilespmem:s24+$0x3300] =	vst.msk vm10, v13  }
0xa6: {  	s28 =	spop (v2sf);
	[tilespmem:s24+$0x4380] =	vst.msk vm10, v14  }
0xa7: {  	vm11 =	vle.f32 v15, $3.999999910e-02;
	s25 =	sadd.s32 s26, s28;
	[tilespmem:s24+$0x5400] =	vst.msk vm10, v12  }
0xa8: {  	[tilespmem:s25+$0x6480] =	vst.msk vm11, v9  }
0xa9: {  	[tilespmem:s25+$0x7500] =	vst.msk vm11, v11  }
0xaa: {  	[tilespmem:s25+$0x8580] =	vst.msk vm11, v10  }
0xab: {  	v9 =	vld [tilespmem:$0x3300]  }
0xac: {  	v10 =	vld [tilespmem:$0x4380];
	s29 =	spop (v2sf)  }
0xad: {  	s30 =	sshll.u32 s22, $0x7;
	v11 =	vld [tilespmem:$0x5400];
	s24 =	sadd.s32 s24, s29  }
0xae: {  	v45 =	vor.u32 s30, v1;
	p0 =	slt.s32 s24, $0x20  }
0xaf: {  	v47 =	vor.u32 s30, v3;
	v46 =	vmpcnt.ones.xlane vm11;
	s24 =	simm.s32 @!p0 $0x20  }
0xb0: {  	v50 =	vor.u32 s30, v4;
	v49 =	vbroadcast v9, $0x0;
	v48 =	vmov s24  }
0xb1: {  	(v2sf) =	vpush v46, $0x0;
	v51 =	vbroadcast v10, $0x0;
	vm12 =	vgt.s32 v48, v0  }
0xb2: {  	v52 =	vbroadcast v11, $0x0;
	v9 =	vsel vm12, v9, v49  }
0xb3: {  	v10 =	vsel vm12, v10, v51;
	[tilespmem:v45+s19+$0x0] =	vst.idx.msk $0xffff, v9  }
0xb4: {  	v9 =	vsel vm12, v11, v52;
	[tilespmem:v47+s19+$0x0] =	vst.idx.msk $0xffff, v10  }
0xb5: {  	[tilespmem:v50+s19+$0x0] =	vst.idx.msk $0xffff, v9  }
0xb6: {  	v9 =	vld [tilespmem:$0x3310]  }
0xb7: {  	v11 =	vor.u32 s30, v6;
	v10 =	vld [tilespmem:$0x4390]  }
0xb8: {  	v53 =	vor.u32 s30, v7;
	v12 =	vld [tilespmem:$0x5410]  }
0xb9: {  	v54 =	vor.u32 s30, v8  }
0xba: {  	vm13 =	vgt.s32 v48, v5  }
0xbb: {  	v9 =	vsel vm13, v9, v49  }
0xbc: {  	v10 =	vsel vm13, v10, v51;
	[tilespmem:v11+s19+$0x0] =	vst.idx.msk $0xffff, v9  }
0xbd: {  	v9 =	vsel vm13, v12, v52;
	[tilespmem:v53+s19+$0x0] =	vst.idx.msk $0xffff, v10  }
0xbe: {  	[tilespmem:v54+s19+$0x0] =	vst.idx.msk $0xffff, v9  }
0xbf: {  	v9 =	vld [tilespmem:$0x6480]  }
0xc0: {  	s31 =	spop (v2sf);
	v10 =	vld [tilespmem:$0x7500]  }
0xc1: {  	s23 =	sshll.u32 s23, $0x7;
	s24 =	sadd.s32 s25, s31;
	v11 =	vld [tilespmem:$0x8580]  }
0xc2: {  	v55 =	vor.u32 s23, v1;
	p0 =	slt.s32 s24, $0x20  }
0xc3: {  	v56 =	vor.u32 s23, v3;
	s24 =	simm.s32 @!p0 $0x20  }
0xc4: {  	v59 =	vor.u32 s23, v4;
	v57 =	vmov s24;
	v58 =	vbroadcast v9, $0x0  }
0xc5: {  	vm14 =	vgt.s32 v57, v0;
	v60 =	vbroadcast v10, $0x0  }
0xc6: {  	v61 =	vbroadcast v11, $0x0;
	v9 =	vsel vm14, v9, v58  }
0xc7: {  	v10 =	vsel vm14, v10, v60;
	[tilespmem:v55+s19+$0x0] =	vst.idx.msk $0xffff, v9  }
0xc8: {  	v9 =	vsel vm14, v11, v61;
	[tilespmem:v56+s19+$0x0] =	vst.idx.msk $0xffff, v10  }
0xc9: {  	[tilespmem:v59+s19+$0x0] =	vst.idx.msk $0xffff, v9  }
0xca: {  	v9 =	vld [tilespmem:$0x6490]  }
0xcb: {  	v11 =	vor.u32 s23, v6;
	v10 =	vld [tilespmem:$0x7510]  }
0xcc: {  	v62 =	vor.u32 s23, v7;
	s22 =	sadd.s32 $0x1, s22;
	v12 =	vld [tilespmem:$0x8590]  }
0xcd: {  	v63 =	vor.u32 s23, v8;
	p0 =	sne.s32 s22, $0x40  }
.Ltmp2:
0xce: {  	vm15 =	vgt.s32 v57, v5;
	(pc) =	sbr.rel @p0 .LBB2_4-.Ltmp2, $4  }
0xcf: {  	v9 =	vsel vm15, v9, v58  }
0xd0: {  	v10 =	vsel vm15, v10, v60;
	[tilespmem:v11+s19+$0x0] =	vst.idx.msk $0xffff, v9  }
0xd1: {  	v9 =	vsel vm15, v12, v61;
	[tilespmem:v62+s19+$0x0] =	vst.idx.msk $0xffff, v10  }
0xd2: {  	[tilespmem:v63+s19+$0x0] =	vst.idx.msk $0xffff, v9  }
0xd3: {  	s20 =	sadd.s32 $0x1, s20  }
0xd4: {  	p0 =	sne.s32 s20, s10  }
.Ltmp3:
0xd5: {  	_ = 	snop;
	(pc) =	sbr.rel @p0 .LBB2_1-.Ltmp3, $4  }
0xd6: {  	[hbm4b:s9+s11] =	stream.strided.scatter [tilespmem:s19], [sflag:$0x1], $0x4000, s12, s11, $0x38;
	[tilespmem:$0xD600] =	vst v63  }
0xd7: {  	_ =	swait.ge [sflag:s13], $0x4000  }
0xd8: {  	[sflag:s13] =	ssyncset.done $0x0  }
0xd9: {  	[sflag:s13] =	ssyncadd.s32 $0xFFFFC000  }
0xda: {  	_ =	sfence.sel $0x180000  }
0xdb: {  	[bflag:$0x0] =	sbarrier.arrive $0xFFFF  }
0xdc: {  	p0 =	sne.s32 s1, $0x0;
	_ =	strace $0x90000047  }
0xdd: {  	s0 =	sadd.s32 @!p0 $0x100000, s0;
	[bflag:$0x2] =	sbarrier.arrive $0xFFFF  }
0xde: {  	[sflag:s0] =	ssyncadd.tile.s32 @!p0 $0x1;
	_ =	shalt  }
.Lfunc_end2:
_tile_overlayer_lowered:
.L_overlay_start_2:
0xdf: {  	(tag) =	ssettag $0x2  }
0xe0: {  	s0 =	rddreg [dreg:$0x0];
	s2 =	stileid.u32  }
0xe1: {  	s1 =	rddreg [dreg:$0x1];
	p0 =	sne.s32 s2, $0x0  }
0xe2: {  	s3 =	rddreg [dreg:$0x2];
	[bflag:$0x3] =	sbarrier.arrive $0xFFFF;
	s2 =	simm.s32 @!p0 $0x1C01  }
0xe3: {  	[timem:s3], [sflag:s2] =	dma.local @!p0 [hbm:s0], s1  }
0xe4: {  	s0 =	simm.s32 @!p0 $0x1  }
0xe5: {  	_ =	swait.ge @!p0 [sflag:s0], s1  }
0xe6: {  	s1 =	ssub.s32 @!p0 $0x0, s1;
	[sflag:s0] =	ssyncset.done @!p0 $0x0  }
0xe7: {  	[sflag:s0] =	ssyncadd.s32 @!p0 s1  }
0xe8: {  	[bflag:$0x3] =	sbarrier.arrive $0xFFFF  }
0xe9: {  	_ =	shalt  }

// kernel: kernel.13.cloned.1.call-start
scs
__scs_entry_jumppad:
0x0: {  	(pc) =	sbr.rel $0x88, $3  }
0x1: {  	(tag) =	ssettag $0x0;
	lr =	simm.s32 $0x1  }
0x2: {  	[smem:$0x3F8C] =	sst lr;
	_ =	strace $0xD0000000  }
0x3: {  	_ = 	snop  }
0x4: {  	_ = 	snop  }
0x5: {  	_ = 	snop  }
0x6: {  	_ = 	snop  }
0x7: {  	_ = 	snop  }
__scs_overlays_trampoline_lowered:
0x8: {  	[smem:$0x3F9B] =	sst s0  }
0x9: {  	[smem:$0x3F9C] =	sst s1  }
0xa: {  	[smem:$0x3F9D] =	sst s2  }
0xb: {  	[smem:$0x3F9E] =	sst s3  }
0xc: {  	[smem:$0x3F9F] =	sst s4  }
0xd: {  	[smem:$0x3FA0] =	sst s5  }
0xe: {  	[smem:$0x3FA1] =	sst s6  }
0xf: {  	[smem:$0x3FA2] =	sst s7  }
0x10: {  	[smem:$0x3FA3] =	sst s8  }
0x11: {  	[smem:$0x3FA4] =	sst s9;
	s0 =	simm.s32 @!p0 $0x0  }
0x12: {  	s1 =	sld [smem:$0x3F8A];
	s0 =	simm.s32 @p0 $0x1  }
0x13: {  	[smem:$0x3FA5] =	sst s0;
	s0 =	simm.s32 @!p1 $0x0  }
0x14: {  	s2 =	sld [smem:$0x3F89];
	s0 =	simm.s32 @p1 $0x1  }
0x15: {  	[smem:$0x3FA6] =	sst s0;
	s0 =	simm.s32 @!p2 $0x0  }
0x16: {  	s3 =	sld [smem:$0x3FDB];
	s0 =	simm.s32 @p2 $0x1  }
0x17: {  	s4 =	simm.s32 $0x1BF5;
	[smem:$0x3FA8] =	sst s0  }
0x18: {  	s0 =	sld [smem:$0x3F8B];
	_ =	swait.ge [sflag:s4], $0x0  }
0x19: {  	s7 =	sld [smem:$0x3F8C]  }
0x1a: {  	s8 =	sadd.s32 $0xFFFFE003, lr  }
0x1b: {  	s9 =	sadd.s32 $0xFFFFFEF7, lr;
	s5 =	simm.s32 $0xFFFFFFFF;
	p2 =	slt.u32 s8, $0xFFFFF086  }
0x1c: {  	p1 =	slt.u32 s9, $0xF7A;
	s5 =	simm.s32 @!p2 $0x0  }
0x1d: {  	s5 =	simm.s32 @p1 $0x1;
	p0 =	seq.s32 s7, s2  }
0x1e: {  	s7 =	smul.u32 @!p0 $0xF7A, s2;
	p2 =	seq.s32 @!p0 s5, $0x0  }
0x1f: {  	s9 =	smul.u32 $0xF7A, s1;
	s8 =	simm.s32 @!p0 $0x1BF5;
	p2 =	por !p2, p0  }
0x20: {  	[sflag:s8] =	ssyncset.s32 @!p0 $0xFFFFF086;
	s6 =	sadd.s32 @!p0 s3, s7;
	s7 =	simm.s32 @!p0 $0x108  }
0x21: {  	s3 =	sadd.s32 s3, s9;
	s6 =	sadd.s32 @!p0 $0x88, s6;
	s7 =	simm.s32 @p2 $0x1082  }
0x22: {  	[simem:s7], [sflag:s8] =	dma.local @!p0 [hbm:s6], $0xF7A  }
0x23: {  	s9 =	sor.u32 $0xD0000000, s2;
	s6 =	simm.s32 $0x108;
	_ =	swait.ge @!p0 [sflag:s8], $0x0  }
0x24: {  	s3 =	sadd.s32 $0x88, s3;
	s6 =	simm.s32 @!p1 $0x1082;
	[sflag:s4] =	ssyncset.s32 $0xFFFFF086  }
0x25: {  	[simem:s6], [sflag:s4] =	dma.local [hbm:s3], $0xF7A  }
0x26: {  	[smem:$0x3F8C] =	sst s1;
	(tag) =	ssettag s2;
	_ =	strace s9  }
0x27: {  	s1 =	sld [smem:$0x3F9C]  }
0x28: {  	s2 =	sld [smem:$0x3F9D]  }
0x29: {  	s4 =	sld [smem:$0x3F9F]  }
0x2a: {  	p0 =	seq.s32 s5, $0x0;
	s5 =	sld [smem:$0x3FA0]  }
0x2b: {  	s6 =	sld [smem:$0x3FA1]  }
0x2c: {  	s7 =	sld [smem:$0x3FA2]  }
0x2d: {  	s3 =	simm.s32 $0x108;
	s8 =	sld [smem:$0x3FA3]  }
0x2e: {  	s3 =	simm.s32 @!p0 $0x1082;
	s9 =	sld [smem:$0x3FA4]  }
0x2f: {  	lr =	sadd.s32 s0, s3;
	s0 =	sld [smem:$0x3F9B]  }
0x30: {  	s3 =	sld [smem:$0x3F9E]  }
0x31: {  	[smem:$0x3FA7] =	sst s10  }
0x32: {  	s10 =	sld [smem:$0x3FA5];
	_ =	sdelay $0x3  }
0x33: {  	p0 =	seq.s32 s10, $0x1;
	s10 =	sld [smem:$0x3FA7];
	_ =	sdelay $0x3  }
0x34: {  	[smem:$0x3FA7] =	sst s10  }
0x35: {  	s10 =	sld [smem:$0x3FA6];
	_ =	sdelay $0x3  }
0x36: {  	p1 =	seq.s32 s10, $0x1;
	s10 =	sld [smem:$0x3FA7];
	_ =	sdelay $0x3  }
0x37: {  	[smem:$0x3FA7] =	sst s10  }
0x38: {  	s10 =	sld [smem:$0x3FA8]  }
0x39: {  	_ = 	snop;
	(pc) =	sbr.ind lr, $3  }
0x3a: {  	_ = 	snop  }
0x3b: {  	_ = 	snop  }
0x3c: {  	p2 =	seq.s32 s10, $0x1;
	s10 =	sld [smem:$0x3FA7]  }
0x3d: {  	_ =	shalt  }
0x3e: {  	_ =	shalt  }
0x3f: {  	_ =	shalt  }
0x40: {  	_ =	shalt  }
0x41: {  	_ =	shalt  }
0x42: {  	_ =	shalt  }
0x43: {  	_ =	shalt  }
0x44: {  	_ =	shalt  }
0x45: {  	_ =	shalt  }
0x46: {  	_ =	shalt  }
0x47: {  	_ =	shalt  }
0x48: {  	_ =	shalt  }
0x49: {  	_ =	shalt  }
0x4a: {  	_ =	shalt  }
0x4b: {  	_ =	shalt  }
0x4c: {  	_ =	shalt  }
0x4d: {  	_ =	shalt  }
0x4e: {  	_ =	shalt  }
0x4f: {  	_ =	shalt  }
0x50: {  	_ =	shalt  }
0x51: {  	_ =	shalt  }
0x52: {  	_ =	shalt  }
0x53: {  	_ =	shalt  }
0x54: {  	_ =	shalt  }
0x55: {  	_ =	shalt  }
0x56: {  	_ =	shalt  }
0x57: {  	_ =	shalt  }
0x58: {  	_ =	shalt  }
0x59: {  	_ =	shalt  }
0x5a: {  	_ =	shalt  }
0x5b: {  	_ =	shalt  }
0x5c: {  	_ =	shalt  }
0x5d: {  	_ =	shalt  }
0x5e: {  	_ =	shalt  }
0x5f: {  	_ =	shalt  }
0x60: {  	_ =	shalt  }
0x61: {  	_ =	shalt  }
0x62: {  	_ =	shalt  }
0x63: {  	_ =	shalt  }
0x64: {  	_ =	shalt  }
0x65: {  	_ =	shalt  }
0x66: {  	_ =	shalt  }
0x67: {  	_ =	shalt  }
0x68: {  	_ =	shalt  }
0x69: {  	_ =	shalt  }
0x6a: {  	_ =	shalt  }
0x6b: {  	_ =	shalt  }
0x6c: {  	_ =	shalt  }
0x6d: {  	_ =	shalt  }
0x6e: {  	_ =	shalt  }
0x6f: {  	_ =	shalt  }
0x70: {  	_ =	shalt  }
0x71: {  	_ =	shalt  }
0x72: {  	_ =	shalt  }
0x73: {  	_ =	shalt  }
0x74: {  	_ =	shalt  }
0x75: {  	_ =	shalt  }
0x76: {  	_ =	shalt  }
0x77: {  	_ =	shalt  }
0x78: {  	_ =	shalt  }
0x79: {  	_ =	shalt  }
0x7a: {  	_ =	shalt  }
0x7b: {  	_ =	shalt  }
0x7c: {  	_ =	shalt  }
0x7d: {  	_ =	shalt  }
0x7e: {  	_ =	shalt  }
0x7f: {  	_ =	shalt  }
0x80: {  	_ =	shalt  }
0x81: {  	_ =	shalt  }
0x82: {  	_ =	shalt  }
0x83: {  	_ =	shalt  }
0x84: {  	_ =	shalt  }
0x85: {  	_ =	shalt  }
0x86: {  	_ =	shalt  }
0x87: {  	_ =	shalt  }
.Lfunc_end0:
.L_simem_size_0:
called_computation.2_lowered:
.L_overlay_start_0:
0x88: {  	s2 =	sld [smem:$0x3FD9]  }
0x89: {  	s3 =	sld [smem:$0x3FFE];
	_ =	sdelay $0x1  }
0x8a: {  	s1 =	srdreg.scid  }
0x8b: {  	s0 =	sand.u32 $0x1, s1  }
0x8c: {  	s14 =	sshll.u32 s0, $0xA;
	s2 =	sadd.s32 s3, s2  }
0x8d: {  	s2 =	sadd.s32 s2, s14  }
0x8e: {  	[smem:$0x3FB3] =	sst s2  }
0x8f: {  	_ = 	snop  }
0x90: {  	s2 =	sld [smem:$0x3FD0];
	_ =	sdelay $0x2  }
0x91: {  	s15 =	simm.s32 $0xA;
	s4 =	simm.s32 $0x10  }
0x92: {  	[smem:s4], [sflag:s15] =	dma.local [hbm:s2], $0x1  }
0x93: {  	_ =	swait.eq [sflag:s15], $0x1  }
0x94: {  	[sflag:s15] =	ssyncset.done $0x0  }
0x95: {  	[sflag:s15] =	ssyncadd.s32 $0xFFFFFFFF  }
0x96: {  	s16 =	sld [smem:$0x10];
	(tm) =	ssettm $0x1  }
0x97: {  	s17 =	sld [smem:$0x3FFB];
	_ =	sdelay $0x3  }
0x98: {  	_ =	strace s17  }
0x99: {  	s3 =	sld [smem:$0x3FFC];
	_ =	sdelay $0x3  }
0x9a: {  	_ =	strace s3  }
0x9b: {  	s3 =	sld [smem:$0x3FFD];
	_ =	sdelay $0x3  }
0x9c: {  	_ =	strace s3  }
0x9d: {  	_ =	strace $0x8FFFFFFF  }
0x9e: {  	s18 =	sld [smem:$0x3FDB];
	_ =	sdelay $0x1  }
0x9f: {  	s19 =	simm.s32 $_scs_section_size  }
0xa0: {  	s5 =	simm.s32 $_size__tile_overlayer_lowered;
	s6 =	simm.s32 $_tile_overlayer_lowered  }
0xa1: {  	s22 =	simm.s32 $0x1BFF;
	s21 =	sshll.u32 s6, $0x1;
	s3 =	sadd.s32 s19, s18  }
0xa2: {  	s7 =	simm.s32 $0x0;
	s20 =	sshll.u32 s5, $0x1;
	s5 =	sadd.s32 s21, s3  }
0xa3: {  	[timem:s7], [sflag:s22] =	dma.local [hbm:s5], s20  }
0xa4: {  	_ =	swait.ge [sflag:s22], s20  }
0xa5: {  	s4 =	ssub.s32 $0x0, s20;
	[sflag:s22] =	ssyncset.done $0x0  }
0xa6: {  	[sflag:s22] =	ssyncadd.s32 s4;
	_ =	sdelay $0x1  }
0xa7: {  	s23 =	simm.s32 $0x1B8B  }
0xa8: {  	_ =	swait.ge [sflag:s23], $0x1  }
0xa9: {  	[sflag:s23] =	ssyncset.done $0x0  }
0xaa: {  	s25 =	simm.s32 $0x1B8E;
	s24 =	sld [smem:$0x3FFE];
	[sflag:s23] =	ssyncadd.s32 $0xFFFFFFFF  }
0xab: {  	s26 =	simm.s32 $execute0_lowered;
	[smem:$0x3FD2] =	sst s25  }
0xac: {  	s5 =	sshll.u32 s26, $0x1;
	_ =	strace $0x80000049;
	[dreg:$0x1] =	wrdreg $0xFFFFFFFF  }
0xad: {  	s28 =	simm.s32 $_size_execute0_lowered;
	s3 =	sadd.s32 s3, s5;
	[dreg:$0x0] =	wrdreg $0x0  }
0xae: {  	s5 =	sshll.u32 s28, $0x1;
	[dreg:$0x2] =	wrdreg s3  }
0xaf: {  	[dreg:$0x3] =	wrdreg s5  }
0xb0: {  	[dreg:$0x4] =	wrdreg $0xC0  }
0xb1: {  	_ =	task [dreg:s7], $0x5FFFF  }
0xb2: {  	[dreg:$0x1] =	wrdreg $0xFFFFFFFF  }
0xb3: {  	[dreg:$0x0] =	wrdreg $0x60  }
0xb4: {  	[dreg:$0x2] =	wrdreg s16  }
0xb5: {  	[dreg:$0x3] =	wrdreg s24  }
0xb6: {  	[dreg:$0x4] =	wrdreg $0x9  }
0xb7: {  	_ =	task.clear_ibuf [dreg:s7], $0x5FFFF;
	_ =	strace $0x90000049  }
0xb8: {  	s29 =	simm.s32 $0x9;
	_ =	strace $0x8000004B  }
0xb9: {  	_ =	swait.ge [sflag:s29], $0x1  }
0xba: {  	[sflag:s29] =	ssyncadd.s32 $0xFFFFFFFF  }
0xbb: {  	_ =	strace $0x9000004B  }
0xbc: {  	_ =	sfence  }
0xbd: {  	s30 =	sld [smem:$0x0];
	_ =	sdelay $0x2  }
0xbe: {  	s31 =	sshll.u32 s1, $0xD;
	s1 =	sshrl.u32 s1, $0x2  }
0xbf: {  	s3 =	sand.u32 $0x4000, s31;
	s1 =	sadd.s32 s1, s30  }
0xc0: {  	s0 =	sor.u32 s3, s0;
	s1 =	sshll.u32 s1, $0x11  }
0xc1: {  	s0 =	sor.u32 s1, s0  }
0xc2: {  	s0 =	sadd.s32 $0x8F2B, s0  }
0xc3: {  	[sflag:s0] =	ssyncadd.remote.s32 $0x1  }
0xc4: {  	_ =	sfence.sel $0xFFFF  }
0xc5: {  	[dreg:$0x0] =	wrdreg $0xFFFFFFFF;
	(pc) =	sbr.abs _section_cstart, $3  }
0xc6: {  	[dreg:$0x1] =	wrdreg $0xFFFFFFFF  }
0xc7: {  	_ =	task.clear_ibuf [dreg:s7], $0x2FFFF;
	_ =	strace $0x9FFFFFFF  }
0xc8: {  	(tm) =	ssettm $0x7FFFFFFF  }
0xc9: {  	_ =	shalt  }
tec
execute0_lowered:
.L_overlay_start_1:
0x0: {  	(tag) =	ssettag $0x1  }
0x1: {  	s0 =	rddreg [dreg:$0x0]  }
0x2: {  	s1 =	rddreg [dreg:$0x1]  }
0x3: {  	s6 =	stileid.u32;
	s3 =	srdreg.scid;
	s2 =	simm.s32 $0x0  }
0x4: {  	s14 =	simm.s32 $0x80;
	s15 =	simm.s32 $0x400;
	s16 =	simm.s32 $0x3  }
0x5: {  	s22 =	simm.s32 $0x11180;
	s28 =	simm.s32 $0x0;
	s4 =	sshll.u32 s6, $0x1  }
0x6: {  	s5 =	sand.u32 $0x1, s3;
	[smem:$0x7FF] =	sst s2;
	s24 =	sshll.u32 s6, $0x6  }
0x7: {  	s23 =	sand.u32 $0x2, s4;
	_ =	strace $0x8000004A;
	s3 =	sand.u32 $0x380, s24  }
0x8: {  	s8 =	ssub.s32 $0x2, s5;
	s24 =	simm.s32 $0x1;
	s25 =	sor.u32 s5, s23  }
0x9: {  	v0 =	vlaneseq.u32;
	s26 =	sshrl.u32 s3, $0x3;
	s30 =	sshrl.u32 s8, $0x1;
	s5 =	sadd.s32 $0x28800, s1  }
0xa: {  	v1 =	vmul.u32 $0x100, v0;
	s23 =	simm.s32 $0x15180;
	s4 =	sshll.u32 s25, $0x5;
	s9 =	sadd.s32 s26, s1  }
0xb: {  	v2 =	vimm.f32 $0.0e+00;
	v5 =	vor.u32 $0x10, v0;
	v9 =	vor.u32 $0x20, v0;
	s31 =	ssub.s32 s8, s30;
	s0 =	sadd.s32 s0, s26;
	s25 =	simm.s32 $0x2  }
0xc: {  	v13 =	vor.u32 $0x30, v0;
	v3 =	vor.u32 $0x1, v1;
	v4 =	vor.u32 $0x2, v1;
	s26 =	simm.s32 $0x0;
	s7 =	sor.u32 s3, s4;
	[dreg:$0x3] =	wrdreg s0  }
0xd: {  	v6 =	vor.u32 $0x1000, v1;
	v7 =	vor.u32 $0x1001, v1;
	v8 =	vor.u32 $0x1002, v1;
	s8 =	sadd.s32 $0x8000, s9;
	s13 =	smax.u32 s31, $0x1;
	s29 =	sshrl.u32 s7, $0x3  }
0xe: {  	v10 =	vor.u32 $0x2000, v1;
	v11 =	vor.u32 $0x2001, v1;
	v12 =	vor.u32 $0x2002, v1;
	s7 =	sadd.s32 $0x7E00, s9;
	s9 =	sadd.s32 $0x18800, s9;
	s12 =	sadd.s32 s29, s1  }
0xf: {  	v14 =	vor.u32 $0x3000, v1;
	v15 =	vor.u32 $0x3001, v1;
	v16 =	vor.u32 $0x3002, v1;
	s10 =	sadd.s32 $0x18400, s12;
	s11 =	sadd.s32 $0x18600, s12;
	s12 =	sadd.s32 $0x18200, s12  }
.LBB2_1:
0x10: {  	s0 =	rddreg [dreg:$0x3]  }
0x11: {  	[tilespmem:s2], [sflag:$0x3] =	stream.strided.gather [hbm4b:s0+s14], $0x200, s15, s14, $0x38;
	[tilespmem:$0x19180] =	vst v63  }
0x12: {  	_ =	swait.ge [sflag:s16], $0x200  }
0x13: {  	[sflag:s16] =	ssyncset.done $0x0  }
0x14: {  	s20 =	simm.s32 $0x200;
	[sflag:s16] =	ssyncadd.s32 $0xFFFFFE00  }
0x15: {  	[tilespmem:s20], [sflag:$0x3] =	stream.strided.gather [hbm4b:s7+s14], $0x200, s15, s14, $0x38;
	[tilespmem:$0x19180] =	vst v63  }
0x16: {  	_ =	swait.ge [sflag:s16], $0x200  }
0x17: {  	[sflag:s16] =	ssyncset.done $0x0  }
0x18: {  	[sflag:s16] =	ssyncadd.s32 $0xFFFFFE00  }
0x19: {  	[tilespmem:s15], [sflag:$0x3] =	stream.strided.gather [hbm4b:s8+s14], $0x200, s15, s14, $0x38;
	[tilespmem:$0x19180] =	vst v63  }
0x1a: {  	_ =	swait.ge [sflag:s16], $0x200  }
0x1b: {  	[sflag:s16] =	ssyncset.done $0x0  }
0x1c: {  	s21 =	simm.s32 $0x600;
	[sflag:s16] =	ssyncadd.s32 $0xFFFFFE00  }
0x1d: {  	[tilespmem:s21], [sflag:$0x3] =	stream.strided.gather [hbm4b:s9+s14], $0x10000, s15, s14, $0x38;
	[tilespmem:$0x19180] =	vst v63  }
0x1e: {  	_ =	swait.ge [sflag:s16], $0x10000  }
0x1f: {  	[sflag:s16] =	ssyncset.done $0x0  }
0x20: {  	s29 =	simm.s32 $0x10600;
	[sflag:s16] =	ssyncadd.s32 $0xFFFF0000  }
0x21: {  	[tilespmem:s29], [sflag:$0x3] =	stream.linear.gather [hbm4b:s10+s2], $0x20, $0x38;
	[tilespmem:$0x19180] =	vst v63  }
0x22: {  	_ =	swait.ge [sflag:s16], $0x20  }
0x23: {  	[sflag:s16] =	ssyncset.done $0x0  }
0x24: {  	s30 =	simm.s32 $0x10680;
	[sflag:s16] =	ssyncadd.s32 $0xFFFFFFE0  }
0x25: {  	[tilespmem:s30], [sflag:$0x3] =	stream.linear.gather [hbm4b:s11+s2], $0x20, $0x38;
	[tilespmem:$0x19180] =	vst v63  }
0x26: {  	_ =	swait.ge [sflag:s16], $0x20  }
0x27: {  	[sflag:s16] =	ssyncset.done $0x0  }
0x28: {  	s31 =	simm.s32 $0x10700;
	[sflag:s16] =	ssyncadd.s32 $0xFFFFFFE0  }
0x29: {  	[tilespmem:s31], [sflag:$0x3] =	stream.linear.gather [hbm4b:s12+s2], $0x20, $0x38;
	[tilespmem:$0x19180] =	vst v63  }
0x2a: {  	_ =	swait.ge [sflag:s16], $0x20  }
0x2b: {  	[sflag:s16] =	ssyncset.done $0x0  }
0x2c: {  	s1 =	simm.s32 $0x0;
	s0 =	simm.s32 $0x40;
	[sflag:s16] =	ssyncadd.s32 $0xFFFFFFE0  }
.LBB2_2:
0x2d: {  	p0 =	sne.s32 s0, $0xFFC0;
	[tilespmem:s1+$0x11180] =	vst v2;
	s17 =	smov.u32 s0;
	s0 =	sadd.s32 $0x40, s0  }
.Ltmp0:
0x2e: {  	[tilespmem:s1+$0x15180] =	vst v2;
	(pc) =	sbr.rel @p0 .LBB2_2-.Ltmp0, $2  }
0x2f: {  	_ =	sdelay $0x2  }
0x30: {  	s1 =	sshra.s32 s17, $0x2  }
0x31: {  	[tilespmem:s1+$0x11180] =	vst v2  }
0x32: {  	[tilespmem:s1+$0x15180] =	vst v2;
	s29 =	simm.s32 $0x0  }
.LBB2_4:
0x33: {  	p0 =	seq.s32 s29, $0x0  }
0x34: {  	s0 =	simm.s32 @!p0 $0x1  }
0x35: {  	_ =	swait.ge @!p0 [sflag:s0], $0x4000  }
0x36: {  	[sflag:s0] =	ssyncset.done @!p0 $0x0  }
0x37: {  	s30 =	sshll.u32 s29, $0x1;
	[sflag:s0] =	ssyncadd.s32 @!p0 $0xFFFFC000  }
0x38: {  	v17 =	vld.msk [tilespmem:s30+$0x10600 ss:$0x0], $0xffff  }
0x39: {  	s21 =	simm.s32 $0x200;
	v18 =	vld.msk [tilespmem:s30+$0x10680 ss:$0x0], $0xffff  }
0x3a: {  	v20 =	vld [tilespmem:s21+$0x0]  }
0x3b: {  	v21 =	vld [tilespmem:s28+$0x0]  }
0x3c: {  	s0 =	simm.s32 $0x400;
	v19 =	vld.msk [tilespmem:s30+$0x10700 ss:$0x0], $0xffff  }
0x3d: {  	v22 =	vld [tilespmem:s0+$0x0];
	_ =	sdelay $0x2  }
0x3e: {  	v21 =	vsub.f32 v21, v17;
	v20 =	vsub.f32 v20, v18;
	_ =	sdelay $0x1  }
0x3f: {  	v22 =	vsub.f32 v22, v19;
	v23 =	vmul.f32 v21, v21;
	v24 =	vmul.f32 v20, v20;
	_ =	sdelay $0x1  }
0x40: {  	v63 =	vmul.f32 v22, v22;
	v23 =	vadd.f32 v24, v23;
	_ =	sdelay $0x1  }
0x41: {  	v23 =	vadd.f32 v63, v23;
	_ =	sdelay $0x1  }
0x42: {  	vm0 =	vle.f32 v23, $1.599999960e-01  }
0x43: {  	[tilespmem:s28+$0x10780] =	vst.msk vm0, v21;
	v21 =	vmpcnt.ones.xlane vm0  }
0x44: {  	[tilespmem:s28+$0x10A00] =	vst.msk vm0, v20  }
0x45: {  	v20 =	vor.u32 s28, v0;
	[tilespmem:s28+$0x10C80] =	vst.msk vm0, v22;
	(v2sf) =	vpush v21, $0x0  }
0x46: {  	s18 =	simm.s32 $0x210;
	[tilespmem:s28+$0x10F00] =	vst.msk vm0, v20  }
0x47: {  	s1 =	simm.s32 $0x10;
	s19 =	simm.s32 $0x20;
	v20 =	vld [tilespmem:s18+$0x0]  }
0x48: {  	s17 =	simm.s32 $0x0;
	s20 =	simm.s32 $0x10;
	s31 =	sadd.s32 s4, s30;
	v21 =	vld [tilespmem:s1+$0x0]  }
.LBB2_5:
0x49: {  	p1 =	sne.s32 s19, $0x1F0;
	s0 =	sadd.s32 $0x10, s0  }
0x4a: {  	v22 =	vld [tilespmem:s0+$0x0];
	_ =	sdelay $0x2  }
0x4b: {  	v20 =	vsub.f32 v20, v18;
	v21 =	vsub.f32 v21, v17;
	_ =	sdelay $0x1  }
0x4c: {  	v24 =	vmul.f32 v20, v20;
	v22 =	vsub.f32 v22, v19;
	v23 =	vmul.f32 v21, v21;
	_ =	sdelay $0x1  }
0x4d: {  	v23 =	vadd.f32 v24, v23;
	v24 =	vmul.f32 v22, v22;
	_ =	sdelay $0x1  }
0x4e: {  	v23 =	vadd.f32 v24, v23  }
0x4f: {  	s21 =	spop (v2sf)  }
0x50: {  	vm0 =	vle.f32 v23, $1.599999960e-01;
	s17 =	sadd.s32 s17, s21  }
0x51: {  	v23 =	vmpcnt.ones.xlane vm0;
	[tilespmem:s17+$0x10780] =	vst.msk vm0, v21  }
.Ltmp1:
0x52: {  	[tilespmem:s17+$0x10A00] =	vst.msk vm0, v20;
	(pc) =	sbr.rel @p1 .LBB2_5-.Ltmp1, $4  }
0x53: {  	v20 =	vor.u32 s1, v0;
	s1 =	smov.u32 s19;
	[tilespmem:s17+$0x10C80] =	vst.msk vm0, v22;
	(v2sf) =	vpush v23, $0x0  }
0x54: {  	s18 =	sadd.s32 $0x10, s18;
	[tilespmem:s17+$0x10F00] =	vst.msk vm0, v20  }
0x55: {  	s20 =	sadd.s32 $0x10, s20;
	v20 =	vld [tilespmem:s18+$0x0]  }
0x56: {  	s19 =	sadd.s32 $0x10, s19;
	v21 =	vld [tilespmem:s20+$0x0]  }
0x57: {  	s0 =	sadd.s32 $0x10, s0  }
0x58: {  	v22 =	vld [tilespmem:s0+$0x0];
	_ =	sdelay $0x2  }
0x59: {  	v18 =	vsub.f32 v20, v18;
	v17 =	vsub.f32 v21, v17;
	_ =	sdelay $0x1  }
0x5a: {  	v59 =	vmul.f32 v18, v18;
	v19 =	vsub.f32 v22, v19;
	v58 =	vmul.f32 v17, v17;
	_ =	sdelay $0x1  }
0x5b: {  	v20 =	vadd.f32 v59, v58;
	v60 =	vmul.f32 v19, v19;
	_ =	sdelay $0x1  }
0x5c: {  	v20 =	vadd.f32 v60, v20;
	_ =	sdelay $0x1  }
0x5d: {  	vm0 =	vle.f32 v20, $1.599999960e-01  }
0x5e: {  	v20 =	vmpcnt.ones.xlane vm0;
	_ =	sdelay $0x1  }
0x5f: {  	(v2sf) =	vpush v20, $0x0;
	_ =	sdelay $0x7  }
0x60: {  	s19 =	spop (v2sf)  }
0x61: {  	s0 =	sadd.s32 s17, s19  }
0x62: {  	[tilespmem:s0+$0x10780] =	vst.msk vm0, v17  }
0x63: {  	[tilespmem:s0+$0x10A00] =	vst.msk vm0, v18  }
0x64: {  	v17 =	vor.u32 s1, v0;
	[tilespmem:s0+$0x10C80] =	vst.msk vm0, v19  }
0x65: {  	[tilespmem:s0+$0x10F00] =	vst.msk vm0, v17  }
0x66: {  	v17 =	vld [tilespmem:$0x10780]  }
0x67: {  	v18 =	vld [tilespmem:$0x10A00];
	s20 =	spop (v2sf)  }
0x68: {  	v19 =	vld [tilespmem:$0x10C80];
	s0 =	sadd.s32 s0, s20  }
0x69: {  	p1 =	slt.s32 s0, $0x40;
	s1 =	smov.u32 s0  }
0x6a: {  	s1 =	simm.s32 @!p1 $0x40  }
0x6b: {  	v62 =	vbroadcast v17, $0x0;
	v61 =	vmov s1  }
0x6c: {  	v63 =	vbroadcast v18, $0x0;
	vm12 =	vgt.s32 v61, v0  }
0x6d: {  	v24 =	vbroadcast v19, $0x0;
	v17 =	vsel vm12, v17, v62  }
0x6e: {  	v23 =	vld [tilespmem:$0x10F00];
	v18 =	vsel vm12, v18, v63;
	[tilespmem:v1+s22+$0x0] =	vst.idx.msk $0xffff, v17  }
0x6f: {  	v17 =	vsel vm12, v19, v24;
	[tilespmem:v3+s22+$0x0] =	vst.idx.msk $0xffff, v18  }
0x70: {  	[tilespmem:v4+s22+$0x0] =	vst.idx.msk $0xffff, v17  }
0x71: {  	v17 =	vld [tilespmem:$0x10790]  }
0x72: {  	v18 =	vld [tilespmem:$0x10A10]  }
0x73: {  	v19 =	vld [tilespmem:$0x10C90];
	_ =	sdelay $0x1  }
0x74: {  	vm13 =	vgt.s32 v61, v5  }
0x75: {  	v17 =	vsel vm13, v17, v62  }
0x76: {  	v18 =	vsel vm13, v18, v63;
	[tilespmem:v6+s22+$0x0] =	vst.idx.msk $0xffff, v17  }
0x77: {  	v17 =	vsel vm13, v19, v24;
	[tilespmem:v7+s22+$0x0] =	vst.idx.msk $0xffff, v18  }
0x78: {  	[tilespmem:v8+s22+$0x0] =	vst.idx.msk $0xffff, v17  }
0x79: {  	v17 =	vld [tilespmem:$0x107A0]  }
0x7a: {  	v18 =	vld [tilespmem:$0x10A20]  }
0x7b: {  	v19 =	vld [tilespmem:$0x10CA0];
	_ =	sdelay $0x1  }
0x7c: {  	vm14 =	vgt.s32 v61, v9  }
0x7d: {  	v17 =	vsel vm14, v17, v62  }
0x7e: {  	[tilespmem:v10+s22+$0x0] =	vst.idx.msk $0xffff, v17;
	v17 =	vsel vm14, v18, v63  }
0x7f: {  	v18 =	vsel vm14, v19, v24;
	[tilespmem:v11+s22+$0x0] =	vst.idx.msk $0xffff, v17  }
0x80: {  	[tilespmem:v12+s22+$0x0] =	vst.idx.msk $0xffff, v18  }
0x81: {  	v17 =	vld [tilespmem:$0x107B0]  }
0x82: {  	v18 =	vld [tilespmem:$0x10A30]  }
0x83: {  	v19 =	vld [tilespmem:$0x10CB0];
	_ =	sdelay $0x1  }
0x84: {  	vm15 =	vgt.s32 v61, v13  }
0x85: {  	v17 =	vsel vm15, v17, v62  }
0x86: {  	v18 =	vsel vm15, v18, v63;
	[tilespmem:v14+s22+$0x0] =	vst.idx.msk $0xffff, v17  }
0x87: {  	v17 =	vsel vm15, v19, v24;
	[tilespmem:v15+s22+$0x0] =	vst.idx.msk $0xffff, v18  }
0x88: {  	s21 =	simm.s32 $0x10F00;
	[tilespmem:v16+s22+$0x0] =	vst.idx.msk $0xffff, v17  }
0x89: {  	v17 =	vld [tilespmem:s21+$0x0];
	_ =	sdelay $0x3  }
0x8a: {  	(v2sf) =	vpush v23, $0x0  }
0x8b: {  	(v2sf) =	vpush v17, $0x0;
	_ =	sdelay $0xd  }
0x8c: {  	s6 =	spop (v2sf)  }
0x8d: {  	p1 =	sgt.s32 s0, $0x0;
	s18 =	smov.u32 s6;
	s17 =	spop (v2sf)  }
0x8e: {  	s18 =	smov.u32 @p1 s17  }
0x8f: {  	s17 =	sshll.u32 s18, $0x9  }
0x90: {  	s18 =	sshra.s32 s17, $0x2  }
0x91: {  	v17 =	vld [tilespmem:s18+$0x600];
	_ =	sdelay $0x3  }
0x92: {  	s17 =	simm.s32 $0x111C3  }
0x93: {  	[tilespmem:s17+$0xFFFFFFC0] =	vst v17  }
0x94: {  	v17 =	vld [tilespmem:s18+$0x610];
	_ =	sdelay $0x4  }
0x95: {  	[tilespmem:s17+$0xFFFFFFD0] =	vst v17  }
0x96: {  	v17 =	vld [tilespmem:s18+$0x620];
	_ =	sdelay $0x4  }
0x97: {  	[tilespmem:s17+$0xFFFFFFE0] =	vst v17  }
0x98: {  	v17 =	vld [tilespmem:s18+$0x630];
	_ =	sdelay $0x4  }
0x99: {  	[tilespmem:s17+$0xFFFFFFF0] =	vst v17  }
0x9a: {  	v17 =	vld [tilespmem:s18+$0x640];
	_ =	sdelay $0x4  }
0x9b: {  	[tilespmem:s17+$0x0] =	vst v17  }
0x9c: {  	v17 =	vld [tilespmem:s18+$0x650];
	_ =	sdelay $0x4  }
0x9d: {  	[tilespmem:s17+$0x10] =	vst v17  }
0x9e: {  	v17 =	vld [tilespmem:s18+$0x660];
	_ =	sdelay $0x4  }
0x9f: {  	[tilespmem:s17+$0x20] =	vst v17  }
0xa0: {  	v17 =	vld [tilespmem:s18+$0x670];
	_ =	sdelay $0x4  }
0xa1: {  	s18 =	simm.s32 $0x10F01;
	[tilespmem:s17+$0x30] =	vst v17  }
0xa2: {  	s19 =	simm.s32 $0x1;
	s20 =	simm.s32 $0x2;
	v17 =	vld [tilespmem:s18+$0x0]  }
.LBB2_7:
0xa3: {  	p1 =	sne.s32 s20, $0x3F;
	_ =	sdelay $0x3  }
0xa4: {  	(v2sf) =	vpush v17, $0x0;
	_ =	sdelay $0xd  }
0xa5: {  	p2 =	sgt.s32 s0, s19  }
0xa6: {  	s19 =	smov.u32 s20;
	s1 =	smov.u32 s6;
	s21 =	spop (v2sf)  }
0xa7: {  	s1 =	smov.u32 @p2 s21  }
0xa8: {  	s1 =	sshll.u32 s1, $0x9  }
0xa9: {  	s1 =	sshra.s32 s1, $0x2  }
0xaa: {  	v17 =	vld [tilespmem:s1+$0x600];
	_ =	sdelay $0x3  }
0xab: {  	s17 =	sadd.s32 $0x100, s17  }
0xac: {  	[tilespmem:s17+$0xFFFFFFC0] =	vst v17  }
0xad: {  	v17 =	vld [tilespmem:s1+$0x610];
	_ =	sdelay $0x4  }
0xae: {  	[tilespmem:s17+$0xFFFFFFD0] =	vst v17  }
0xaf: {  	v17 =	vld [tilespmem:s1+$0x620];
	_ =	sdelay $0x4  }
0xb0: {  	[tilespmem:s17+$0xFFFFFFE0] =	vst v17  }
0xb1: {  	v17 =	vld [tilespmem:s1+$0x630];
	_ =	sdelay $0x4  }
0xb2: {  	[tilespmem:s17+$0xFFFFFFF0] =	vst v17  }
0xb3: {  	v17 =	vld [tilespmem:s1+$0x640];
	_ =	sdelay $0x4  }
0xb4: {  	[tilespmem:s17+$0x0] =	vst v17  }
0xb5: {  	v17 =	vld [tilespmem:s1+$0x650];
	_ =	sdelay $0x4  }
0xb6: {  	[tilespmem:s17+$0x10] =	vst v17  }
0xb7: {  	v17 =	vld [tilespmem:s1+$0x660];
	_ =	sdelay $0x4  }
0xb8: {  	[tilespmem:s17+$0x20] =	vst v17  }
0xb9: {  	v17 =	vld [tilespmem:s1+$0x670];
	_ =	sdelay $0x1  }
.Ltmp2:
0xba: {  	(pc) =	sbr.rel @p1 .LBB2_7-.Ltmp2, $3  }
0xbb: {  	_ =	sdelay $0x1  }
0xbc: {  	s18 =	sadd.s32 $0x1, s18;
	[tilespmem:s17+$0x30] =	vst v17  }
0xbd: {  	s20 =	sadd.s32 $0x1, s20;
	v17 =	vld [tilespmem:s18+$0x0]  }
0xbe: {  	_ =	sdelay $0x3  }
0xbf: {  	(v2sf) =	vpush v17, $0x0;
	_ =	sdelay $0xe  }
0xc0: {  	p1 =	sgt.s32 s0, s19;
	s0 =	spop (v2sf)  }
0xc1: {  	s6 =	smov.u32 @p1 s0  }
0xc2: {  	s0 =	sshll.u32 s6, $0x9  }
0xc3: {  	s0 =	sshra.s32 s0, $0x2  }
0xc4: {  	v17 =	vld [tilespmem:s0+$0x600];
	_ =	sdelay $0x3  }
0xc5: {  	s1 =	sadd.s32 $0x100, s17  }
0xc6: {  	[tilespmem:s1+$0xFFFFFFC0] =	vst v17  }
0xc7: {  	v17 =	vld [tilespmem:s0+$0x610];
	_ =	sdelay $0x4  }
0xc8: {  	[tilespmem:s1+$0xFFFFFFD0] =	vst v17  }
0xc9: {  	v17 =	vld [tilespmem:s0+$0x620];
	_ =	sdelay $0x4  }
0xca: {  	[tilespmem:s1+$0xFFFFFFE0] =	vst v17  }
0xcb: {  	v17 =	vld [tilespmem:s0+$0x630];
	_ =	sdelay $0x4  }
0xcc: {  	[tilespmem:s1+$0xFFFFFFF0] =	vst v17  }
0xcd: {  	v17 =	vld [tilespmem:s0+$0x640];
	_ =	sdelay $0x4  }
0xce: {  	[tilespmem:s1+$0x0] =	vst v17  }
0xcf: {  	v17 =	vld [tilespmem:s0+$0x650];
	_ =	sdelay $0x4  }
0xd0: {  	[tilespmem:s1+$0x10] =	vst v17  }
0xd1: {  	v17 =	vld [tilespmem:s0+$0x660];
	_ =	sdelay $0x4  }
0xd2: {  	[tilespmem:s1+$0x20] =	vst v17  }
0xd3: {  	v17 =	vld [tilespmem:s0+$0x670];
	_ =	sdelay $0x1  }
0xd4: {  	s20 =	sshll.u32 s31, $0x11  }
0xd5: {  	s0 =	sor.u32 s3, s20  }
0xd6: {  	s0 =	sshrl.u32 s0, $0x3  }
0xd7: {  	s0 =	sadd.s32 s5, s0;
	[tilespmem:s1+$0x30] =	vst v17  }
0xd8: {  	[hbm4b:s0+s14] =	stream.strided.scatter [tilespmem:s22], [sflag:$0x1], $0x4000, s15, s14, $0x38;
	[tilespmem:$0x19180] =	vst v63  }
0xd9: {  	s0 =	simm.s32 @!p0 $0x2  }
0xda: {  	_ =	swait.ge @!p0 [sflag:s0], $0x4000  }
0xdb: {  	[sflag:s0] =	ssyncset.done @!p0 $0x0  }
0xdc: {  	s21 =	sor.u32 $0x1, s30;
	[sflag:s0] =	ssyncadd.s32 @!p0 $0xFFFFC000  }
0xdd: {  	v17 =	vld.msk [tilespmem:s21+$0x10600 ss:$0x0], $0xffff  }
0xde: {  	s31 =	simm.s32 $0x200;
	v18 =	vld.msk [tilespmem:s21+$0x10680 ss:$0x0], $0xffff  }
0xdf: {  	s0 =	simm.s32 $0x0;
	v20 =	vld [tilespmem:s31+$0x0]  }
0xe0: {  	v21 =	vld [tilespmem:s0+$0x0]  }
0xe1: {  	s1 =	simm.s32 $0x400;
	v19 =	vld.msk [tilespmem:s21+$0x10700 ss:$0x0], $0xffff  }
0xe2: {  	v22 =	vld [tilespmem:s1+$0x0];
	_ =	sdelay $0x2  }
0xe3: {  	v21 =	vsub.f32 v21, v17;
	v20 =	vsub.f32 v20, v18;
	_ =	sdelay $0x1  }
0xe4: {  	v22 =	vsub.f32 v22, v19;
	v23 =	vmul.f32 v21, v21;
	v24 =	vmul.f32 v20, v20;
	_ =	sdelay $0x1  }
0xe5: {  	v63 =	vmul.f32 v22, v22;
	v23 =	vadd.f32 v24, v23;
	_ =	sdelay $0x1  }
0xe6: {  	v23 =	vadd.f32 v63, v23;
	_ =	sdelay $0x1  }
0xe7: {  	vm0 =	vle.f32 v23, $1.599999960e-01  }
0xe8: {  	[tilespmem:s0+$0x10780] =	vst.msk vm0, v21;
	v21 =	vmpcnt.ones.xlane vm0  }
0xe9: {  	[tilespmem:s0+$0x10A00] =	vst.msk vm0, v20  }
0xea: {  	v20 =	vor.u32 s0, v0;
	[tilespmem:s0+$0x10C80] =	vst.msk vm0, v22;
	(v2sf) =	vpush v21, $0x0  }
0xeb: {  	s18 =	simm.s32 $0x210;
	[tilespmem:s0+$0x10F00] =	vst.msk vm0, v20  }
0xec: {  	s17 =	simm.s32 $0x10;
	v20 =	vld [tilespmem:s18+$0x0]  }
0xed: {  	s19 =	simm.s32 $0x20;
	s30 =	sadd.s32 s4, s21;
	s20 =	simm.s32 $0x10;
	v21 =	vld [tilespmem:s17+$0x0]  }
.LBB2_9:
0xee: {  	p0 =	sne.s32 s19, $0x1F0;
	s1 =	sadd.s32 $0x10, s1  }
0xef: {  	v22 =	vld [tilespmem:s1+$0x0];
	_ =	sdelay $0x2  }
0xf0: {  	v20 =	vsub.f32 v20, v18;
	v21 =	vsub.f32 v21, v17;
	_ =	sdelay $0x1  }
0xf1: {  	v24 =	vmul.f32 v20, v20;
	v22 =	vsub.f32 v22, v19;
	v23 =	vmul.f32 v21, v21;
	_ =	sdelay $0x1  }
0xf2: {  	v23 =	vadd.f32 v24, v23;
	v24 =	vmul.f32 v22, v22;
	_ =	sdelay $0x1  }
0xf3: {  	v23 =	vadd.f32 v24, v23  }
0xf4: {  	s6 =	spop (v2sf)  }
0xf5: {  	vm0 =	vle.f32 v23, $1.599999960e-01;
	s0 =	sadd.s32 s0, s6  }
0xf6: {  	v23 =	vmpcnt.ones.xlane vm0;
	[tilespmem:s0+$0x10780] =	vst.msk vm0, v21  }
.Ltmp3:
0xf7: {  	[tilespmem:s0+$0x10A00] =	vst.msk vm0, v20;
	(pc) =	sbr.rel @p0 .LBB2_9-.Ltmp3, $4  }
0xf8: {  	v20 =	vor.u32 s17, v0;
	s17 =	smov.u32 s19;
	[tilespmem:s0+$0x10C80] =	vst.msk vm0, v22;
	(v2sf) =	vpush v23, $0x0  }
0xf9: {  	s18 =	sadd.s32 $0x10, s18;
	[tilespmem:s0+$0x10F00] =	vst.msk vm0, v20  }
0xfa: {  	s20 =	sadd.s32 $0x10, s20;
	v20 =	vld [tilespmem:s18+$0x0]  }
0xfb: {  	s19 =	sadd.s32 $0x10, s19;
	v21 =	vld [tilespmem:s20+$0x0]  }
0xfc: {  	s1 =	sadd.s32 $0x10, s1  }
0xfd: {  	v22 =	vld [tilespmem:s1+$0x0];
	_ =	sdelay $0x2  }
0xfe: {  	v18 =	vsub.f32 v20, v18;
	v17 =	vsub.f32 v21, v17;
	_ =	sdelay $0x1  }
0xff: {  	v59 =	vmul.f32 v18, v18;
	v19 =	vsub.f32 v22, v19;
	v58 =	vmul.f32 v17, v17;
	_ =	sdelay $0x1  }
0x100: {  	v20 =	vadd.f32 v59, v58;
	v60 =	vmul.f32 v19, v19;
	_ =	sdelay $0x1  }
0x101: {  	v20 =	vadd.f32 v60, v20;
	_ =	sdelay $0x1  }
0x102: {  	vm0 =	vle.f32 v20, $1.599999960e-01  }
0x103: {  	v20 =	vmpcnt.ones.xlane vm0;
	_ =	sdelay $0x1  }
0x104: {  	(v2sf) =	vpush v20, $0x0;
	_ =	sdelay $0x7  }
0x105: {  	s20 =	spop (v2sf)  }
0x106: {  	s0 =	sadd.s32 s0, s20  }
0x107: {  	[tilespmem:s0+$0x10780] =	vst.msk vm0, v17  }
0x108: {  	[tilespmem:s0+$0x10A00] =	vst.msk vm0, v18  }
0x109: {  	v17 =	vor.u32 s17, v0;
	[tilespmem:s0+$0x10C80] =	vst.msk vm0, v19  }
0x10a: {  	[tilespmem:s0+$0x10F00] =	vst.msk vm0, v17  }
0x10b: {  	v17 =	vld [tilespmem:$0x10780]  }
0x10c: {  	v18 =	vld [tilespmem:$0x10A00];
	s21 =	spop (v2sf)  }
0x10d: {  	v19 =	vld [tilespmem:$0x10C80];
	s0 =	sadd.s32 s0, s21  }
0x10e: {  	p0 =	slt.s32 s0, $0x40;
	s1 =	smov.u32 s0  }
0x10f: {  	s1 =	simm.s32 @!p0 $0x40  }
0x110: {  	v62 =	vbroadcast v17, $0x0;
	v61 =	vmov s1  }
0x111: {  	v63 =	vbroadcast v18, $0x0;
	vm12 =	vgt.s32 v61, v0  }
0x112: {  	v24 =	vbroadcast v19, $0x0;
	v17 =	vsel vm12, v17, v62  }
0x113: {  	v23 =	vld [tilespmem:$0x10F00];
	v18 =	vsel vm12, v18, v63;
	[tilespmem:v1+s23+$0x0] =	vst.idx.msk $0xffff, v17  }
0x114: {  	v17 =	vsel vm12, v19, v24;
	[tilespmem:v3+s23+$0x0] =	vst.idx.msk $0xffff, v18  }
0x115: {  	[tilespmem:v4+s23+$0x0] =	vst.idx.msk $0xffff, v17  }
0x116: {  	v17 =	vld [tilespmem:$0x10790]  }
0x117: {  	v18 =	vld [tilespmem:$0x10A10]  }
0x118: {  	v19 =	vld [tilespmem:$0x10C90];
	_ =	sdelay $0x1  }
0x119: {  	vm13 =	vgt.s32 v61, v5  }
0x11a: {  	v17 =	vsel vm13, v17, v62  }
0x11b: {  	v18 =	vsel vm13, v18, v63;
	[tilespmem:v6+s23+$0x0] =	vst.idx.msk $0xffff, v17  }
0x11c: {  	v17 =	vsel vm13, v19, v24;
	[tilespmem:v7+s23+$0x0] =	vst.idx.msk $0xffff, v18  }
0x11d: {  	[tilespmem:v8+s23+$0x0] =	vst.idx.msk $0xffff, v17  }
0x11e: {  	v17 =	vld [tilespmem:$0x107A0]  }
0x11f: {  	v18 =	vld [tilespmem:$0x10A20]  }
0x120: {  	v19 =	vld [tilespmem:$0x10CA0];
	_ =	sdelay $0x1  }
0x121: {  	vm14 =	vgt.s32 v61, v9  }
0x122: {  	v17 =	vsel vm14, v17, v62  }
0x123: {  	[tilespmem:v10+s23+$0x0] =	vst.idx.msk $0xffff, v17;
	v17 =	vsel vm14, v18, v63  }
0x124: {  	v18 =	vsel vm14, v19, v24;
	[tilespmem:v11+s23+$0x0] =	vst.idx.msk $0xffff, v17  }
0x125: {  	[tilespmem:v12+s23+$0x0] =	vst.idx.msk $0xffff, v18  }
0x126: {  	v17 =	vld [tilespmem:$0x107B0]  }
0x127: {  	v18 =	vld [tilespmem:$0x10A30]  }
0x128: {  	v19 =	vld [tilespmem:$0x10CB0];
	_ =	sdelay $0x1  }
0x129: {  	vm15 =	vgt.s32 v61, v13  }
0x12a: {  	v17 =	vsel vm15, v17, v62  }
0x12b: {  	v18 =	vsel vm15, v18, v63;
	[tilespmem:v14+s23+$0x0] =	vst.idx.msk $0xffff, v17  }
0x12c: {  	v17 =	vsel vm15, v19, v24;
	[tilespmem:v15+s23+$0x0] =	vst.idx.msk $0xffff, v18  }
0x12d: {  	s31 =	simm.s32 $0x10F00;
	[tilespmem:v16+s23+$0x0] =	vst.idx.msk $0xffff, v17  }
0x12e: {  	v17 =	vld [tilespmem:s31+$0x0];
	_ =	sdelay $0x3  }
0x12f: {  	(v2sf) =	vpush v23, $0x0  }
0x130: {  	(v2sf) =	vpush v17, $0x0;
	_ =	sdelay $0xd  }
0x131: {  	s1 =	spop (v2sf)  }
0x132: {  	p0 =	sgt.s32 s0, $0x0;
	s17 =	smov.u32 s1;
	s6 =	spop (v2sf)  }
0x133: {  	s17 =	smov.u32 @p0 s6  }
0x134: {  	s6 =	sshll.u32 s17, $0x9  }
0x135: {  	s6 =	sshra.s32 s6, $0x2  }
0x136: {  	v17 =	vld [tilespmem:s6+$0x600];
	_ =	sdelay $0x3  }
0x137: {  	s17 =	simm.s32 $0x151C3  }
0x138: {  	[tilespmem:s17+$0xFFFFFFC0] =	vst v17  }
0x139: {  	v17 =	vld [tilespmem:s6+$0x610];
	_ =	sdelay $0x4  }
0x13a: {  	[tilespmem:s17+$0xFFFFFFD0] =	vst v17  }
0x13b: {  	v17 =	vld [tilespmem:s6+$0x620];
	_ =	sdelay $0x4  }
0x13c: {  	[tilespmem:s17+$0xFFFFFFE0] =	vst v17  }
0x13d: {  	v17 =	vld [tilespmem:s6+$0x630];
	_ =	sdelay $0x4  }
0x13e: {  	[tilespmem:s17+$0xFFFFFFF0] =	vst v17  }
0x13f: {  	v17 =	vld [tilespmem:s6+$0x640];
	_ =	sdelay $0x4  }
0x140: {  	[tilespmem:s17+$0x0] =	vst v17  }
0x141: {  	v17 =	vld [tilespmem:s6+$0x650];
	_ =	sdelay $0x4  }
0x142: {  	[tilespmem:s17+$0x10] =	vst v17  }
0x143: {  	v17 =	vld [tilespmem:s6+$0x660];
	_ =	sdelay $0x4  }
0x144: {  	[tilespmem:s17+$0x20] =	vst v17  }
0x145: {  	v17 =	vld [tilespmem:s6+$0x670];
	_ =	sdelay $0x4  }
0x146: {  	s18 =	simm.s32 $0x10F01;
	[tilespmem:s17+$0x30] =	vst v17  }
0x147: {  	s19 =	simm.s32 $0x1;
	s20 =	simm.s32 $0x2;
	v17 =	vld [tilespmem:s18+$0x0]  }
.LBB2_11:
0x148: {  	p0 =	sne.s32 s20, $0x3F;
	_ =	sdelay $0x3  }
0x149: {  	(v2sf) =	vpush v17, $0x0;
	_ =	sdelay $0xd  }
0x14a: {  	p1 =	sgt.s32 s0, s19  }
0x14b: {  	s19 =	smov.u32 s20;
	s21 =	smov.u32 s1;
	s6 =	spop (v2sf)  }
0x14c: {  	s21 =	smov.u32 @p1 s6  }
0x14d: {  	s6 =	sshll.u32 s21, $0x9  }
0x14e: {  	s6 =	sshra.s32 s6, $0x2  }
0x14f: {  	v17 =	vld [tilespmem:s6+$0x600];
	_ =	sdelay $0x3  }
0x150: {  	s17 =	sadd.s32 $0x100, s17  }
0x151: {  	[tilespmem:s17+$0xFFFFFFC0] =	vst v17  }
0x152: {  	v17 =	vld [tilespmem:s6+$0x610];
	_ =	sdelay $0x4  }
0x153: {  	[tilespmem:s17+$0xFFFFFFD0] =	vst v17  }
0x154: {  	v17 =	vld [tilespmem:s6+$0x620];
	_ =	sdelay $0x4  }
0x155: {  	[tilespmem:s17+$0xFFFFFFE0] =	vst v17  }
0x156: {  	v17 =	vld [tilespmem:s6+$0x630];
	_ =	sdelay $0x4  }
0x157: {  	[tilespmem:s17+$0xFFFFFFF0] =	vst v17  }
0x158: {  	v17 =	vld [tilespmem:s6+$0x640];
	_ =	sdelay $0x4  }
0x159: {  	[tilespmem:s17+$0x0] =	vst v17  }
0x15a: {  	v17 =	vld [tilespmem:s6+$0x650];
	_ =	sdelay $0x4  }
0x15b: {  	[tilespmem:s17+$0x10] =	vst v17  }
0x15c: {  	v17 =	vld [tilespmem:s6+$0x660];
	_ =	sdelay $0x4  }
0x15d: {  	[tilespmem:s17+$0x20] =	vst v17  }
0x15e: {  	v17 =	vld [tilespmem:s6+$0x670];
	_ =	sdelay $0x1  }
.Ltmp4:
0x15f: {  	(pc) =	sbr.rel @p0 .LBB2_11-.Ltmp4, $3  }
0x160: {  	_ =	sdelay $0x1  }
0x161: {  	s18 =	sadd.s32 $0x1, s18;
	[tilespmem:s17+$0x30] =	vst v17  }
0x162: {  	s20 =	sadd.s32 $0x1, s20;
	v17 =	vld [tilespmem:s18+$0x0]  }
0x163: {  	_ =	sdelay $0x3  }
0x164: {  	(v2sf) =	vpush v17, $0x0;
	_ =	sdelay $0xe  }
0x165: {  	p0 =	sgt.s32 s0, s19;
	s0 =	spop (v2sf)  }
0x166: {  	s1 =	smov.u32 @p0 s0  }
0x167: {  	s0 =	sshll.u32 s1, $0x9  }
0x168: {  	s0 =	sshra.s32 s0, $0x2  }
0x169: {  	v17 =	vld [tilespmem:s0+$0x600];
	_ =	sdelay $0x3  }
0x16a: {  	s21 =	sadd.s32 $0x100, s17  }
0x16b: {  	[tilespmem:s21+$0xFFFFFFC0] =	vst v17  }
0x16c: {  	v17 =	vld [tilespmem:s0+$0x610];
	_ =	sdelay $0x4  }
0x16d: {  	[tilespmem:s21+$0xFFFFFFD0] =	vst v17  }
0x16e: {  	v17 =	vld [tilespmem:s0+$0x620];
	_ =	sdelay $0x4  }
0x16f: {  	[tilespmem:s21+$0xFFFFFFE0] =	vst v17  }
0x170: {  	v17 =	vld [tilespmem:s0+$0x630];
	_ =	sdelay $0x4  }
0x171: {  	[tilespmem:s21+$0xFFFFFFF0] =	vst v17  }
0x172: {  	v17 =	vld [tilespmem:s0+$0x640];
	_ =	sdelay $0x4  }
0x173: {  	[tilespmem:s21+$0x0] =	vst v17  }
0x174: {  	v17 =	vld [tilespmem:s0+$0x650];
	_ =	sdelay $0x4  }
0x175: {  	[tilespmem:s21+$0x10] =	vst v17  }
0x176: {  	v17 =	vld [tilespmem:s0+$0x660];
	_ =	sdelay $0x4  }
0x177: {  	[tilespmem:s21+$0x20] =	vst v17  }
0x178: {  	s29 =	sadd.s32 $0x1, s29;
	v17 =	vld [tilespmem:s0+$0x670]  }
0x179: {  	p0 =	sne.s32 s29, $0x10  }
.Ltmp5:
0x17a: {  	s31 =	sshll.u32 s30, $0x11;
	(pc) =	sbr.rel @p0 .LBB2_4-.Ltmp5, $4  }
0x17b: {  	s0 =	sor.u32 s3, s31  }
0x17c: {  	s0 =	sshrl.u32 s0, $0x3  }
0x17d: {  	s0 =	sadd.s32 s5, s0;
	[tilespmem:s21+$0x30] =	vst v17  }
0x17e: {  	[hbm4b:s0+s14] =	stream.strided.scatter [tilespmem:s23], [sflag:$0x2], $0x4000, s15, s14, $0x38;
	[tilespmem:$0x19180] =	vst v63  }
0x17f: {  	s26 =	sadd.s32 $0x1, s26  }
0x180: {  	_ =	swait.ge [sflag:s24], $0x4000;
	p0 =	sne.s32 s26, s13  }
.Ltmp6:
0x181: {  	[sflag:s24] =	ssyncset.done $0x0;
	(pc) =	sbr.rel @p0 .LBB2_1-.Ltmp6, $4  }
0x182: {  	[sflag:s24] =	ssyncadd.s32 $0xFFFFC000  }
0x183: {  	_ =	swait.ge [sflag:s25], $0x4000  }
0x184: {  	[sflag:s25] =	ssyncset.done $0x0  }
0x185: {  	[sflag:s25] =	ssyncadd.s32 $0xFFFFC000  }
0x186: {  	_ =	sfence.sel $0x180000  }
0x187: {  	[bflag:$0x0] =	sbarrier.arrive $0xFFFF  }
0x188: {  	_ =	strace $0x9000004A  }
0x189: {  	s0 =	stileid.u32;
	[bflag:$0x2] =	sbarrier.arrive $0xFFFF  }
0x18a: {  	p0 =	sne.s32 s0, $0x0;
	s0 =	rddreg [dreg:$0x2]  }
0x18b: {  	s0 =	sadd.s32 @!p0 $0x100000, s0  }
0x18c: {  	[sflag:s0] =	ssyncadd.tile.s32 @!p0 $0x1;
	_ =	shalt  }
.Lfunc_end2:
_tile_overlayer_lowered:
.L_overlay_start_2:
0x18d: {  	(tag) =	ssettag $0x2  }
0x18e: {  	s0 =	rddreg [dreg:$0x0];
	s2 =	stileid.u32  }
0x18f: {  	s1 =	rddreg [dreg:$0x1];
	p0 =	sne.s32 s2, $0x0  }
0x190: {  	s3 =	rddreg [dreg:$0x2];
	[bflag:$0x3] =	sbarrier.arrive $0xFFFF;
	s2 =	simm.s32 @!p0 $0x1C03  }
0x191: {  	[timem:s3], [sflag:s2] =	dma.local @!p0 [hbm:s0], s1  }
0x192: {  	s0 =	simm.s32 @!p0 $0x3  }
0x193: {  	_ =	swait.ge @!p0 [sflag:s0], s1  }
0x194: {  	s1 =	ssub.s32 @!p0 $0x0, s1;
	[sflag:s0] =	ssyncset.done @!p0 $0x0  }
0x195: {  	[sflag:s0] =	ssyncadd.s32 @!p0 s1  }
0x196: {  	[bflag:$0x3] =	sbarrier.arrive $0xFFFF  }
0x197: {  	_ =	shalt  }

// kernel: sparse-core-data-format-call.cloned.1.call-start
scs
called_computation_lowered:
.L_overlay_start_0:
0x0: {  	s1 =	sld [smem:$0x3FD9]  }
0x1: {  	s2 =	sld [smem:$0x3FFE];
	_ =	sdelay $0x1  }
0x2: {  	s3 =	srdreg.scid  }
0x3: {  	s0 =	sand.u32 $0x1, s3  }
0x4: {  	s17 =	sshll.u32 s0, $0xA;
	s1 =	sadd.s32 s2, s1  }
0x5: {  	s1 =	sadd.s32 s1, s17  }
0x6: {  	[smem:$0x3FB3] =	sst s1  }
0x7: {  	_ = 	snop  }
0x8: {  	(tm) =	ssettm $0x1  }
0x9: {  	s18 =	sld [smem:$0x3FFB];
	_ =	sdelay $0x3  }
0xa: {  	_ =	strace s18  }
0xb: {  	s1 =	sld [smem:$0x3FFC];
	_ =	sdelay $0x3  }
0xc: {  	_ =	strace s1  }
0xd: {  	s1 =	sld [smem:$0x3FFD];
	_ =	sdelay $0x3  }
0xe: {  	_ =	strace s1  }
0xf: {  	_ =	strace $0x8FFFFFFF  }
0x10: {  	s19 =	sld [smem:$0x3FDB];
	_ =	sdelay $0x1  }
0x11: {  	s20 =	simm.s32 $_scs_section_size  }
0x12: {  	s4 =	simm.s32 $_size__tile_overlayer_lowered;
	s5 =	simm.s32 $_tile_overlayer_lowered  }
0x13: {  	s23 =	simm.s32 $0x1BFF;
	s22 =	sshll.u32 s5, $0x1;
	s1 =	sadd.s32 s20, s19  }
0x14: {  	s6 =	simm.s32 $0x0;
	s21 =	sshll.u32 s4, $0x1;
	s4 =	sadd.s32 s22, s1  }
0x15: {  	[timem:s6], [sflag:s23] =	dma.local [hbm:s4], s21  }
0x16: {  	_ =	swait.ge [sflag:s23], s21  }
0x17: {  	s2 =	ssub.s32 $0x0, s21;
	[sflag:s23] =	ssyncset.done $0x0  }
0x18: {  	[sflag:s23] =	ssyncadd.s32 s2;
	_ =	sdelay $0x1  }
0x19: {  	s24 =	simm.s32 $0x1B8B  }
0x1a: {  	_ =	swait.ge [sflag:s24], $0x1  }
0x1b: {  	[sflag:s24] =	ssyncset.done $0x0  }
0x1c: {  	s26 =	simm.s32 $0x1B8E;
	s25 =	sld [smem:$0x3FFE];
	[sflag:s24] =	ssyncadd.s32 $0xFFFFFFFF  }
0x1d: {  	s27 =	simm.s32 $execute0_lowered;
	[smem:$0x3FD2] =	sst s26  }
0x1e: {  	s4 =	sshll.u32 s27, $0x1;
	_ =	strace $0x8000004C;
	[dreg:$0x1] =	wrdreg $0xFFFFFFFF  }
0x1f: {  	s28 =	simm.s32 $_size_execute0_lowered;
	s1 =	sadd.s32 s1, s4;
	[dreg:$0x0] =	wrdreg $0x0  }
0x20: {  	s4 =	sshll.u32 s28, $0x1;
	[dreg:$0x2] =	wrdreg s1  }
0x21: {  	[dreg:$0x3] =	wrdreg s4  }
0x22: {  	[dreg:$0x4] =	wrdreg $0xC0  }
0x23: {  	_ =	task [dreg:s6], $0x5FFFF  }
0x24: {  	[dreg:$0x1] =	wrdreg $0xFFFFFFFF  }
0x25: {  	[dreg:$0x0] =	wrdreg $0x60  }
0x26: {  	[dreg:$0x2] =	wrdreg s25  }
0x27: {  	[dreg:$0x3] =	wrdreg $0x9  }
0x28: {  	_ =	task.clear_ibuf [dreg:s6], $0x4FFFF;
	_ =	strace $0x9000004C  }
0x29: {  	s29 =	simm.s32 $0x9;
	_ =	strace $0x8000004E  }
0x2a: {  	_ =	swait.ge [sflag:s29], $0x1  }
0x2b: {  	[sflag:s29] =	ssyncadd.s32 $0xFFFFFFFF  }
0x2c: {  	_ =	strace $0x9000004E  }
0x2d: {  	_ =	sfence  }
0x2e: {  	s30 =	sld [smem:$0x0];
	_ =	sdelay $0x2  }
0x2f: {  	s31 =	sshll.u32 s3, $0xD;
	s3 =	sshrl.u32 s3, $0x2  }
0x30: {  	s2 =	sand.u32 $0x4000, s31;
	s1 =	sadd.s32 s3, s30  }
0x31: {  	s0 =	sor.u32 s2, s0;
	s1 =	sshll.u32 s1, $0x11  }
0x32: {  	s0 =	sor.u32 s1, s0  }
0x33: {  	s0 =	sadd.s32 $0x8F2B, s0  }
0x34: {  	[sflag:s0] =	ssyncadd.remote.s32 $0x1  }
0x35: {  	_ =	sfence.sel $0xFFFF  }
0x36: {  	[dreg:$0x0] =	wrdreg $0xFFFFFFFF;
	(pc) =	sbr.abs _section_cstart, $3  }
0x37: {  	[dreg:$0x1] =	wrdreg $0xFFFFFFFF  }
0x38: {  	_ =	task.clear_ibuf [dreg:s6], $0x2FFFF;
	_ =	strace $0x9FFFFFFF  }
0x39: {  	(tm) =	ssettm $0x7FFFFFFF  }
tec
execute0_lowered:
.L_overlay_start_1:
0x0: {  	(tag) =	ssettag $0x1  }
0x1: {  	s0 =	srdreg.scid  }
0x2: {  	s5 =	rddreg [dreg:$0x0];
	s4 =	simm.s32 $0x1;
	s1 =	sshll.u32 s0, $0x4  }
0x3: {  	s8 =	simm.s32 $0x2;
	s0 =	stileid.u32;
	s1 =	sand.u32 $0x10, s1  }
0x4: {  	s13 =	simm.s32 $0x0;
	s9 =	simm.s32 $0x200000;
	s2 =	sor.u32 s0, s1  }
0x5: {  	s10 =	simm.s32 $0x0;
	s12 =	simm.s32 $0x0;
	s2 =	sshll.u32 s2, $0x3  }
0x6: {  	s19 =	simm.s32 $0x0;
	s3 =	sadd.s32 $0x28800, s5;
	s6 =	ssub.s32 $0x2000, s2  }
.Ltmp0:
0x7: {  	s1 =	rddreg [dreg:$0x1];
	s7 =	sand.u32 $0xF8, s6;
	(pc) =	sbr.rel .LBB1_1-.Ltmp0, $4  }
0x8: {  	_ =	strace $0x8000004D;
	p0 =	sne.s32 s7, $0x0;
	s7 =	simm.s32 $0x1  }
0x9: {  	[sflag:s4] =	ssyncpa.u1 $0x0;
	s6 =	sshrl.u32 s6, $0x8;
	s7 =	simm.s32 @!p0 $0x0  }
0xa: {  	s5 =	sadd.s32 $0x228800, s5;
	[sflag:s8] =	ssyncpa.u1 $0x0;
	s6 =	sadd.s32 s7, s6  }
0xb: {  	s8 =	simm.s32 $0x800;
	s11 =	smov.u32 s2;
	s7 =	sadd.s32 $0x1, s6  }
.LBB1_7:
0xc: {  	s15 =	sadd.s32 $0x100, s11  }
0xd: {  	p1 =	sgt.s32 s15, $0x1FFF  }
0xe: {  	s15 =	smov.u32 @p1 s2;
	p1 =	sne.s32 s12, s7  }
.Ltmp1:
0xf: {  	p0 =	slt.u32 s12, $0x2;
	(pc) =	sbr.rel @!p1 .LBB1_8-.Ltmp1, $4  }
0x10: {  	s14 =	simm.s32 @!p0 $0x2  }
0x11: {  	s16 =	sadd.s32 $0x1, s12;
	_ =	swait.ge @!p0 [sflag:s14], $0x4000  }
0x12: {  	s13 =	smov.u32 s11;
	s10 =	sadd.s32 $0x4000, s10;
	[sflag:s14] =	ssyncset.done @!p0 $0x0  }
0x13: {  	s12 =	smov.u32 s16;
	s11 =	smov.u32 s15;
	[sflag:s14] =	ssyncadd.s32 @!p0 $0xFFFFC000  }
.LBB1_1:
0x14: {  	p0 =	sge.u32 s12, s6  }
0x15: {  	s14 =	sxor.u32 @!p0 $0xFFFFFFFF, s12  }
0x16: {  	s31 =	sadd.s32 $0xFFFFFFFF, s12;
	s15 =	sshll.u32 @!p0 s11, $0x8;
	s14 =	sshll.u32 @!p0 s14, $0xE  }
0x17: {  	s16 =	simm.s32 @!p0 $0x0;
	s15 =	sadd.s32 @!p0 s3, s15;
	s14 =	sand.u32 @!p0 $0x4000, s14  }
0x18: {  	[tilespmem:s14], [sflag:$0x1] =	stream.linear.gather @!p0 [hbm4b:s15+s16], $0x4000, $0x38;
	[tilespmem:$0x10000] =	vst v63  }
0x19: {  	p0 =	sge.u32 s31, s6  }
.Ltmp2:
0x1a: {  	_ = 	snop;
	(pc) =	sbr.rel @p0 .LBB1_7-.Ltmp2, $1  }
0x1b: {  	_ =	sdelay $0x3  }
0x1c: {  	s14 =	sshll.u32 s10, $0x2;
	_ =	swait.ge [sflag:s4], $0x4000;
	s31 =	sshll.u32 s12, $0xE  }
0x1d: {  	p0 =	por $0x0, $0x0;
	s20 =	simm.s32 $0x0;
	s21 =	simm.s32 $0x0  }
0x1e: {  	s14 =	sand.u32 $0x10000, s14;
	[sflag:s4] =	ssyncset.done $0x0;
	s17 =	sand.u32 $0x4000, s31  }
0x1f: {  	s18 =	sshrl.u32 s14, $0x2;
	[sflag:s4] =	ssyncadd.s32 $0xFFFFC000;
	s14 =	sor.u32 $0x8000, s17  }
0x20: {  	s15 =	sor.u32 $0x40, s18;
	s16 =	sor.u32 $0x8410, s18;
	s18 =	sadd.s32 $0x8400, s18  }
.LBB1_3:
0x21: {  	v1 =	vld [tilespmem:s15+$0xFFFFFFD0]  }
0x22: {  	v2 =	vld [tilespmem:s15+$0x430]  }
0x23: {  	s22 =	sshll.u32 s21, $0xB;
	v4 =	vld [tilespmem:s15+$0xFFFFFFE0]  }
0x24: {  	v7 =	vld [tilespmem:s15+$0xFFFFFFF0];
	v0 =	vmov s22  }
0x25: {  	v8 =	vld [tilespmem:s15+$0x0]  }
0x26: {  	s30 =	sand.u32 $0x300, s19;
	v9 =	vld [tilespmem:s15+$0x10]  }
0x27: {  	s23 =	sand.u32 $0x80, s19;
	v10 =	vld [tilespmem:s15+$0x20];
	s22 =	sadd.s32 s30, s17  }
0x28: {  	v11 =	vld [tilespmem:s15+$0x30];
	s22 =	sadd.s32 s23, s22;
	s23 =	simm.s32 $0x1;
	[tilespmem:s16+$0x60] =	vst v2  }
0x29: {  	s31 =	sshll.u32 s20, $0x2;
	s23 =	simm.s32 @!p0 $0x0;
	[tilespmem:s16+$0xFFFFFC00] =	vst v1;
	v3 =	vld.idx.msk [tilespmem:v0+s22+$0x400 ss:$0x1], $0xffff  }
0x2a: {  	v6 =	vld [tilespmem:s15+$0x3D0];
	s23 =	sshll.u32 s23, $0x9;
	[tilespmem:s16+$0xFFFFFC10] =	vst v4;
	s22 =	sand.u32 $0xFFFFFC00, s31  }
0x2b: {  	v5 =	vld [tilespmem:s15+$0x3E0];
	[tilespmem:s16+$0xFFFFFC20] =	vst v7;
	s22 =	sor.u32 s23, s22  }
0x2c: {  	[tilespmem:s16+$0xFFFFFC30] =	vst v8;
	v4 =	vld [tilespmem:s15+$0x400];
	s22 =	sshrl.u32 s22, $0x2  }
0x2d: {  	[tilespmem:s16+$0xFFFFFC40] =	vst v9;
	v1 =	vld [tilespmem:s15+$0x410];
	s22 =	sadd.s32 s22, s18  }
0x2e: {  	[tilespmem:s22+$0x0] =	vst v3;
	v3 =	vld [tilespmem:s15+$0x3F0]  }
0x2f: {  	s26 =	simm.s32 $0x80;
	s25 =	simm.s32 $0x100;
	[tilespmem:s16+$0xFFFFFC50] =	vst v10;
	v2 =	vld [tilespmem:s15+$0x420]  }
0x30: {  	s24 =	smov.u32 s16;
	s27 =	sand.u32 $0x300, s26;
	v7 =	vld [tilespmem:s15+$0xFFFFFFC0];
	[tilespmem:s16+$0xFFFFFC60] =	vst v11;
	s23 =	sadd.s32 $0x80, s15  }
.LBB1_4:
0x31: {  	p1 =	sne.s32 s25, $0x380;
	v8 =	vld [tilespmem:s23+$0xFFFFFFD0];
	s26 =	sand.u32 $0x80, s26;
	s27 =	sadd.s32 s27, s17;
	[tilespmem:s24+$0x0] =	vst v6  }
0x32: {  	s27 =	sadd.s32 s26, s27;
	v6 =	vld [tilespmem:s23+$0x430];
	[tilespmem:s24+$0x10] =	vst v5;
	s26 =	smov.u32 s25  }
0x33: {  	v5 =	vld.idx.msk [tilespmem:v0+s27+$0x400 ss:$0x1], $0xffff;
	[tilespmem:s24+$0x20] =	vst v3  }
0x34: {  	v3 =	vld [tilespmem:s23+$0xFFFFFFE0];
	[tilespmem:s24+$0x30] =	vst v4  }
0x35: {  	v4 =	vld [tilespmem:s23+$0xFFFFFFF0];
	[tilespmem:s24+$0xFFFFFBF0] =	vst v7  }
0x36: {  	v7 =	vld [tilespmem:s23+$0x0];
	[tilespmem:s24+$0x40] =	vst v1  }
0x37: {  	v1 =	vld [tilespmem:s23+$0x10];
	[tilespmem:s24+$0x50] =	vst v2;
	s24 =	sadd.s32 $0x800, s24  }
0x38: {  	s22 =	sadd.s32 $0x800, s22;
	v2 =	vld [tilespmem:s23+$0x20];
	[tilespmem:s24+$0x60] =	vst v6  }
0x39: {  	v9 =	vld [tilespmem:s23+$0x30];
	[tilespmem:s22+$0x0] =	vst v5  }
0x3a: {  	[tilespmem:s24+$0xFFFFFC00] =	vst v8;
	v6 =	vld [tilespmem:s23+$0x3D0]  }
0x3b: {  	[tilespmem:s24+$0xFFFFFC10] =	vst v3;
	v5 =	vld [tilespmem:s23+$0x3E0]  }
.Ltmp3:
0x3c: {  	[tilespmem:s24+$0xFFFFFC20] =	vst v4;
	v3 =	vld [tilespmem:s23+$0x3F0];
	(pc) =	sbr.rel @p1 .LBB1_4-.Ltmp3, $4  }
0x3d: {  	[tilespmem:s24+$0xFFFFFC30] =	vst v7;
	v4 =	vld [tilespmem:s23+$0x400]  }
0x3e: {  	[tilespmem:s24+$0xFFFFFC40] =	vst v1;
	v1 =	vld [tilespmem:s23+$0x410]  }
0x3f: {  	[tilespmem:s24+$0xFFFFFC50] =	vst v2;
	v2 =	vld [tilespmem:s23+$0x420]  }
0x40: {  	s25 =	sadd.s32 $0x80, s25;
	s27 =	sand.u32 $0x300, s26;
	v7 =	vld [tilespmem:s23+$0xFFFFFFC0];
	[tilespmem:s24+$0xFFFFFC60] =	vst v9;
	s23 =	sadd.s32 $0x80, s23  }
0x41: {  	[tilespmem:s24+$0x0] =	vst v6  }
0x42: {  	[tilespmem:s24+$0x10] =	vst v5  }
0x43: {  	v49 =	vld [tilespmem:s23+$0x430];
	[tilespmem:s24+$0x20] =	vst v3  }
0x44: {  	v50 =	vld [tilespmem:s23+$0xFFFFFFD0];
	[tilespmem:s24+$0x30] =	vst v4  }
0x45: {  	v51 =	vld [tilespmem:s23+$0xFFFFFFE0];
	[tilespmem:s24+$0x40] =	vst v1  }
0x46: {  	v52 =	vld [tilespmem:s23+$0xFFFFFFF0];
	[tilespmem:s24+$0x50] =	vst v2  }
0x47: {  	s31 =	sadd.s32 $0x800, s24;
	v53 =	vld [tilespmem:s23+$0x0];
	[tilespmem:s24+$0xFFFFFBF0] =	vst v7  }
0x48: {  	v54 =	vld [tilespmem:s23+$0x10];
	[tilespmem:s31+$0x60] =	vst v49  }
0x49: {  	v55 =	vld [tilespmem:s23+$0x20];
	[tilespmem:s31+$0xFFFFFC00] =	vst v50  }
0x4a: {  	v56 =	vld [tilespmem:s23+$0x30];
	[tilespmem:s31+$0xFFFFFC10] =	vst v51  }
0x4b: {  	v57 =	vld [tilespmem:s23+$0x3D0];
	[tilespmem:s31+$0xFFFFFC20] =	vst v52  }
0x4c: {  	v58 =	vld [tilespmem:s23+$0x3E0];
	[tilespmem:s31+$0xFFFFFC30] =	vst v53  }
0x4d: {  	v59 =	vld [tilespmem:s23+$0x3F0];
	[tilespmem:s31+$0xFFFFFC40] =	vst v54  }
0x4e: {  	v60 =	vld [tilespmem:s23+$0x400];
	[tilespmem:s31+$0xFFFFFC50] =	vst v55  }
0x4f: {  	v61 =	vld [tilespmem:s23+$0xFFFFFFC0];
	[tilespmem:s31+$0xFFFFFC60] =	vst v56  }
0x50: {  	s25 =	sand.u32 $0x80, s26;
	s30 =	sadd.s32 s27, s17;
	v62 =	vld [tilespmem:s23+$0x410];
	[tilespmem:s31+$0x0] =	vst v57  }
0x51: {  	v63 =	vld [tilespmem:s23+$0x420];
	s21 =	sadd.s32 $0x1, s21;
	s25 =	sadd.s32 s25, s30;
	[tilespmem:s31+$0x10] =	vst v58  }
0x52: {  	p1 =	sne.s32 s21, $0x8;
	v0 =	vld.idx.msk [tilespmem:v0+s25+$0x400 ss:$0x1], $0xffff;
	[tilespmem:s31+$0x20] =	vst v59  }
.Ltmp4:
0x53: {  	[tilespmem:s31+$0x30] =	vst v60;
	(pc) =	sbr.rel @p1 .LBB1_3-.Ltmp4, $4  }
0x54: {  	[tilespmem:s31+$0xFFFFFBF0] =	vst v61  }
0x55: {  	[tilespmem:s31+$0x40] =	vst v62  }
0x56: {  	s22 =	sadd.s32 $0x800, s22;
	s15 =	sadd.s32 $0x800, s15;
	[tilespmem:s31+$0x50] =	vst v63  }
0x57: {  	s20 =	sadd.s32 $0x80, s20;
	p0 =	por !p0, !p0;
	s16 =	sadd.s32 $0x80, s16;
	[tilespmem:s22+$0x0] =	vst v0  }
0x58: {  	s15 =	sshll.u32 s13, $0x8;
	s31 =	sshll.u32 s13, $0x7  }
.Ltmp5:
0x59: {  	s15 =	sand.u32 $0x1FF800, s15;
	s13 =	sand.u32 $0x380, s31;
	(pc) =	sbr.rel .LBB1_7-.Ltmp5, $4  }
0x5a: {  	s13 =	sor.u32 s13, s15  }
0x5b: {  	s13 =	sshrl.u32 s13, $0x3  }
0x5c: {  	s13 =	sadd.s32 s5, s13  }
0x5d: {  	[hbm4b:s13+s8] =	stream.strided.scatter [tilespmem:s14], [sflag:$0x2], $0x4000, s9, s8, $0x38;
	[tilespmem:$0x10000] =	vst v63  }
.LBB1_8:
0x5e: {  	_ =	sfence.sel $0x180000  }
0x5f: {  	s2 =	simm.s32 $0x1;
	[bflag:$0x0] =	sbarrier.arrive $0xFFFF  }
0x60: {  	s31 =	simm.s32 $0x2;
	[sflag:s2] =	ssyncpa.u1 $0x1  }
0x61: {  	[sflag:s31] =	ssyncpa.u1 $0x1  }
0x62: {  	p0 =	sne.s32 s0, $0x0;
	_ =	strace $0x9000004D  }
0x63: {  	s0 =	sadd.s32 @!p0 $0x100000, s1;
	[bflag:$0x2] =	sbarrier.arrive $0xFFFF  }
0x64: {  	[sflag:s0] =	ssyncadd.tile.s32 @!p0 $0x1;
	_ =	shalt  }
.Lfunc_end1:
_tile_overlayer_lowered:
.L_overlay_start_2:
0x65: {  	(tag) =	ssettag $0x2  }
0x66: {  	s0 =	rddreg [dreg:$0x0];
	s2 =	stileid.u32  }
0x67: {  	s1 =	rddreg [dreg:$0x1];
	p0 =	sne.s32 s2, $0x0  }
0x68: {  	s3 =	rddreg [dreg:$0x2];
	[bflag:$0x3] =	sbarrier.arrive $0xFFFF;
	s2 =	simm.s32 @!p0 $0x1C01  }
0x69: {  	[timem:s3], [sflag:s2] =	dma.local @!p0 [hbm:s0], s1  }
0x6a: {  	s0 =	simm.s32 @!p0 $0x1  }
0x6b: {  	_ =	swait.ge @!p0 [sflag:s0], s1  }
0x6c: {  	s1 =	ssub.s32 @!p0 $0x0, s1;
	[sflag:s0] =	ssyncset.done @!p0 $0x0  }
0x6d: {  	[sflag:s0] =	ssyncadd.s32 @!p0 s1  }
0x6e: {  	[bflag:$0x3] =	sbarrier.arrive $0xFFFF  }
0x6f: {  	_ =	shalt  }

</sc_bundles>
